<compile_context>
chip_gen: v7x
topology: tpu7x:2x2x1
jax: 0.10.2.dev20260603
libtpu: 0.0.44.dev20260713+nightly
codegen_flags: <defaults>
</compile_context>

<pallas_src>
import functools
import math

import jax
import jax.numpy as jnp
from jax import lax
from jax.experimental import pallas as pl
from jax.experimental.pallas import tpu as pltpu
from jax.experimental.pallas import tpu_sc as plsc

_NODE_NUM = 100000
_NUM_LAYER = 2
_L1 = _NUM_LAYER + 1
_RP_DIM = int(10 * math.log(3200000))
_DPAD = 152
_B = 4096
_IDS = 2 * _B
_NW = 32
_KMAX = 5

_BS = 512
_GRID = _B // _BS


def _sc_gather(table, ids):
    mesh = plsc.VectorSubcoreMesh(core_axis_name="c", subcore_axis_name="s")

    @functools.partial(
        pl.kernel,
        out_type=jax.ShapeDtypeStruct((_L1 * _DPAD, _IDS), jnp.float32),
        mesh=mesh,
        scratch_types=[
            pltpu.VMEM((_IDS,), jnp.int32),
            pltpu.VMEM((_NODE_NUM,), jnp.float32),
            pltpu.VMEM((_IDS,), jnp.float32),
            pltpu.VMEM((_IDS,), jnp.float32),
            pltpu.SemaphoreType.DMA,
            pltpu.SemaphoreType.DMA,
            pltpu.SemaphoreType.DMA,
        ],
        compiler_params=pltpu.CompilerParams(
            use_tc_tiling_on_sc=True, needs_layout_passes=False),
    )
    def gather_kernel(table_hbm, ids_hbm, out_hbm, ids_v, row_v, out_a,
                      out_b, sem, sem_oa, sem_ob):
        wid = lax.axis_index("s") * 2 + lax.axis_index("c")
        obufs = (out_a, out_b)
        osems = (sem_oa, sem_ob)
        pltpu.sync_copy(ids_hbm, ids_v)
        prev = [None, None]

        def drain(par):
            pl_, pk_ = prev[par]
            pd = (wid + 11 * pl_) % _NW + pk_ * _NW

            def w():
                pltpu.make_async_copy(
                    obufs[par], out_hbm.at[pl_ * _DPAD + pd],
                    osems[par]).wait()

            if pk_ < _KMAX - 1:
                w()
            else:
                pl.when(pd < _RP_DIM)(w)

        t = 0
        for l in range(_L1):
            for k in range(_KMAX):
                d = (wid + 11 * l) % _NW + k * _NW
                par = t % 2
                ob, osem = obufs[par], osems[par]
                if prev[par] is not None:
                    drain(par)

                def row_work(l=l, d=d, ob=ob, osem=osem):
                    pltpu.sync_copy(table_hbm.at[l, d], row_v)

                    def gather16(g, carry):
                        vec = ids_v[pl.ds(g * 16, 16)]
                        ob[pl.ds(g * 16, 16)] = plsc.load_gather(
                            row_v, [vec])
                        return carry

                    lax.fori_loop(0, _IDS // 16, gather16, 0, unroll=8)
                    pltpu.async_copy(ob, out_hbm.at[l * _DPAD + d], osem)

                if k < _KMAX - 1:
                    row_work()
                else:
                    pl.when(d < _RP_DIM)(row_work)
                prev[par] = (l, k)
                t += 1
        drain(0)
        drain(1)

    return gather_kernel(table, ids)


def _tc_body(rs_ref, rd_ref, w1t_ref, b1_ref, w2_ref, b2_ref, out_ref):
    rs = rs_ref[...]
    rd = rd_ref[...]
    s = [rs[l * _DPAD:l * _DPAD + _RP_DIM] for l in range(_L1)]
    d = [rd[l * _DPAD:l * _DPAD + _RP_DIM] for l in range(_L1)]
    sd = [[jnp.sum(s[l] * d[m], axis=0) for m in range(_L1)] for l in range(_L1)]
    ss = [[jnp.sum(s[l] * s[m], axis=0) for m in range(_L1)] for l in range(_L1)]
    dd = [[jnp.sum(d[l] * d[m], axis=0) for m in range(_L1)] for l in range(_L1)]
    rows = (
        [sd[l][m] for l in range(_L1) for m in range(_L1)]
        + [sd[m][l] for l in range(_L1) for m in range(_L1)]
        + [ss[l][m] for l in range(_L1) for m in range(_L1)]
        + [dd[l][m] for l in range(_L1) for m in range(_L1)]
    )
    feat = jnp.stack(rows, axis=0)
    feat = jnp.log(jnp.maximum(feat, 0.0) + 1.0)
    h = jnp.dot(w1t_ref[...], feat, preferred_element_type=jnp.float32)
    h = jnp.maximum(h + b1_ref[...], 0.0)
    out_ref[...] = jnp.sum(h * w2_ref[...], axis=0) + b2_ref[0, 0]


def _tc_compute(g, w1t, b1, w2, b2):
    hidden = w1t.shape[0]
    feat_dim = 4 * _L1 * _L1
    nsrc = _B // _BS
    return pl.pallas_call(
        _tc_body,
        grid=(_GRID,),
        in_specs=[
            pl.BlockSpec((_L1 * _DPAD, _BS), lambda i: (0, i)),
            pl.BlockSpec((_L1 * _DPAD, _BS), lambda i: (0, nsrc + i)),
            pl.BlockSpec((hidden, feat_dim), lambda i: (0, 0)),
            pl.BlockSpec((hidden, 1), lambda i: (0, 0)),
            pl.BlockSpec((hidden, 1), lambda i: (0, 0)),
            pl.BlockSpec((1, 1), lambda i: (0, 0)),
        ],
        out_specs=pl.BlockSpec((_BS,), lambda i: (i,)),
        out_shape=jax.ShapeDtypeStruct((_B,), jnp.float32),
    )(g, g, w1t, b1, w2, b2)


def kernel(P, W1, b1, W2, b2, src_node_ids, dst_node_ids):
    table = jnp.transpose(P, (0, 2, 1))
    ids = jnp.concatenate([src_node_ids.astype(jnp.int32),
                           dst_node_ids.astype(jnp.int32)])
    g = _sc_gather(table, ids)
    return _tc_compute(g, W1.T, b1.reshape(-1, 1), W2.reshape(-1, 1),
                       b2.reshape(1, 1))

# --- scband reference (transcript-rebuilt; emitter-appended) ---
"""Pipeline reference for scband-tpnet-16836271800995 (READ-ONLY COPY).

The authoritative reference and input builder live on the scoring server;
editing this copy changes nothing except your own understanding.
"""

import jax, jax.numpy as jnp
import numpy as np
import math

NODE_NUM = 100000
EDGE_NUM = 3200000
DIM_FACTOR = 10
NUM_LAYER = 2
RP_DIM = int(DIM_FACTOR * math.log(EDGE_NUM))  # ~149, dim of random projections
HIDDEN = 150
B = 4096


def setup_inputs(seed: int = 0) -> dict:
    key = jax.random.key(seed)
    ks = jax.random.split(key, 8)
    # random projection matrices, one per hop layer (0..num_layer), [L+1, N, D]
    P = jax.random.normal(ks[0], (NUM_LAYER + 1, NODE_NUM, RP_DIM), dtype=jnp.float32) / jnp.sqrt(RP_DIM)
    feat_dim = 4 * (NUM_LAYER + 1) ** 2
    W1 = jax.random.normal(ks[1], (feat_dim, HIDDEN), dtype=jnp.float32) * 0.05
    b1 = jnp.zeros((HIDDEN,), dtype=jnp.float32)
    W2 = jax.random.normal(ks[2], (HIDDEN, 1), dtype=jnp.float32) * 0.05
    b2 = jnp.zeros((1,), dtype=jnp.float32)
    src_node_ids = jax.random.randint(ks[3], (B,), 0, NODE_NUM)
    dst_node_ids = jax.random.randint(ks[4], (B,), 0, NODE_NUM)
    return {"P": P, "W1": W1, "b1": b1, "W2": W2, "b2": b2,
            "src_node_ids": src_node_ids, "dst_node_ids": dst_node_ids}


def reference(P, W1, b1, W2, b2, src_node_ids, dst_node_ids):
    # Gather random projections for src/dst nodes across all hop layers
    src_rp = jnp.transpose(jnp.take(P, src_node_ids, axis=1), (1, 0, 2))  # [B, L+1, D]
    dst_rp = jnp.transpose(jnp.take(P, dst_node_ids, axis=1), (1, 0, 2))  # [B, L+1, D]
    # Pairwise inner products estimate temporal walk matrix entries
    sd = jnp.einsum('bld,bmd->blm', src_rp, dst_rp)
    ds = jnp.transpose(sd, (0, 2, 1))
    ss = jnp.einsum('bld,bmd->blm', src_rp, src_rp)
    dd = jnp.einsum('bld,bmd->blm', dst_rp, dst_rp)
    Bn = src_rp.shape[0]
    feat = jnp.concatenate([sd.reshape(Bn, -1), ds.reshape(Bn, -1),
                            ss.reshape(Bn, -1), dd.reshape(Bn, -1)], axis=1)
    # scale estimated walk counts (log transform of rectified estimates)
    feat = jnp.log(jnp.maximum(feat, 0.0) + 1.0)
    h = jax.nn.relu(feat @ W1 + b1)
    out = (h @ W2 + b2).squeeze(-1)  # [B] link logits
    return out


if False:  # reference __main__ guard neutralized (emitter)
    inp = setup_inputs()
    out = reference(**inp)
    print(out.shape, out.dtype)

if __name__ == "__main__":
    import jax
    _d = setup_inputs()
    print(jax.jit(kernel)(*tuple(_d.values())))

</pallas_src>

<mosaic_0001>
#map = affine_map<(d0, d1) -> (0, 0, 0)>
#map1 = affine_map<(d0, d1) -> (0)>
#map2 = affine_map<(d0, d1) -> (0, 0)>
module attributes {stable_mosaic.version = 14 : i64} {
  func.func @gather_kernel(%arg0: i32, %arg1: i32, %arg2: memref<3x149x100000xf32, #tpu.memory_space<hbm>>, %arg3: memref<8192xi32, #tpu.memory_space<hbm>>, %arg4: memref<456x8192xf32, #tpu.memory_space<hbm>>, %arg5: memref<8192xi32, #tpu.memory_space<vmem>>, %arg6: memref<100000xf32, #tpu.memory_space<vmem>>, %arg7: memref<8192xf32, #tpu.memory_space<vmem>>, %arg8: memref<8192xf32, #tpu.memory_space<vmem>>, %arg9: memref<!tpu.dma_semaphore, #tpu.memory_space<semaphore_mem>>, %arg10: memref<!tpu.dma_semaphore, #tpu.memory_space<semaphore_mem>>, %arg11: memref<!tpu.dma_semaphore, #tpu.memory_space<semaphore_mem>>) attributes {dimension_semantics = [#tpu.dimension_semantics<core_parallel>, #tpu.dimension_semantics<subcore_parallel>], iteration_bounds = array<i64: 2, 16>, scalar_prefetch = 0 : i64, scratch_operands = 7 : i64, tpu.core_type = #tpu.core_type<sc_vector_subcore>, window_params = [{transform_indices = #map}, {transform_indices = #map1}, {transform_indices = #map2}]} {
    %mul3A = arith.constant 2 : i32
    %mul3A_0 = arith.muli %arg1, %mul3A : i32
    %add3A = arith.addi %mul3A_0, %arg0 : i32
    "tpu.region"() ({
      %run_scoped3A_894 = tpu.sem_alloc : memref<!tpu.dma_semaphore, #tpu.memory_space<semaphore_mem>>
      tpu.enqueue_dma source(%arg3 : memref<8192xi32, #tpu.memory_space<hbm>>) target(%arg5 : memref<8192xi32, #tpu.memory_space<vmem>>) target_semaphore(%run_scoped3A_894 : memref<!tpu.dma_semaphore, #tpu.memory_space<semaphore_mem>>)
      tpu.wait_dma2 semaphore(%run_scoped3A_894 : memref<!tpu.dma_semaphore, #tpu.memory_space<semaphore_mem>>) src(%arg3 : memref<8192xi32, #tpu.memory_space<hbm>>) dst(%arg5 : memref<8192xi32, #tpu.memory_space<vmem>>)
      tpu.yield
    }) : () -> ()
    %add3A_1 = arith.constant 0 : i32
    %add3A_2 = arith.addi %add3A, %add3A_1 : i32
    %jit3A = arith.constant 32 : i32
    %eq3A = arith.constant 0 : i32
    %eq3A_3 = arith.cmpi eq, %jit3A, %eq3A : i32
    %jit3A_4 = arith.constant 1 : i32
    %select_n3A = arith.select %eq3A_3, %jit3A_4, %jit3A : i32
    %rem3A = arith.remsi %add3A_2, %select_n3A : i32
    %ne3A = arith.constant 0 : i32
    %ne3A_5 = arith.cmpi ne, %rem3A, %ne3A : i32
    %lt3A = arith.constant 0 : i32
    %lt3A_6 = arith.cmpi slt, %rem3A, %lt3A : i32
    %lt3A_7 = arith.constant 0 : i32
    %lt3A_8 = arith.cmpi slt, %select_n3A, %lt3A_7 : i32
    %ne3A_9 = arith.xori %lt3A_6, %lt3A_8 : i1
    %and3A = arith.andi %ne3A_9, %ne3A_5 : i1
    %add3A_10 = arith.addi %rem3A, %select_n3A : i32
    %select_n3A_11 = arith.select %and3A, %add3A_10, %rem3A : i32
    %add3A_12 = arith.constant 0 : i32
    %add3A_13 = arith.addi %select_n3A_11, %add3A_12 : i32
    %run_scoped3A = arith.constant 0 : i32
    "tpu.region"() ({
      %run_scoped3A_894 = tpu.sem_alloc : memref<!tpu.dma_semaphore, #tpu.memory_space<semaphore_mem>>
      %dma_start3A_895 = arith.constant 0 : i32
      %dma_start3A_896 = tpu.memref_slice %arg2[%run_scoped3A, %add3A_13, %dma_start3A_895] : memref<3x149x100000xf32, #tpu.memory_space<hbm>> -> memref<1x1x100000xf32, #tpu.memory_space<hbm>>
      %dma_start3A_897 = tpu.memref_squeeze %dma_start3A_896 : memref<1x1x100000xf32, #tpu.memory_space<hbm>> -> memref<100000xf32, #tpu.memory_space<hbm>>
      %dma_start3A_898 = arith.constant 0 : i32
      %dma_start3A_899 = tpu.memref_slice %arg2[%run_scoped3A, %add3A_13, %dma_start3A_898] : memref<3x149x100000xf32, #tpu.memory_space<hbm>> -> memref<1x1x100000xf32, #tpu.memory_space<hbm>>
      %dma_start3A_900 = tpu.memref_squeeze %dma_start3A_899 : memref<1x1x100000xf32, #tpu.memory_space<hbm>> -> memref<100000xf32, #tpu.memory_space<hbm>>
      tpu.enqueue_dma source(%dma_start3A_900 : memref<100000xf32, #tpu.memory_space<hbm>>) target(%arg6 : memref<100000xf32, #tpu.memory_space<vmem>>) target_semaphore(%run_scoped3A_894 : memref<!tpu.dma_semaphore, #tpu.memory_space<semaphore_mem>>)
      %dma_wait3A_901 = arith.constant 0 : i32
      %dma_wait3A_902 = tpu.memref_slice %arg2[%run_scoped3A, %add3A_13, %dma_wait3A_901] : memref<3x149x100000xf32, #tpu.memory_space<hbm>> -> memref<1x1x100000xf32, #tpu.memory_space<hbm>>
      %dma_wait3A_903 = tpu.memref_squeeze %dma_wait3A_902 : memref<1x1x100000xf32, #tpu.memory_space<hbm>> -> memref<100000xf32, #tpu.memory_space<hbm>>
      %dma_wait3A_904 = arith.constant 0 : i32
      %dma_wait3A_905 = tpu.memref_slice %arg2[%run_scoped3A, %add3A_13, %dma_wait3A_904] : memref<3x149x100000xf32, #tpu.memory_space<hbm>> -> memref<1x1x100000xf32, #tpu.memory_space<hbm>>
      %dma_wait3A_906 = tpu.memref_squeeze %dma_wait3A_905 : memref<1x1x100000xf32, #tpu.memory_space<hbm>> -> memref<100000xf32, #tpu.memory_space<hbm>>
      tpu.wait_dma2 semaphore(%run_scoped3A_894 : memref<!tpu.dma_semaphore, #tpu.memory_space<semaphore_mem>>) src(%dma_wait3A_906 : memref<100000xf32, #tpu.memory_space<hbm>>) dst(%arg6 : memref<100000xf32, #tpu.memory_space<vmem>>)
      tpu.yield
    }) : () -> ()
    %scan3A = arith.constant 0 : i32
    %scan3A_14 = arith.constant 0 : i32
    %scan3A_15 = arith.constant 512 : i32
    %scan3A_16 = arith.addi %scan3A_14, %scan3A_15 : i32
    %scan3A_17 = arith.constant 8 : i32
    scf.for %scan3A_894 = %scan3A_14 to %scan3A_16 step %scan3A_17  : i32 {
      %mul3A_895 = arith.constant 16 : i32
      %mul3A_896 = arith.muli %scan3A_894, %mul3A_895 : i32
      %get3A = arith.index_cast %mul3A_896 : i32 to index
      %get3A_897 = tpu.vector_load %arg5[%get3A] {strides = array<i32>} : memref<8192xi32, #tpu.memory_space<vmem>>, vector<16xi32>,
      %gather3A = tpu.vector_load_idx %arg6[%get3A_897] : memref<100000xf32, #tpu.memory_space<vmem>>[vector<16xi32>], vector<16xf32>,
      %mul3A_898 = arith.constant 16 : i32
      %mul3A_899 = arith.muli %scan3A_894, %mul3A_898 : i32
      %swap3A = arith.index_cast %mul3A_899 : i32 to index
      %swap3A_900 = tpu.vector_load %arg7[%swap3A] {strides = array<i32>} : memref<8192xf32, #tpu.memory_space<vmem>>, vector<16xf32>,
      tpu.vector_store %arg7[%swap3A], %gather3A {strides = array<i32>} : memref<8192xf32, #tpu.memory_space<vmem>>, vector<16xf32>,
      %scan3A_901 = arith.constant 1 : i32
      %scan3A_902 = arith.addi %scan3A_894, %scan3A_901 : i32
      %mul3A_903 = arith.constant 16 : i32
      %mul3A_904 = arith.muli %scan3A_902, %mul3A_903 : i32
      %get3A_905 = arith.index_cast %mul3A_904 : i32 to index
      %get3A_906 = tpu.vector_load %arg5[%get3A_905] {strides = array<i32>} : memref<8192xi32, #tpu.memory_space<vmem>>, vector<16xi32>,
      %gather3A_907 = tpu.vector_load_idx %arg6[%get3A_906] : memref<100000xf32, #tpu.memory_space<vmem>>[vector<16xi32>], vector<16xf32>,
      %mul3A_908 = arith.constant 16 : i32
      %mul3A_909 = arith.muli %scan3A_902, %mul3A_908 : i32
      %swap3A_910 = arith.index_cast %mul3A_909 : i32 to index
      %swap3A_911 = tpu.vector_load %arg7[%swap3A_910] {strides = array<i32>} : memref<8192xf32, #tpu.memory_space<vmem>>, vector<16xf32>,
      tpu.vector_store %arg7[%swap3A_910], %gather3A_907 {strides = array<i32>} : memref<8192xf32, #tpu.memory_space<vmem>>, vector<16xf32>,
      %scan3A_912 = arith.constant 2 : i32
      %scan3A_913 = arith.addi %scan3A_894, %scan3A_912 : i32
      %mul3A_914 = arith.constant 16 : i32
      %mul3A_915 = arith.muli %scan3A_913, %mul3A_914 : i32
      %get3A_916 = arith.index_cast %mul3A_915 : i32 to index
      %get3A_917 = tpu.vector_load %arg5[%get3A_916] {strides = array<i32>} : memref<8192xi32, #tpu.memory_space<vmem>>, vector<16xi32>,
      %gather3A_918 = tpu.vector_load_idx %arg6[%get3A_917] : memref<100000xf32, #tpu.memory_space<vmem>>[vector<16xi32>], vector<16xf32>,
      %mul3A_919 = arith.constant 16 : i32
      %mul3A_920 = arith.muli %scan3A_913, %mul3A_919 : i32
      %swap3A_921 = arith.index_cast %mul3A_920 : i32 to index
      %swap3A_922 = tpu.vector_load %arg7[%swap3A_921] {strides = array<i32>} : memref<8192xf32, #tpu.memory_space<vmem>>, vector<16xf32>,
      tpu.vector_store %arg7[%swap3A_921], %gather3A_918 {strides = array<i32>} : memref<8192xf32, #tpu.memory_space<vmem>>, vector<16xf32>,
      %scan3A_923 = arith.constant 3 : i32
      %scan3A_924 = arith.addi %scan3A_894, %scan3A_923 : i32
      %mul3A_925 = arith.constant 16 : i32
      %mul3A_926 = arith.muli %scan3A_924, %mul3A_925 : i32
      %get3A_927 = arith.index_cast %mul3A_926 : i32 to index
      %get3A_928 = tpu.vector_load %arg5[%get3A_927] {strides = array<i32>} : memref<8192xi32, #tpu.memory_space<vmem>>, vector<16xi32>,
      %gather3A_929 = tpu.vector_load_idx %arg6[%get3A_928] : memref<100000xf32, #tpu.memory_space<vmem>>[vector<16xi32>], vector<16xf32>,
      %mul3A_930 = arith.constant 16 : i32
      %mul3A_931 = arith.muli %scan3A_924, %mul3A_930 : i32
      %swap3A_932 = arith.index_cast %mul3A_931 : i32 to index
      %swap3A_933 = tpu.vector_load %arg7[%swap3A_932] {strides = array<i32>} : memref<8192xf32, #tpu.memory_space<vmem>>, vector<16xf32>,
      tpu.vector_store %arg7[%swap3A_932], %gather3A_929 {strides = array<i32>} : memref<8192xf32, #tpu.memory_space<vmem>>, vector<16xf32>,
      %scan3A_934 = arith.constant 4 : i32
      %scan3A_935 = arith.addi %scan3A_894, %scan3A_934 : i32
      %mul3A_936 = arith.constant 16 : i32
      %mul3A_937 = arith.muli %scan3A_935, %mul3A_936 : i32
      %get3A_938 = arith.index_cast %mul3A_937 : i32 to index
      %get3A_939 = tpu.vector_load %arg5[%get3A_938] {strides = array<i32>} : memref<8192xi32, #tpu.memory_space<vmem>>, vector<16xi32>,
      %gather3A_940 = tpu.vector_load_idx %arg6[%get3A_939] : memref<100000xf32, #tpu.memory_space<vmem>>[vector<16xi32>], vector<16xf32>,
      %mul3A_941 = arith.constant 16 : i32
      %mul3A_942 = arith.muli %scan3A_935, %mul3A_941 : i32
      %swap3A_943 = arith.index_cast %mul3A_942 : i32 to index
      %swap3A_944 = tpu.vector_load %arg7[%swap3A_943] {strides = array<i32>} : memref<8192xf32, #tpu.memory_space<vmem>>, vector<16xf32>,
      tpu.vector_store %arg7[%swap3A_943], %gather3A_940 {strides = array<i32>} : memref<8192xf32, #tpu.memory_space<vmem>>, vector<16xf32>,
      %scan3A_945 = arith.constant 5 : i32
      %scan3A_946 = arith.addi %scan3A_894, %scan3A_945 : i32
      %mul3A_947 = arith.constant 16 : i32
      %mul3A_948 = arith.muli %scan3A_946, %mul3A_947 : i32
      %get3A_949 = arith.index_cast %mul3A_948 : i32 to index
      %get3A_950 = tpu.vector_load %arg5[%get3A_949] {strides = array<i32>} : memref<8192xi32, #tpu.memory_space<vmem>>, vector<16xi32>,
      %gather3A_951 = tpu.vector_load_idx %arg6[%get3A_950] : memref<100000xf32, #tpu.memory_space<vmem>>[vector<16xi32>], vector<16xf32>,
      %mul3A_952 = arith.constant 16 : i32
      %mul3A_953 = arith.muli %scan3A_946, %mul3A_952 : i32
      %swap3A_954 = arith.index_cast %mul3A_953 : i32 to index
      %swap3A_955 = tpu.vector_load %arg7[%swap3A_954] {strides = array<i32>} : memref<8192xf32, #tpu.memory_space<vmem>>, vector<16xf32>,
      tpu.vector_store %arg7[%swap3A_954], %gather3A_951 {strides = array<i32>} : memref<8192xf32, #tpu.memory_space<vmem>>, vector<16xf32>,
      %scan3A_956 = arith.constant 6 : i32
      %scan3A_957 = arith.addi %scan3A_894, %scan3A_956 : i32
      %mul3A_958 = arith.constant 16 : i32
      %mul3A_959 = arith.muli %scan3A_957, %mul3A_958 : i32
      %get3A_960 = arith.index_cast %mul3A_959 : i32 to index
      %get3A_961 = tpu.vector_load %arg5[%get3A_960] {strides = array<i32>} : memref<8192xi32, #tpu.memory_space<vmem>>, vector<16xi32>,
      %gather3A_962 = tpu.vector_load_idx %arg6[%get3A_961] : memref<100000xf32, #tpu.memory_space<vmem>>[vector<16xi32>], vector<16xf32>,
      %mul3A_963 = arith.constant 16 : i32
      %mul3A_964 = arith.muli %scan3A_957, %mul3A_963 : i32
      %swap3A_965 = arith.index_cast %mul3A_964 : i32 to index
      %swap3A_966 = tpu.vector_load %arg7[%swap3A_965] {strides = array<i32>} : memref<8192xf32, #tpu.memory_space<vmem>>, vector<16xf32>,
      tpu.vector_store %arg7[%swap3A_965], %gather3A_962 {strides = array<i32>} : memref<8192xf32, #tpu.memory_space<vmem>>, vector<16xf32>,
      %scan3A_967 = arith.constant 7 : i32
      %scan3A_968 = arith.addi %scan3A_894, %scan3A_967 : i32
      %mul3A_969 = arith.constant 16 : i32
      %mul3A_970 = arith.muli %scan3A_968, %mul3A_969 : i32
      %get3A_971 = arith.index_cast %mul3A_970 : i32 to index
      %get3A_972 = tpu.vector_load %arg5[%get3A_971] {strides = array<i32>} : memref<8192xi32, #tpu.memory_space<vmem>>, vector<16xi32>,
      %gather3A_973 = tpu.vector_load_idx %arg6[%get3A_972] : memref<100000xf32, #tpu.memory_space<vmem>>[vector<16xi32>], vector<16xf32>,
      %mul3A_974 = arith.constant 16 : i32
      %mul3A_975 = arith.muli %scan3A_968, %mul3A_974 : i32
      %swap3A_976 = arith.index_cast %mul3A_975 : i32 to index
      %swap3A_977 = tpu.vector_load %arg7[%swap3A_976] {strides = array<i32>} : memref<8192xf32, #tpu.memory_space<vmem>>, vector<16xf32>,
      tpu.vector_store %arg7[%swap3A_976], %gather3A_973 {strides = array<i32>} : memref<8192xf32, #tpu.memory_space<vmem>>, vector<16xf32>,
    }
    %scan3A_18 = arith.constant 512 : i32
    %add3A_19 = arith.constant 0 : i32
    %add3A_20 = arith.addi %add3A_19, %add3A_13 : i32
    %dma_start3A = arith.constant 0 : i32
    %dma_start3A_21 = tpu.memref_slice %arg4[%add3A_20, %dma_start3A] : memref<456x8192xf32, #tpu.memory_space<hbm>> -> memref<1x8192xf32, #tpu.memory_space<hbm>>
    %dma_start3A_22 = tpu.memref_squeeze %dma_start3A_21 : memref<1x8192xf32, #tpu.memory_space<hbm>> -> memref<8192xf32, #tpu.memory_space<hbm>>
    %dma_start3A_23 = arith.constant 0 : i32
    %dma_start3A_24 = tpu.memref_slice %arg4[%add3A_20, %dma_start3A_23] : memref<456x8192xf32, #tpu.memory_space<hbm>> -> memref<1x8192xf32, #tpu.memory_space<hbm>>
    %dma_start3A_25 = tpu.memref_squeeze %dma_start3A_24 : memref<1x8192xf32, #tpu.memory_space<hbm>> -> memref<8192xf32, #tpu.memory_space<hbm>>
    tpu.enqueue_dma source(%arg7 : memref<8192xf32, #tpu.memory_space<vmem>>) target(%dma_start3A_25 : memref<8192xf32, #tpu.memory_space<hbm>>) target_semaphore(%arg10 : memref<!tpu.dma_semaphore, #tpu.memory_space<semaphore_mem>>)
    %add3A_26 = arith.constant 0 : i32
    %add3A_27 = arith.addi %add3A, %add3A_26 : i32
    %jit3A_28 = arith.constant 32 : i32
    %eq3A_29 = arith.constant 0 : i32
    %eq3A_30 = arith.cmpi eq, %jit3A_28, %eq3A_29 : i32
    %jit3A_31 = arith.constant 1 : i32
    %select_n3A_32 = arith.select %eq3A_30, %jit3A_31, %jit3A_28 : i32
    %rem3A_33 = arith.remsi %add3A_27, %select_n3A_32 : i32
    %ne3A_34 = arith.constant 0 : i32
    %ne3A_35 = arith.cmpi ne, %rem3A_33, %ne3A_34 : i32
    %lt3A_36 = arith.constant 0 : i32
    %lt3A_37 = arith.cmpi slt, %rem3A_33, %lt3A_36 : i32
    %lt3A_38 = arith.constant 0 : i32
    %lt3A_39 = arith.cmpi slt, %select_n3A_32, %lt3A_38 : i32
    %ne3A_40 = arith.xori %lt3A_37, %lt3A_39 : i1
    %and3A_41 = arith.andi %ne3A_40, %ne3A_35 : i1
    %add3A_42 = arith.addi %rem3A_33, %select_n3A_32 : i32
    %select_n3A_43 = arith.select %and3A_41, %add3A_42, %rem3A_33 : i32
    %add3A_44 = arith.constant 32 : i32
    %add3A_45 = arith.addi %select_n3A_43, %add3A_44 : i32
    %run_scoped3A_46 = arith.constant 0 : i32
    "tpu.region"() ({
      %run_scoped3A_894 = tpu.sem_alloc : memref<!tpu.dma_semaphore, #tpu.memory_space<semaphore_mem>>
      %dma_start3A_895 = arith.constant 0 : i32
      %dma_start3A_896 = tpu.memref_slice %arg2[%run_scoped3A_46, %add3A_45, %dma_start3A_895] : memref<3x149x100000xf32, #tpu.memory_space<hbm>> -> memref<1x1x100000xf32, #tpu.memory_space<hbm>>
      %dma_start3A_897 = tpu.memref_squeeze %dma_start3A_896 : memref<1x1x100000xf32, #tpu.memory_space<hbm>> -> memref<100000xf32, #tpu.memory_space<hbm>>
      %dma_start3A_898 = arith.constant 0 : i32
      %dma_start3A_899 = tpu.memref_slice %arg2[%run_scoped3A_46, %add3A_45, %dma_start3A_898] : memref<3x149x100000xf32, #tpu.memory_space<hbm>> -> memref<1x1x100000xf32, #tpu.memory_space<hbm>>
      %dma_start3A_900 = tpu.memref_squeeze %dma_start3A_899 : memref<1x1x100000xf32, #tpu.memory_space<hbm>> -> memref<100000xf32, #tpu.memory_space<hbm>>
      tpu.enqueue_dma source(%dma_start3A_900 : memref<100000xf32, #tpu.memory_space<hbm>>) target(%arg6 : memref<100000xf32, #tpu.memory_space<vmem>>) target_semaphore(%run_scoped3A_894 : memref<!tpu.dma_semaphore, #tpu.memory_space<semaphore_mem>>)
      %dma_wait3A_901 = arith.constant 0 : i32
      %dma_wait3A_902 = tpu.memref_slice %arg2[%run_scoped3A_46, %add3A_45, %dma_wait3A_901] : memref<3x149x100000xf32, #tpu.memory_space<hbm>> -> memref<1x1x100000xf32, #tpu.memory_space<hbm>>
      %dma_wait3A_903 = tpu.memref_squeeze %dma_wait3A_902 : memref<1x1x100000xf32, #tpu.memory_space<hbm>> -> memref<100000xf32, #tpu.memory_space<hbm>>
      %dma_wait3A_904 = arith.constant 0 : i32
      %dma_wait3A_905 = tpu.memref_slice %arg2[%run_scoped3A_46, %add3A_45, %dma_wait3A_904] : memref<3x149x100000xf32, #tpu.memory_space<hbm>> -> memref<1x1x100000xf32, #tpu.memory_space<hbm>>
      %dma_wait3A_906 = tpu.memref_squeeze %dma_wait3A_905 : memref<1x1x100000xf32, #tpu.memory_space<hbm>> -> memref<100000xf32, #tpu.memory_space<hbm>>
      tpu.wait_dma2 semaphore(%run_scoped3A_894 : memref<!tpu.dma_semaphore, #tpu.memory_space<semaphore_mem>>) src(%dma_wait3A_906 : memref<100000xf32, #tpu.memory_space<hbm>>) dst(%arg6 : memref<100000xf32, #tpu.memory_space<vmem>>)
      tpu.yield
    }) : () -> ()
    %scan3A_47 = arith.constant 0 : i32
    %scan3A_48 = arith.constant 0 : i32
    %scan3A_49 = arith.constant 512 : i32
    %scan3A_50 = arith.addi %scan3A_48, %scan3A_49 : i32
    %scan3A_51 = arith.constant 8 : i32
    scf.for %scan3A_894 = %scan3A_48 to %scan3A_50 step %scan3A_51  : i32 {
      %mul3A_895 = arith.constant 16 : i32
      %mul3A_896 = arith.muli %scan3A_894, %mul3A_895 : i32
      %get3A = arith.index_cast %mul3A_896 : i32 to index
      %get3A_897 = tpu.vector_load %arg5[%get3A] {strides = array<i32>} : memref<8192xi32, #tpu.memory_space<vmem>>, vector<16xi32>,
      %gather3A = tpu.vector_load_idx %arg6[%get3A_897] : memref<100000xf32, #tpu.memory_space<vmem>>[vector<16xi32>], vector<16xf32>,
      %mul3A_898 = arith.constant 16 : i32
      %mul3A_899 = arith.muli %scan3A_894, %mul3A_898 : i32
      %swap3A = arith.index_cast %mul3A_899 : i32 to index
      %swap3A_900 = tpu.vector_load %arg8[%swap3A] {strides = array<i32>} : memref<8192xf32, #tpu.memory_space<vmem>>, vector<16xf32>,
      tpu.vector_store %arg8[%swap3A], %gather3A {strides = array<i32>} : memref<8192xf32, #tpu.memory_space<vmem>>, vector<16xf32>,
      %scan3A_901 = arith.constant 1 : i32
      %scan3A_902 = arith.addi %scan3A_894, %scan3A_901 : i32
      %mul3A_903 = arith.constant 16 : i32
      %mul3A_904 = arith.muli %scan3A_902, %mul3A_903 : i32
      %get3A_905 = arith.index_cast %mul3A_904 : i32 to index
      %get3A_906 = tpu.vector_load %arg5[%get3A_905] {strides = array<i32>} : memref<8192xi32, #tpu.memory_space<vmem>>, vector<16xi32>,
      %gather3A_907 = tpu.vector_load_idx %arg6[%get3A_906] : memref<100000xf32, #tpu.memory_space<vmem>>[vector<16xi32>], vector<16xf32>,
      %mul3A_908 = arith.constant 16 : i32
      %mul3A_909 = arith.muli %scan3A_902, %mul3A_908 : i32
      %swap3A_910 = arith.index_cast %mul3A_909 : i32 to index
      %swap3A_911 = tpu.vector_load %arg8[%swap3A_910] {strides = array<i32>} : memref<8192xf32, #tpu.memory_space<vmem>>, vector<16xf32>,
      tpu.vector_store %arg8[%swap3A_910], %gather3A_907 {strides = array<i32>} : memref<8192xf32, #tpu.memory_space<vmem>>, vector<16xf32>,
      %scan3A_912 = arith.constant 2 : i32
      %scan3A_913 = arith.addi %scan3A_894, %scan3A_912 : i32
      %mul3A_914 = arith.constant 16 : i32
      %mul3A_915 = arith.muli %scan3A_913, %mul3A_914 : i32
      %get3A_916 = arith.index_cast %mul3A_915 : i32 to index
      %get3A_917 = tpu.vector_load %arg5[%get3A_916] {strides = array<i32>} : memref<8192xi32, #tpu.memory_space<vmem>>, vector<16xi32>,
      %gather3A_918 = tpu.vector_load_idx %arg6[%get3A_917] : memref<100000xf32, #tpu.memory_space<vmem>>[vector<16xi32>], vector<16xf32>,
      %mul3A_919 = arith.constant 16 : i32
      %mul3A_920 = arith.muli %scan3A_913, %mul3A_919 : i32
      %swap3A_921 = arith.index_cast %mul3A_920 : i32 to index
      %swap3A_922 = tpu.vector_load %arg8[%swap3A_921] {strides = array<i32>} : memref<8192xf32, #tpu.memory_space<vmem>>, vector<16xf32>,
      tpu.vector_store %arg8[%swap3A_921], %gather3A_918 {strides = array<i32>} : memref<8192xf32, #tpu.memory_space<vmem>>, vector<16xf32>,
      %scan3A_923 = arith.constant 3 : i32
      %scan3A_924 = arith.addi %scan3A_894, %scan3A_923 : i32
      %mul3A_925 = arith.constant 16 : i32
      %mul3A_926 = arith.muli %scan3A_924, %mul3A_925 : i32
      %get3A_927 = arith.index_cast %mul3A_926 : i32 to index
      %get3A_928 = tpu.vector_load %arg5[%get3A_927] {strides = array<i32>} : memref<8192xi32, #tpu.memory_space<vmem>>, vector<16xi32>,
      %gather3A_929 = tpu.vector_load_idx %arg6[%get3A_928] : memref<100000xf32, #tpu.memory_space<vmem>>[vector<16xi32>], vector<16xf32>,
      %mul3A_930 = arith.constant 16 : i32
      %mul3A_931 = arith.muli %scan3A_924, %mul3A_930 : i32
      %swap3A_932 = arith.index_cast %mul3A_931 : i32 to index
      %swap3A_933 = tpu.vector_load %arg8[%swap3A_932] {strides = array<i32>} : memref<8192xf32, #tpu.memory_space<vmem>>, vector<16xf32>,
      tpu.vector_store %arg8[%swap3A_932], %gather3A_929 {strides = array<i32>} : memref<8192xf32, #tpu.memory_space<vmem>>, vector<16xf32>,
      %scan3A_934 = arith.constant 4 : i32
      %scan3A_935 = arith.addi %scan3A_894, %scan3A_934 : i32
      %mul3A_936 = arith.constant 16 : i32
      %mul3A_937 = arith.muli %scan3A_935, %mul3A_936 : i32
      %get3A_938 = arith.index_cast %mul3A_937 : i32 to index
      %get3A_939 = tpu.vector_load %arg5[%get3A_938] {strides = array<i32>} : memref<8192xi32, #tpu.memory_space<vmem>>, vector<16xi32>,
      %gather3A_940 = tpu.vector_load_idx %arg6[%get3A_939] : memref<100000xf32, #tpu.memory_space<vmem>>[vector<16xi32>], vector<16xf32>,
      %mul3A_941 = arith.constant 16 : i32
      %mul3A_942 = arith.muli %scan3A_935, %mul3A_941 : i32
      %swap3A_943 = arith.index_cast %mul3A_942 : i32 to index
      %swap3A_944 = tpu.vector_load %arg8[%swap3A_943] {strides = array<i32>} : memref<8192xf32, #tpu.memory_space<vmem>>, vector<16xf32>,
      tpu.vector_store %arg8[%swap3A_943], %gather3A_940 {strides = array<i32>} : memref<8192xf32, #tpu.memory_space<vmem>>, vector<16xf32>,
      %scan3A_945 = arith.constant 5 : i32
      %scan3A_946 = arith.addi %scan3A_894, %scan3A_945 : i32
      %mul3A_947 = arith.constant 16 : i32
      %mul3A_948 = arith.muli %scan3A_946, %mul3A_947 : i32
      %get3A_949 = arith.index_cast %mul3A_948 : i32 to index
      %get3A_950 = tpu.vector_load %arg5[%get3A_949] {strides = array<i32>} : memref<8192xi32, #tpu.memory_space<vmem>>, vector<16xi32>,
      %gather3A_951 = tpu.vector_load_idx %arg6[%get3A_950] : memref<100000xf32, #tpu.memory_space<vmem>>[vector<16xi32>], vector<16xf32>,
      %mul3A_952 = arith.constant 16 : i32
      %mul3A_953 = arith.muli %scan3A_946, %mul3A_952 : i32
      %swap3A_954 = arith.index_cast %mul3A_953 : i32 to index
      %swap3A_955 = tpu.vector_load %arg8[%swap3A_954] {strides = array<i32>} : memref<8192xf32, #tpu.memory_space<vmem>>, vector<16xf32>,
      tpu.vector_store %arg8[%swap3A_954], %gather3A_951 {strides = array<i32>} : memref<8192xf32, #tpu.memory_space<vmem>>, vector<16xf32>,
      %scan3A_956 = arith.constant 6 : i32
      %scan3A_957 = arith.addi %scan3A_894, %scan3A_956 : i32
      %mul3A_958 = arith.constant 16 : i32
      %mul3A_959 = arith.muli %scan3A_957, %mul3A_958 : i32
      %get3A_960 = arith.index_cast %mul3A_959 : i32 to index
      %get3A_961 = tpu.vector_load %arg5[%get3A_960] {strides = array<i32>} : memref<8192xi32, #tpu.memory_space<vmem>>, vector<16xi32>,
      %gather3A_962 = tpu.vector_load_idx %arg6[%get3A_961] : memref<100000xf32, #tpu.memory_space<vmem>>[vector<16xi32>], vector<16xf32>,
      %mul3A_963 = arith.constant 16 : i32
      %mul3A_964 = arith.muli %scan3A_957, %mul3A_963 : i32
      %swap3A_965 = arith.index_cast %mul3A_964 : i32 to index
      %swap3A_966 = tpu.vector_load %arg8[%swap3A_965] {strides = array<i32>} : memref<8192xf32, #tpu.memory_space<vmem>>, vector<16xf32>,
      tpu.vector_store %arg8[%swap3A_965], %gather3A_962 {strides = array<i32>} : memref<8192xf32, #tpu.memory_space<vmem>>, vector<16xf32>,
      %scan3A_967 = arith.constant 7 : i32
      %scan3A_968 = arith.addi %scan3A_894, %scan3A_967 : i32
      %mul3A_969 = arith.constant 16 : i32
      %mul3A_970 = arith.muli %scan3A_968, %mul3A_969 : i32
      %get3A_971 = arith.index_cast %mul3A_970 : i32 to index
      %get3A_972 = tpu.vector_load %arg5[%get3A_971] {strides = array<i32>} : memref<8192xi32, #tpu.memory_space<vmem>>, vector<16xi32>,
      %gather3A_973 = tpu.vector_load_idx %arg6[%get3A_972] : memref<100000xf32, #tpu.memory_space<vmem>>[vector<16xi32>], vector<16xf32>,
      %mul3A_974 = arith.constant 16 : i32
      %mul3A_975 = arith.muli %scan3A_968, %mul3A_974 : i32
      %swap3A_976 = arith.index_cast %mul3A_975 : i32 to index
      %swap3A_977 = tpu.vector_load %arg8[%swap3A_976] {strides = array<i32>} : memref<8192xf32, #tpu.memory_space<vmem>>, vector<16xf32>,
      tpu.vector_store %arg8[%swap3A_976], %gather3A_973 {strides = array<i32>} : memref<8192xf32, #tpu.memory_space<vmem>>, vector<16xf32>,
    }
    %scan3A_52 = arith.constant 512 : i32
    %add3A_53 = arith.constant 0 : i32
    %add3A_54 = arith.addi %add3A_53, %add3A_45 : i32
    %dma_start3A_55 = arith.constant 0 : i32
    %dma_start3A_56 = tpu.memref_slice %arg4[%add3A_54, %dma_start3A_55] : memref<456x8192xf32, #tpu.memory_space<hbm>> -> memref<1x8192xf32, #tpu.memory_space<hbm>>
    %dma_start3A_57 = tpu.memref_squeeze %dma_start3A_56 : memref<1x8192xf32, #tpu.memory_space<hbm>> -> memref<8192xf32, #tpu.memory_space<hbm>>
    %dma_start3A_58 = arith.constant 0 : i32
    %dma_start3A_59 = tpu.memref_slice %arg4[%add3A_54, %dma_start3A_58] : memref<456x8192xf32, #tpu.memory_space<hbm>> -> memref<1x8192xf32, #tpu.memory_space<hbm>>
    %dma_start3A_60 = tpu.memref_squeeze %dma_start3A_59 : memref<1x8192xf32, #tpu.memory_space<hbm>> -> memref<8192xf32, #tpu.memory_space<hbm>>
    tpu.enqueue_dma source(%arg8 : memref<8192xf32, #tpu.memory_space<vmem>>) target(%dma_start3A_60 : memref<8192xf32, #tpu.memory_space<hbm>>) target_semaphore(%arg11 : memref<!tpu.dma_semaphore, #tpu.memory_space<semaphore_mem>>)
    %add3A_61 = arith.constant 0 : i32
    %add3A_62 = arith.addi %add3A, %add3A_61 : i32
    %jit3A_63 = arith.constant 32 : i32
    %eq3A_64 = arith.constant 0 : i32
    %eq3A_65 = arith.cmpi eq, %jit3A_63, %eq3A_64 : i32
    %jit3A_66 = arith.constant 1 : i32
    %select_n3A_67 = arith.select %eq3A_65, %jit3A_66, %jit3A_63 : i32
    %rem3A_68 = arith.remsi %add3A_62, %select_n3A_67 : i32
    %ne3A_69 = arith.constant 0 : i32
    %ne3A_70 = arith.cmpi ne, %rem3A_68, %ne3A_69 : i32
    %lt3A_71 = arith.constant 0 : i32
    %lt3A_72 = arith.cmpi slt, %rem3A_68, %lt3A_71 : i32
    %lt3A_73 = arith.constant 0 : i32
    %lt3A_74 = arith.cmpi slt, %select_n3A_67, %lt3A_73 : i32
    %ne3A_75 = arith.xori %lt3A_72, %lt3A_74 : i1
    %and3A_76 = arith.andi %ne3A_75, %ne3A_70 : i1
    %add3A_77 = arith.addi %rem3A_68, %select_n3A_67 : i32
    %select_n3A_78 = arith.select %and3A_76, %add3A_77, %rem3A_68 : i32
    %add3A_79 = arith.constant 64 : i32
    %add3A_80 = arith.addi %select_n3A_78, %add3A_79 : i32
    %add3A_81 = arith.constant 0 : i32
    %add3A_82 = arith.addi %add3A, %add3A_81 : i32
    %jit3A_83 = arith.constant 32 : i32
    %eq3A_84 = arith.constant 0 : i32
    %eq3A_85 = arith.cmpi eq, %jit3A_83, %eq3A_84 : i32
    %jit3A_86 = arith.constant 1 : i32
    %select_n3A_87 = arith.select %eq3A_85, %jit3A_86, %jit3A_83 : i32
    %rem3A_88 = arith.remsi %add3A_82, %select_n3A_87 : i32
    %ne3A_89 = arith.constant 0 : i32
    %ne3A_90 = arith.cmpi ne, %rem3A_88, %ne3A_89 : i32
    %lt3A_91 = arith.constant 0 : i32
    %lt3A_92 = arith.cmpi slt, %rem3A_88, %lt3A_91 : i32
    %lt3A_93 = arith.constant 0 : i32
    %lt3A_94 = arith.cmpi slt, %select_n3A_87, %lt3A_93 : i32
    %ne3A_95 = arith.xori %lt3A_92, %lt3A_94 : i1
    %and3A_96 = arith.andi %ne3A_95, %ne3A_90 : i1
    %add3A_97 = arith.addi %rem3A_88, %select_n3A_87 : i32
    %select_n3A_98 = arith.select %and3A_96, %add3A_97, %rem3A_88 : i32
    %add3A_99 = arith.constant 0 : i32
    %add3A_100 = arith.addi %select_n3A_98, %add3A_99 : i32
    %add3A_101 = arith.constant 0 : i32
    %add3A_102 = arith.addi %add3A_101, %add3A_100 : i32
    %dma_wait3A = arith.constant 0 : i32
    %dma_wait3A_103 = tpu.memref_slice %arg4[%add3A_102, %dma_wait3A] : memref<456x8192xf32, #tpu.memory_space<hbm>> -> memref<1x8192xf32, #tpu.memory_space<hbm>>
    %dma_wait3A_104 = tpu.memref_squeeze %dma_wait3A_103 : memref<1x8192xf32, #tpu.memory_space<hbm>> -> memref<8192xf32, #tpu.memory_space<hbm>>
    %dma_wait3A_105 = arith.constant 0 : i32
    %dma_wait3A_106 = tpu.memref_slice %arg4[%add3A_102, %dma_wait3A_105] : memref<456x8192xf32, #tpu.memory_space<hbm>> -> memref<1x8192xf32, #tpu.memory_space<hbm>>
    %dma_wait3A_107 = tpu.memref_squeeze %dma_wait3A_106 : memref<1x8192xf32, #tpu.memory_space<hbm>> -> memref<8192xf32, #tpu.memory_space<hbm>>
    tpu.wait_dma2 semaphore(%arg10 : memref<!tpu.dma_semaphore, #tpu.memory_space<semaphore_mem>>) src(%arg7 : memref<8192xf32, #tpu.memory_space<vmem>>) dst(%dma_wait3A_107 : memref<8192xf32, #tpu.memory_space<hbm>>)
    %run_scoped3A_108 = arith.constant 0 : i32
    "tpu.region"() ({
      %run_scoped3A_894 = tpu.sem_alloc : memref<!tpu.dma_semaphore, #tpu.memory_space<semaphore_mem>>
      %dma_start3A_895 = arith.constant 0 : i32
      %dma_start3A_896 = tpu.memref_slice %arg2[%run_scoped3A_108, %add3A_80, %dma_start3A_895] : memref<3x149x100000xf32, #tpu.memory_space<hbm>> -> memref<1x1x100000xf32, #tpu.memory_space<hbm>>
      %dma_start3A_897 = tpu.memref_squeeze %dma_start3A_896 : memref<1x1x100000xf32, #tpu.memory_space<hbm>> -> memref<100000xf32, #tpu.memory_space<hbm>>
      %dma_start3A_898 = arith.constant 0 : i32
      %dma_start3A_899 = tpu.memref_slice %arg2[%run_scoped3A_108, %add3A_80, %dma_start3A_898] : memref<3x149x100000xf32, #tpu.memory_space<hbm>> -> memref<1x1x100000xf32, #tpu.memory_space<hbm>>
      %dma_start3A_900 = tpu.memref_squeeze %dma_start3A_899 : memref<1x1x100000xf32, #tpu.memory_space<hbm>> -> memref<100000xf32, #tpu.memory_space<hbm>>
      tpu.enqueue_dma source(%dma_start3A_900 : memref<100000xf32, #tpu.memory_space<hbm>>) target(%arg6 : memref<100000xf32, #tpu.memory_space<vmem>>) target_semaphore(%run_scoped3A_894 : memref<!tpu.dma_semaphore, #tpu.memory_space<semaphore_mem>>)
      %dma_wait3A_901 = arith.constant 0 : i32
      %dma_wait3A_902 = tpu.memref_slice %arg2[%run_scoped3A_108, %add3A_80, %dma_wait3A_901] : memref<3x149x100000xf32, #tpu.memory_space<hbm>> -> memref<1x1x100000xf32, #tpu.memory_space<hbm>>
      %dma_wait3A_903 = tpu.memref_squeeze %dma_wait3A_902 : memref<1x1x100000xf32, #tpu.memory_space<hbm>> -> memref<100000xf32, #tpu.memory_space<hbm>>
      %dma_wait3A_904 = arith.constant 0 : i32
      %dma_wait3A_905 = tpu.memref_slice %arg2[%run_scoped3A_108, %add3A_80, %dma_wait3A_904] : memref<3x149x100000xf32, #tpu.memory_space<hbm>> -> memref<1x1x100000xf32, #tpu.memory_space<hbm>>
      %dma_wait3A_906 = tpu.memref_squeeze %dma_wait3A_905 : memref<1x1x100000xf32, #tpu.memory_space<hbm>> -> memref<100000xf32, #tpu.memory_space<hbm>>
      tpu.wait_dma2 semaphore(%run_scoped3A_894 : memref<!tpu.dma_semaphore, #tpu.memory_space<semaphore_mem>>) src(%dma_wait3A_906 : memref<100000xf32, #tpu.memory_space<hbm>>) dst(%arg6 : memref<100000xf32, #tpu.memory_space<vmem>>)
      tpu.yield
    }) : () -> ()
    %scan3A_109 = arith.constant 0 : i32
    %scan3A_110 = arith.constant 0 : i32
    %scan3A_111 = arith.constant 512 : i32
    %scan3A_112 = arith.addi %scan3A_110, %scan3A_111 : i32
    %scan3A_113 = arith.constant 8 : i32
    scf.for %scan3A_894 = %scan3A_110 to %scan3A_112 step %scan3A_113  : i32 {
      %mul3A_895 = arith.constant 16 : i32
      %mul3A_896 = arith.muli %scan3A_894, %mul3A_895 : i32
      %get3A = arith.index_cast %mul3A_896 : i32 to index
      %get3A_897 = tpu.vector_load %arg5[%get3A] {strides = array<i32>} : memref<8192xi32, #tpu.memory_space<vmem>>, vector<16xi32>,
      %gather3A = tpu.vector_load_idx %arg6[%get3A_897] : memref<100000xf32, #tpu.memory_space<vmem>>[vector<16xi32>], vector<16xf32>,
      %mul3A_898 = arith.constant 16 : i32
      %mul3A_899 = arith.muli %scan3A_894, %mul3A_898 : i32
      %swap3A = arith.index_cast %mul3A_899 : i32 to index
      %swap3A_900 = tpu.vector_load %arg7[%swap3A] {strides = array<i32>} : memref<8192xf32, #tpu.memory_space<vmem>>, vector<16xf32>,
      tpu.vector_store %arg7[%swap3A], %gather3A {strides = array<i32>} : memref<8192xf32, #tpu.memory_space<vmem>>, vector<16xf32>,
      %scan3A_901 = arith.constant 1 : i32
      %scan3A_902 = arith.addi %scan3A_894, %scan3A_901 : i32
      %mul3A_903 = arith.constant 16 : i32
      %mul3A_904 = arith.muli %scan3A_902, %mul3A_903 : i32
      %get3A_905 = arith.index_cast %mul3A_904 : i32 to index
      %get3A_906 = tpu.vector_load %arg5[%get3A_905] {strides = array<i32>} : memref<8192xi32, #tpu.memory_space<vmem>>, vector<16xi32>,
      %gather3A_907 = tpu.vector_load_idx %arg6[%get3A_906] : memref<100000xf32, #tpu.memory_space<vmem>>[vector<16xi32>], vector<16xf32>,
      %mul3A_908 = arith.constant 16 : i32
      %mul3A_909 = arith.muli %scan3A_902, %mul3A_908 : i32
      %swap3A_910 = arith.index_cast %mul3A_909 : i32 to index
      %swap3A_911 = tpu.vector_load %arg7[%swap3A_910] {strides = array<i32>} : memref<8192xf32, #tpu.memory_space<vmem>>, vector<16xf32>,
      tpu.vector_store %arg7[%swap3A_910], %gather3A_907 {strides = array<i32>} : memref<8192xf32, #tpu.memory_space<vmem>>, vector<16xf32>,
      %scan3A_912 = arith.constant 2 : i32
      %scan3A_913 = arith.addi %scan3A_894, %scan3A_912 : i32
      %mul3A_914 = arith.constant 16 : i32
      %mul3A_915 = arith.muli %scan3A_913, %mul3A_914 : i32
      %get3A_916 = arith.index_cast %mul3A_915 : i32 to index
      %get3A_917 = tpu.vector_load %arg5[%get3A_916] {strides = array<i32>} : memref<8192xi32, #tpu.memory_space<vmem>>, vector<16xi32>,
      %gather3A_918 = tpu.vector_load_idx %arg6[%get3A_917] : memref<100000xf32, #tpu.memory_space<vmem>>[vector<16xi32>], vector<16xf32>,
      %mul3A_919 = arith.constant 16 : i32
      %mul3A_920 = arith.muli %scan3A_913, %mul3A_919 : i32
      %swap3A_921 = arith.index_cast %mul3A_920 : i32 to index
      %swap3A_922 = tpu.vector_load %arg7[%swap3A_921] {strides = array<i32>} : memref<8192xf32, #tpu.memory_space<vmem>>, vector<16xf32>,
      tpu.vector_store %arg7[%swap3A_921], %gather3A_918 {strides = array<i32>} : memref<8192xf32, #tpu.memory_space<vmem>>, vector<16xf32>,
      %scan3A_923 = arith.constant 3 : i32
      %scan3A_924 = arith.addi %scan3A_894, %scan3A_923 : i32
      %mul3A_925 = arith.constant 16 : i32
      %mul3A_926 = arith.muli %scan3A_924, %mul3A_925 : i32
      %get3A_927 = arith.index_cast %mul3A_926 : i32 to index
      %get3A_928 = tpu.vector_load %arg5[%get3A_927] {strides = array<i32>} : memref<8192xi32, #tpu.memory_space<vmem>>, vector<16xi32>,
      %gather3A_929 = tpu.vector_load_idx %arg6[%get3A_928] : memref<100000xf32, #tpu.memory_space<vmem>>[vector<16xi32>], vector<16xf32>,
      %mul3A_930 = arith.constant 16 : i32
      %mul3A_931 = arith.muli %scan3A_924, %mul3A_930 : i32
      %swap3A_932 = arith.index_cast %mul3A_931 : i32 to index
      %swap3A_933 = tpu.vector_load %arg7[%swap3A_932] {strides = array<i32>} : memref<8192xf32, #tpu.memory_space<vmem>>, vector<16xf32>,
      tpu.vector_store %arg7[%swap3A_932], %gather3A_929 {strides = array<i32>} : memref<8192xf32, #tpu.memory_space<vmem>>, vector<16xf32>,
      %scan3A_934 = arith.constant 4 : i32
      %scan3A_935 = arith.addi %scan3A_894, %scan3A_934 : i32
      %mul3A_936 = arith.constant 16 : i32
      %mul3A_937 = arith.muli %scan3A_935, %mul3A_936 : i32
      %get3A_938 = arith.index_cast %mul3A_937 : i32 to index
      %get3A_939 = tpu.vector_load %arg5[%get3A_938] {strides = array<i32>} : memref<8192xi32, #tpu.memory_space<vmem>>, vector<16xi32>,
      %gather3A_940 = tpu.vector_load_idx %arg6[%get3A_939] : memref<100000xf32, #tpu.memory_space<vmem>>[vector<16xi32>], vector<16xf32>,
      %mul3A_941 = arith.constant 16 : i32
      %mul3A_942 = arith.muli %scan3A_935, %mul3A_941 : i32
      %swap3A_943 = arith.index_cast %mul3A_942 : i32 to index
      %swap3A_944 = tpu.vector_load %arg7[%swap3A_943] {strides = array<i32>} : memref<8192xf32, #tpu.memory_space<vmem>>, vector<16xf32>,
      tpu.vector_store %arg7[%swap3A_943], %gather3A_940 {strides = array<i32>} : memref<8192xf32, #tpu.memory_space<vmem>>, vector<16xf32>,
      %scan3A_945 = arith.constant 5 : i32
      %scan3A_946 = arith.addi %scan3A_894, %scan3A_945 : i32
      %mul3A_947 = arith.constant 16 : i32
      %mul3A_948 = arith.muli %scan3A_946, %mul3A_947 : i32
      %get3A_949 = arith.index_cast %mul3A_948 : i32 to index
      %get3A_950 = tpu.vector_load %arg5[%get3A_949] {strides = array<i32>} : memref<8192xi32, #tpu.memory_space<vmem>>, vector<16xi32>,
      %gather3A_951 = tpu.vector_load_idx %arg6[%get3A_950] : memref<100000xf32, #tpu.memory_space<vmem>>[vector<16xi32>], vector<16xf32>,
      %mul3A_952 = arith.constant 16 : i32
      %mul3A_953 = arith.muli %scan3A_946, %mul3A_952 : i32
      %swap3A_954 = arith.index_cast %mul3A_953 : i32 to index
      %swap3A_955 = tpu.vector_load %arg7[%swap3A_954] {strides = array<i32>} : memref<8192xf32, #tpu.memory_space<vmem>>, vector<16xf32>,
      tpu.vector_store %arg7[%swap3A_954], %gather3A_951 {strides = array<i32>} : memref<8192xf32, #tpu.memory_space<vmem>>, vector<16xf32>,
      %scan3A_956 = arith.constant 6 : i32
      %scan3A_957 = arith.addi %scan3A_894, %scan3A_956 : i32
      %mul3A_958 = arith.constant 16 : i32
      %mul3A_959 = arith.muli %scan3A_957, %mul3A_958 : i32
      %get3A_960 = arith.index_cast %mul3A_959 : i32 to index
      %get3A_961 = tpu.vector_load %arg5[%get3A_960] {strides = array<i32>} : memref<8192xi32, #tpu.memory_space<vmem>>, vector<16xi32>,
      %gather3A_962 = tpu.vector_load_idx %arg6[%get3A_961] : memref<100000xf32, #tpu.memory_space<vmem>>[vector<16xi32>], vector<16xf32>,
      %mul3A_963 = arith.constant 16 : i32
      %mul3A_964 = arith.muli %scan3A_957, %mul3A_963 : i32
      %swap3A_965 = arith.index_cast %mul3A_964 : i32 to index
      %swap3A_966 = tpu.vector_load %arg7[%swap3A_965] {strides = array<i32>} : memref<8192xf32, #tpu.memory_space<vmem>>, vector<16xf32>,
      tpu.vector_store %arg7[%swap3A_965], %gather3A_962 {strides = array<i32>} : memref<8192xf32, #tpu.memory_space<vmem>>, vector<16xf32>,
      %scan3A_967 = arith.constant 7 : i32
      %scan3A_968 = arith.addi %scan3A_894, %scan3A_967 : i32
      %mul3A_969 = arith.constant 16 : i32
      %mul3A_970 = arith.muli %scan3A_968, %mul3A_969 : i32
      %get3A_971 = arith.index_cast %mul3A_970 : i32 to index
      %get3A_972 = tpu.vector_load %arg5[%get3A_971] {strides = array<i32>} : memref<8192xi32, #tpu.memory_space<vmem>>, vector<16xi32>,
      %gather3A_973 = tpu.vector_load_idx %arg6[%get3A_972] : memref<100000xf32, #tpu.memory_space<vmem>>[vector<16xi32>], vector<16xf32>,
      %mul3A_974 = arith.constant 16 : i32
      %mul3A_975 = arith.muli %scan3A_968, %mul3A_974 : i32
      %swap3A_976 = arith.index_cast %mul3A_975 : i32 to index
      %swap3A_977 = tpu.vector_load %arg7[%swap3A_976] {strides = array<i32>} : memref<8192xf32, #tpu.memory_space<vmem>>, vector<16xf32>,
      tpu.vector_store %arg7[%swap3A_976], %gather3A_973 {strides = array<i32>} : memref<8192xf32, #tpu.memory_space<vmem>>, vector<16xf32>,
    }
    %scan3A_114 = arith.constant 512 : i32
    %add3A_115 = arith.constant 0 : i32
    %add3A_116 = arith.addi %add3A_115, %add3A_80 : i32
    %dma_start3A_117 = arith.constant 0 : i32
    %dma_start3A_118 = tpu.memref_slice %arg4[%add3A_116, %dma_start3A_117] : memref<456x8192xf32, #tpu.memory_space<hbm>> -> memref<1x8192xf32, #tpu.memory_space<hbm>>
    %dma_start3A_119 = tpu.memref_squeeze %dma_start3A_118 : memref<1x8192xf32, #tpu.memory_space<hbm>> -> memref<8192xf32, #tpu.memory_space<hbm>>
    %dma_start3A_120 = arith.constant 0 : i32
    %dma_start3A_121 = tpu.memref_slice %arg4[%add3A_116, %dma_start3A_120] : memref<456x8192xf32, #tpu.memory_space<hbm>> -> memref<1x8192xf32, #tpu.memory_space<hbm>>
    %dma_start3A_122 = tpu.memref_squeeze %dma_start3A_121 : memref<1x8192xf32, #tpu.memory_space<hbm>> -> memref<8192xf32, #tpu.memory_space<hbm>>
    tpu.enqueue_dma source(%arg7 : memref<8192xf32, #tpu.memory_space<vmem>>) target(%dma_start3A_122 : memref<8192xf32, #tpu.memory_space<hbm>>) target_semaphore(%arg10 : memref<!tpu.dma_semaphore, #tpu.memory_space<semaphore_mem>>)
    %add3A_123 = arith.constant 0 : i32
    %add3A_124 = arith.addi %add3A, %add3A_123 : i32
    %jit3A_125 = arith.constant 32 : i32
    %eq3A_126 = arith.constant 0 : i32
    %eq3A_127 = arith.cmpi eq, %jit3A_125, %eq3A_126 : i32
    %jit3A_128 = arith.constant 1 : i32
    %select_n3A_129 = arith.select %eq3A_127, %jit3A_128, %jit3A_125 : i32
    %rem3A_130 = arith.remsi %add3A_124, %select_n3A_129 : i32
    %ne3A_131 = arith.constant 0 : i32
    %ne3A_132 = arith.cmpi ne, %rem3A_130, %ne3A_131 : i32
    %lt3A_133 = arith.constant 0 : i32
    %lt3A_134 = arith.cmpi slt, %rem3A_130, %lt3A_133 : i32
    %lt3A_135 = arith.constant 0 : i32
    %lt3A_136 = arith.cmpi slt, %select_n3A_129, %lt3A_135 : i32
    %ne3A_137 = arith.xori %lt3A_134, %lt3A_136 : i1
    %and3A_138 = arith.andi %ne3A_137, %ne3A_132 : i1
    %add3A_139 = arith.addi %rem3A_130, %select_n3A_129 : i32
    %select_n3A_140 = arith.select %and3A_138, %add3A_139, %rem3A_130 : i32
    %add3A_141 = arith.constant 96 : i32
    %add3A_142 = arith.addi %select_n3A_140, %add3A_141 : i32
    %add3A_143 = arith.constant 0 : i32
    %add3A_144 = arith.addi %add3A, %add3A_143 : i32
    %jit3A_145 = arith.constant 32 : i32
    %eq3A_146 = arith.constant 0 : i32
    %eq3A_147 = arith.cmpi eq, %jit3A_145, %eq3A_146 : i32
    %jit3A_148 = arith.constant 1 : i32
    %select_n3A_149 = arith.select %eq3A_147, %jit3A_148, %jit3A_145 : i32
    %rem3A_150 = arith.remsi %add3A_144, %select_n3A_149 : i32
    %ne3A_151 = arith.constant 0 : i32
    %ne3A_152 = arith.cmpi ne, %rem3A_150, %ne3A_151 : i32
    %lt3A_153 = arith.constant 0 : i32
    %lt3A_154 = arith.cmpi slt, %rem3A_150, %lt3A_153 : i32
    %lt3A_155 = arith.constant 0 : i32
    %lt3A_156 = arith.cmpi slt, %select_n3A_149, %lt3A_155 : i32
    %ne3A_157 = arith.xori %lt3A_154, %lt3A_156 : i1
    %and3A_158 = arith.andi %ne3A_157, %ne3A_152 : i1
    %add3A_159 = arith.addi %rem3A_150, %select_n3A_149 : i32
    %select_n3A_160 = arith.select %and3A_158, %add3A_159, %rem3A_150 : i32
    %add3A_161 = arith.constant 32 : i32
    %add3A_162 = arith.addi %select_n3A_160, %add3A_161 : i32
    %add3A_163 = arith.constant 0 : i32
    %add3A_164 = arith.addi %add3A_163, %add3A_162 : i32
    %dma_wait3A_165 = arith.constant 0 : i32
    %dma_wait3A_166 = tpu.memref_slice %arg4[%add3A_164, %dma_wait3A_165] : memref<456x8192xf32, #tpu.memory_space<hbm>> -> memref<1x8192xf32, #tpu.memory_space<hbm>>
    %dma_wait3A_167 = tpu.memref_squeeze %dma_wait3A_166 : memref<1x8192xf32, #tpu.memory_space<hbm>> -> memref<8192xf32, #tpu.memory_space<hbm>>
    %dma_wait3A_168 = arith.constant 0 : i32
    %dma_wait3A_169 = tpu.memref_slice %arg4[%add3A_164, %dma_wait3A_168] : memref<456x8192xf32, #tpu.memory_space<hbm>> -> memref<1x8192xf32, #tpu.memory_space<hbm>>
    %dma_wait3A_170 = tpu.memref_squeeze %dma_wait3A_169 : memref<1x8192xf32, #tpu.memory_space<hbm>> -> memref<8192xf32, #tpu.memory_space<hbm>>
    tpu.wait_dma2 semaphore(%arg11 : memref<!tpu.dma_semaphore, #tpu.memory_space<semaphore_mem>>) src(%arg8 : memref<8192xf32, #tpu.memory_space<vmem>>) dst(%dma_wait3A_170 : memref<8192xf32, #tpu.memory_space<hbm>>)
    %run_scoped3A_171 = arith.constant 0 : i32
    "tpu.region"() ({
      %run_scoped3A_894 = tpu.sem_alloc : memref<!tpu.dma_semaphore, #tpu.memory_space<semaphore_mem>>
      %dma_start3A_895 = arith.constant 0 : i32
      %dma_start3A_896 = tpu.memref_slice %arg2[%run_scoped3A_171, %add3A_142, %dma_start3A_895] : memref<3x149x100000xf32, #tpu.memory_space<hbm>> -> memref<1x1x100000xf32, #tpu.memory_space<hbm>>
      %dma_start3A_897 = tpu.memref_squeeze %dma_start3A_896 : memref<1x1x100000xf32, #tpu.memory_space<hbm>> -> memref<100000xf32, #tpu.memory_space<hbm>>
      %dma_start3A_898 = arith.constant 0 : i32
      %dma_start3A_899 = tpu.memref_slice %arg2[%run_scoped3A_171, %add3A_142, %dma_start3A_898] : memref<3x149x100000xf32, #tpu.memory_space<hbm>> -> memref<1x1x100000xf32, #tpu.memory_space<hbm>>
      %dma_start3A_900 = tpu.memref_squeeze %dma_start3A_899 : memref<1x1x100000xf32, #tpu.memory_space<hbm>> -> memref<100000xf32, #tpu.memory_space<hbm>>
      tpu.enqueue_dma source(%dma_start3A_900 : memref<100000xf32, #tpu.memory_space<hbm>>) target(%arg6 : memref<100000xf32, #tpu.memory_space<vmem>>) target_semaphore(%run_scoped3A_894 : memref<!tpu.dma_semaphore, #tpu.memory_space<semaphore_mem>>)
      %dma_wait3A_901 = arith.constant 0 : i32
      %dma_wait3A_902 = tpu.memref_slice %arg2[%run_scoped3A_171, %add3A_142, %dma_wait3A_901] : memref<3x149x100000xf32, #tpu.memory_space<hbm>> -> memref<1x1x100000xf32, #tpu.memory_space<hbm>>
      %dma_wait3A_903 = tpu.memref_squeeze %dma_wait3A_902 : memref<1x1x100000xf32, #tpu.memory_space<hbm>> -> memref<100000xf32, #tpu.memory_space<hbm>>
      %dma_wait3A_904 = arith.constant 0 : i32
      %dma_wait3A_905 = tpu.memref_slice %arg2[%run_scoped3A_171, %add3A_142, %dma_wait3A_904] : memref<3x149x100000xf32, #tpu.memory_space<hbm>> -> memref<1x1x100000xf32, #tpu.memory_space<hbm>>
      %dma_wait3A_906 = tpu.memref_squeeze %dma_wait3A_905 : memref<1x1x100000xf32, #tpu.memory_space<hbm>> -> memref<100000xf32, #tpu.memory_space<hbm>>
      tpu.wait_dma2 semaphore(%run_scoped3A_894 : memref<!tpu.dma_semaphore, #tpu.memory_space<semaphore_mem>>) src(%dma_wait3A_906 : memref<100000xf32, #tpu.memory_space<hbm>>) dst(%arg6 : memref<100000xf32, #tpu.memory_space<vmem>>)
      tpu.yield
    }) : () -> ()
    %scan3A_172 = arith.constant 0 : i32
    %scan3A_173 = arith.constant 0 : i32
    %scan3A_174 = arith.constant 512 : i32
    %scan3A_175 = arith.addi %scan3A_173, %scan3A_174 : i32
    %scan3A_176 = arith.constant 8 : i32
    scf.for %scan3A_894 = %scan3A_173 to %scan3A_175 step %scan3A_176  : i32 {
      %mul3A_895 = arith.constant 16 : i32
      %mul3A_896 = arith.muli %scan3A_894, %mul3A_895 : i32
      %get3A = arith.index_cast %mul3A_896 : i32 to index
      %get3A_897 = tpu.vector_load %arg5[%get3A] {strides = array<i32>} : memref<8192xi32, #tpu.memory_space<vmem>>, vector<16xi32>,
      %gather3A = tpu.vector_load_idx %arg6[%get3A_897] : memref<100000xf32, #tpu.memory_space<vmem>>[vector<16xi32>], vector<16xf32>,
      %mul3A_898 = arith.constant 16 : i32
      %mul3A_899 = arith.muli %scan3A_894, %mul3A_898 : i32
      %swap3A = arith.index_cast %mul3A_899 : i32 to index
      %swap3A_900 = tpu.vector_load %arg8[%swap3A] {strides = array<i32>} : memref<8192xf32, #tpu.memory_space<vmem>>, vector<16xf32>,
      tpu.vector_store %arg8[%swap3A], %gather3A {strides = array<i32>} : memref<8192xf32, #tpu.memory_space<vmem>>, vector<16xf32>,
      %scan3A_901 = arith.constant 1 : i32
      %scan3A_902 = arith.addi %scan3A_894, %scan3A_901 : i32
      %mul3A_903 = arith.constant 16 : i32
      %mul3A_904 = arith.muli %scan3A_902, %mul3A_903 : i32
      %get3A_905 = arith.index_cast %mul3A_904 : i32 to index
      %get3A_906 = tpu.vector_load %arg5[%get3A_905] {strides = array<i32>} : memref<8192xi32, #tpu.memory_space<vmem>>, vector<16xi32>,
      %gather3A_907 = tpu.vector_load_idx %arg6[%get3A_906] : memref<100000xf32, #tpu.memory_space<vmem>>[vector<16xi32>], vector<16xf32>,
      %mul3A_908 = arith.constant 16 : i32
      %mul3A_909 = arith.muli %scan3A_902, %mul3A_908 : i32
      %swap3A_910 = arith.index_cast %mul3A_909 : i32 to index
      %swap3A_911 = tpu.vector_load %arg8[%swap3A_910] {strides = array<i32>} : memref<8192xf32, #tpu.memory_space<vmem>>, vector<16xf32>,
      tpu.vector_store %arg8[%swap3A_910], %gather3A_907 {strides = array<i32>} : memref<8192xf32, #tpu.memory_space<vmem>>, vector<16xf32>,
      %scan3A_912 = arith.constant 2 : i32
      %scan3A_913 = arith.addi %scan3A_894, %scan3A_912 : i32
      %mul3A_914 = arith.constant 16 : i32
      %mul3A_915 = arith.muli %scan3A_913, %mul3A_914 : i32
      %get3A_916 = arith.index_cast %mul3A_915 : i32 to index
      %get3A_917 = tpu.vector_load %arg5[%get3A_916] {strides = array<i32>} : memref<8192xi32, #tpu.memory_space<vmem>>, vector<16xi32>,
      %gather3A_918 = tpu.vector_load_idx %arg6[%get3A_917] : memref<100000xf32, #tpu.memory_space<vmem>>[vector<16xi32>], vector<16xf32>,
      %mul3A_919 = arith.constant 16 : i32
      %mul3A_920 = arith.muli %scan3A_913, %mul3A_919 : i32
      %swap3A_921 = arith.index_cast %mul3A_920 : i32 to index
      %swap3A_922 = tpu.vector_load %arg8[%swap3A_921] {strides = array<i32>} : memref<8192xf32, #tpu.memory_space<vmem>>, vector<16xf32>,
      tpu.vector_store %arg8[%swap3A_921], %gather3A_918 {strides = array<i32>} : memref<8192xf32, #tpu.memory_space<vmem>>, vector<16xf32>,
      %scan3A_923 = arith.constant 3 : i32
      %scan3A_924 = arith.addi %scan3A_894, %scan3A_923 : i32
      %mul3A_925 = arith.constant 16 : i32
      %mul3A_926 = arith.muli %scan3A_924, %mul3A_925 : i32
      %get3A_927 = arith.index_cast %mul3A_926 : i32 to index
      %get3A_928 = tpu.vector_load %arg5[%get3A_927] {strides = array<i32>} : memref<8192xi32, #tpu.memory_space<vmem>>, vector<16xi32>,
      %gather3A_929 = tpu.vector_load_idx %arg6[%get3A_928] : memref<100000xf32, #tpu.memory_space<vmem>>[vector<16xi32>], vector<16xf32>,
      %mul3A_930 = arith.constant 16 : i32
      %mul3A_931 = arith.muli %scan3A_924, %mul3A_930 : i32
      %swap3A_932 = arith.index_cast %mul3A_931 : i32 to index
      %swap3A_933 = tpu.vector_load %arg8[%swap3A_932] {strides = array<i32>} : memref<8192xf32, #tpu.memory_space<vmem>>, vector<16xf32>,
      tpu.vector_store %arg8[%swap3A_932], %gather3A_929 {strides = array<i32>} : memref<8192xf32, #tpu.memory_space<vmem>>, vector<16xf32>,
      %scan3A_934 = arith.constant 4 : i32
      %scan3A_935 = arith.addi %scan3A_894, %scan3A_934 : i32
      %mul3A_936 = arith.constant 16 : i32
      %mul3A_937 = arith.muli %scan3A_935, %mul3A_936 : i32
      %get3A_938 = arith.index_cast %mul3A_937 : i32 to index
      %get3A_939 = tpu.vector_load %arg5[%get3A_938] {strides = array<i32>} : memref<8192xi32, #tpu.memory_space<vmem>>, vector<16xi32>,
      %gather3A_940 = tpu.vector_load_idx %arg6[%get3A_939] : memref<100000xf32, #tpu.memory_space<vmem>>[vector<16xi32>], vector<16xf32>,
      %mul3A_941 = arith.constant 16 : i32
      %mul3A_942 = arith.muli %scan3A_935, %mul3A_941 : i32
      %swap3A_943 = arith.index_cast %mul3A_942 : i32 to index
      %swap3A_944 = tpu.vector_load %arg8[%swap3A_943] {strides = array<i32>} : memref<8192xf32, #tpu.memory_space<vmem>>, vector<16xf32>,
      tpu.vector_store %arg8[%swap3A_943], %gather3A_940 {strides = array<i32>} : memref<8192xf32, #tpu.memory_space<vmem>>, vector<16xf32>,
      %scan3A_945 = arith.constant 5 : i32
      %scan3A_946 = arith.addi %scan3A_894, %scan3A_945 : i32
      %mul3A_947 = arith.constant 16 : i32
      %mul3A_948 = arith.muli %scan3A_946, %mul3A_947 : i32
      %get3A_949 = arith.index_cast %mul3A_948 : i32 to index
      %get3A_950 = tpu.vector_load %arg5[%get3A_949] {strides = array<i32>} : memref<8192xi32, #tpu.memory_space<vmem>>, vector<16xi32>,
      %gather3A_951 = tpu.vector_load_idx %arg6[%get3A_950] : memref<100000xf32, #tpu.memory_space<vmem>>[vector<16xi32>], vector<16xf32>,
      %mul3A_952 = arith.constant 16 : i32
      %mul3A_953 = arith.muli %scan3A_946, %mul3A_952 : i32
      %swap3A_954 = arith.index_cast %mul3A_953 : i32 to index
      %swap3A_955 = tpu.vector_load %arg8[%swap3A_954] {strides = array<i32>} : memref<8192xf32, #tpu.memory_space<vmem>>, vector<16xf32>,
      tpu.vector_store %arg8[%swap3A_954], %gather3A_951 {strides = array<i32>} : memref<8192xf32, #tpu.memory_space<vmem>>, vector<16xf32>,
      %scan3A_956 = arith.constant 6 : i32
      %scan3A_957 = arith.addi %scan3A_894, %scan3A_956 : i32
      %mul3A_958 = arith.constant 16 : i32
      %mul3A_959 = arith.muli %scan3A_957, %mul3A_958 : i32
      %get3A_960 = arith.index_cast %mul3A_959 : i32 to index
      %get3A_961 = tpu.vector_load %arg5[%get3A_960] {strides = array<i32>} : memref<8192xi32, #tpu.memory_space<vmem>>, vector<16xi32>,
      %gather3A_962 = tpu.vector_load_idx %arg6[%get3A_961] : memref<100000xf32, #tpu.memory_space<vmem>>[vector<16xi32>], vector<16xf32>,
      %mul3A_963 = arith.constant 16 : i32
      %mul3A_964 = arith.muli %scan3A_957, %mul3A_963 : i32
      %swap3A_965 = arith.index_cast %mul3A_964 : i32 to index
      %swap3A_966 = tpu.vector_load %arg8[%swap3A_965] {strides = array<i32>} : memref<8192xf32, #tpu.memory_space<vmem>>, vector<16xf32>,
      tpu.vector_store %arg8[%swap3A_965], %gather3A_962 {strides = array<i32>} : memref<8192xf32, #tpu.memory_space<vmem>>, vector<16xf32>,
      %scan3A_967 = arith.constant 7 : i32
      %scan3A_968 = arith.addi %scan3A_894, %scan3A_967 : i32
      %mul3A_969 = arith.constant 16 : i32
      %mul3A_970 = arith.muli %scan3A_968, %mul3A_969 : i32
      %get3A_971 = arith.index_cast %mul3A_970 : i32 to index
      %get3A_972 = tpu.vector_load %arg5[%get3A_971] {strides = array<i32>} : memref<8192xi32, #tpu.memory_space<vmem>>, vector<16xi32>,
      %gather3A_973 = tpu.vector_load_idx %arg6[%get3A_972] : memref<100000xf32, #tpu.memory_space<vmem>>[vector<16xi32>], vector<16xf32>,
      %mul3A_974 = arith.constant 16 : i32
      %mul3A_975 = arith.muli %scan3A_968, %mul3A_974 : i32
      %swap3A_976 = arith.index_cast %mul3A_975 : i32 to index
      %swap3A_977 = tpu.vector_load %arg8[%swap3A_976] {strides = array<i32>} : memref<8192xf32, #tpu.memory_space<vmem>>, vector<16xf32>,
      tpu.vector_store %arg8[%swap3A_976], %gather3A_973 {strides = array<i32>} : memref<8192xf32, #tpu.memory_space<vmem>>, vector<16xf32>,
    }
    %scan3A_177 = arith.constant 512 : i32
    %add3A_178 = arith.constant 0 : i32
    %add3A_179 = arith.addi %add3A_178, %add3A_142 : i32
    %dma_start3A_180 = arith.constant 0 : i32
    %dma_start3A_181 = tpu.memref_slice %arg4[%add3A_179, %dma_start3A_180] : memref<456x8192xf32, #tpu.memory_space<hbm>> -> memref<1x8192xf32, #tpu.memory_space<hbm>>
    %dma_start3A_182 = tpu.memref_squeeze %dma_start3A_181 : memref<1x8192xf32, #tpu.memory_space<hbm>> -> memref<8192xf32, #tpu.memory_space<hbm>>
    %dma_start3A_183 = arith.constant 0 : i32
    %dma_start3A_184 = tpu.memref_slice %arg4[%add3A_179, %dma_start3A_183] : memref<456x8192xf32, #tpu.memory_space<hbm>> -> memref<1x8192xf32, #tpu.memory_space<hbm>>
    %dma_start3A_185 = tpu.memref_squeeze %dma_start3A_184 : memref<1x8192xf32, #tpu.memory_space<hbm>> -> memref<8192xf32, #tpu.memory_space<hbm>>
    tpu.enqueue_dma source(%arg8 : memref<8192xf32, #tpu.memory_space<vmem>>) target(%dma_start3A_185 : memref<8192xf32, #tpu.memory_space<hbm>>) target_semaphore(%arg11 : memref<!tpu.dma_semaphore, #tpu.memory_space<semaphore_mem>>)
    %add3A_186 = arith.constant 0 : i32
    %add3A_187 = arith.addi %add3A, %add3A_186 : i32
    %jit3A_188 = arith.constant 32 : i32
    %eq3A_189 = arith.constant 0 : i32
    %eq3A_190 = arith.cmpi eq, %jit3A_188, %eq3A_189 : i32
    %jit3A_191 = arith.constant 1 : i32
    %select_n3A_192 = arith.select %eq3A_190, %jit3A_191, %jit3A_188 : i32
    %rem3A_193 = arith.remsi %add3A_187, %select_n3A_192 : i32
    %ne3A_194 = arith.constant 0 : i32
    %ne3A_195 = arith.cmpi ne, %rem3A_193, %ne3A_194 : i32
    %lt3A_196 = arith.constant 0 : i32
    %lt3A_197 = arith.cmpi slt, %rem3A_193, %lt3A_196 : i32
    %lt3A_198 = arith.constant 0 : i32
    %lt3A_199 = arith.cmpi slt, %select_n3A_192, %lt3A_198 : i32
    %ne3A_200 = arith.xori %lt3A_197, %lt3A_199 : i1
    %and3A_201 = arith.andi %ne3A_200, %ne3A_195 : i1
    %add3A_202 = arith.addi %rem3A_193, %select_n3A_192 : i32
    %select_n3A_203 = arith.select %and3A_201, %add3A_202, %rem3A_193 : i32
    %add3A_204 = arith.constant 128 : i32
    %add3A_205 = arith.addi %select_n3A_203, %add3A_204 : i32
    %add3A_206 = arith.constant 0 : i32
    %add3A_207 = arith.addi %add3A, %add3A_206 : i32
    %jit3A_208 = arith.constant 32 : i32
    %eq3A_209 = arith.constant 0 : i32
    %eq3A_210 = arith.cmpi eq, %jit3A_208, %eq3A_209 : i32
    %jit3A_211 = arith.constant 1 : i32
    %select_n3A_212 = arith.select %eq3A_210, %jit3A_211, %jit3A_208 : i32
    %rem3A_213 = arith.remsi %add3A_207, %select_n3A_212 : i32
    %ne3A_214 = arith.constant 0 : i32
    %ne3A_215 = arith.cmpi ne, %rem3A_213, %ne3A_214 : i32
    %lt3A_216 = arith.constant 0 : i32
    %lt3A_217 = arith.cmpi slt, %rem3A_213, %lt3A_216 : i32
    %lt3A_218 = arith.constant 0 : i32
    %lt3A_219 = arith.cmpi slt, %select_n3A_212, %lt3A_218 : i32
    %ne3A_220 = arith.xori %lt3A_217, %lt3A_219 : i1
    %and3A_221 = arith.andi %ne3A_220, %ne3A_215 : i1
    %add3A_222 = arith.addi %rem3A_213, %select_n3A_212 : i32
    %select_n3A_223 = arith.select %and3A_221, %add3A_222, %rem3A_213 : i32
    %add3A_224 = arith.constant 64 : i32
    %add3A_225 = arith.addi %select_n3A_223, %add3A_224 : i32
    %add3A_226 = arith.constant 0 : i32
    %add3A_227 = arith.addi %add3A_226, %add3A_225 : i32
    %dma_wait3A_228 = arith.constant 0 : i32
    %dma_wait3A_229 = tpu.memref_slice %arg4[%add3A_227, %dma_wait3A_228] : memref<456x8192xf32, #tpu.memory_space<hbm>> -> memref<1x8192xf32, #tpu.memory_space<hbm>>
    %dma_wait3A_230 = tpu.memref_squeeze %dma_wait3A_229 : memref<1x8192xf32, #tpu.memory_space<hbm>> -> memref<8192xf32, #tpu.memory_space<hbm>>
    %dma_wait3A_231 = arith.constant 0 : i32
    %dma_wait3A_232 = tpu.memref_slice %arg4[%add3A_227, %dma_wait3A_231] : memref<456x8192xf32, #tpu.memory_space<hbm>> -> memref<1x8192xf32, #tpu.memory_space<hbm>>
    %dma_wait3A_233 = tpu.memref_squeeze %dma_wait3A_232 : memref<1x8192xf32, #tpu.memory_space<hbm>> -> memref<8192xf32, #tpu.memory_space<hbm>>
    tpu.wait_dma2 semaphore(%arg10 : memref<!tpu.dma_semaphore, #tpu.memory_space<semaphore_mem>>) src(%arg7 : memref<8192xf32, #tpu.memory_space<vmem>>) dst(%dma_wait3A_233 : memref<8192xf32, #tpu.memory_space<hbm>>)
    %lt3A_234 = arith.constant 149 : i32
    %lt3A_235 = arith.cmpi slt, %add3A_205, %lt3A_234 : i32
    %convert_element_type3A = arith.extui %lt3A_235 : i1 to i32
    %cond3A = arith.constant 0 : i32
    %cond3A_236 = arith.cmpi ne, %convert_element_type3A, %cond3A : i32
    scf.if %cond3A_236 {
      %run_scoped3A_894 = arith.constant 0 : i32
      "tpu.region"() ({
        %run_scoped3A_909 = tpu.sem_alloc : memref<!tpu.dma_semaphore, #tpu.memory_space<semaphore_mem>>
        %dma_start3A_910 = arith.constant 0 : i32
        %dma_start3A_911 = tpu.memref_slice %arg2[%run_scoped3A_894, %add3A_205, %dma_start3A_910] : memref<3x149x100000xf32, #tpu.memory_space<hbm>> -> memref<1x1x100000xf32, #tpu.memory_space<hbm>>
        %dma_start3A_912 = tpu.memref_squeeze %dma_start3A_911 : memref<1x1x100000xf32, #tpu.memory_space<hbm>> -> memref<100000xf32, #tpu.memory_space<hbm>>
        %dma_start3A_913 = arith.constant 0 : i32
        %dma_start3A_914 = tpu.memref_slice %arg2[%run_scoped3A_894, %add3A_205, %dma_start3A_913] : memref<3x149x100000xf32, #tpu.memory_space<hbm>> -> memref<1x1x100000xf32, #tpu.memory_space<hbm>>
        %dma_start3A_915 = tpu.memref_squeeze %dma_start3A_914 : memref<1x1x100000xf32, #tpu.memory_space<hbm>> -> memref<100000xf32, #tpu.memory_space<hbm>>
        tpu.enqueue_dma source(%dma_start3A_915 : memref<100000xf32, #tpu.memory_space<hbm>>) target(%arg6 : memref<100000xf32, #tpu.memory_space<vmem>>) target_semaphore(%run_scoped3A_909 : memref<!tpu.dma_semaphore, #tpu.memory_space<semaphore_mem>>)
        %dma_wait3A_916 = arith.constant 0 : i32
        %dma_wait3A_917 = tpu.memref_slice %arg2[%run_scoped3A_894, %add3A_205, %dma_wait3A_916] : memref<3x149x100000xf32, #tpu.memory_space<hbm>> -> memref<1x1x100000xf32, #tpu.memory_space<hbm>>
        %dma_wait3A_918 = tpu.memref_squeeze %dma_wait3A_917 : memref<1x1x100000xf32, #tpu.memory_space<hbm>> -> memref<100000xf32, #tpu.memory_space<hbm>>
        %dma_wait3A_919 = arith.constant 0 : i32
        %dma_wait3A_920 = tpu.memref_slice %arg2[%run_scoped3A_894, %add3A_205, %dma_wait3A_919] : memref<3x149x100000xf32, #tpu.memory_space<hbm>> -> memref<1x1x100000xf32, #tpu.memory_space<hbm>>
        %dma_wait3A_921 = tpu.memref_squeeze %dma_wait3A_920 : memref<1x1x100000xf32, #tpu.memory_space<hbm>> -> memref<100000xf32, #tpu.memory_space<hbm>>
        tpu.wait_dma2 semaphore(%run_scoped3A_909 : memref<!tpu.dma_semaphore, #tpu.memory_space<semaphore_mem>>) src(%dma_wait3A_921 : memref<100000xf32, #tpu.memory_space<hbm>>) dst(%arg6 : memref<100000xf32, #tpu.memory_space<vmem>>)
        tpu.yield
      }) : () -> ()
      %scan3A_895 = arith.constant 0 : i32
      %scan3A_896 = arith.constant 0 : i32
      %scan3A_897 = arith.constant 512 : i32
      %scan3A_898 = arith.addi %scan3A_896, %scan3A_897 : i32
      %scan3A_899 = arith.constant 8 : i32
      scf.for %scan3A_909 = %scan3A_896 to %scan3A_898 step %scan3A_899  : i32 {
        %mul3A_910 = arith.constant 16 : i32
        %mul3A_911 = arith.muli %scan3A_909, %mul3A_910 : i32
        %get3A = arith.index_cast %mul3A_911 : i32 to index
        %get3A_912 = tpu.vector_load %arg5[%get3A] {strides = array<i32>} : memref<8192xi32, #tpu.memory_space<vmem>>, vector<16xi32>,
        %gather3A = tpu.vector_load_idx %arg6[%get3A_912] : memref<100000xf32, #tpu.memory_space<vmem>>[vector<16xi32>], vector<16xf32>,
        %mul3A_913 = arith.constant 16 : i32
        %mul3A_914 = arith.muli %scan3A_909, %mul3A_913 : i32
        %swap3A = arith.index_cast %mul3A_914 : i32 to index
        %swap3A_915 = tpu.vector_load %arg7[%swap3A] {strides = array<i32>} : memref<8192xf32, #tpu.memory_space<vmem>>, vector<16xf32>,
        tpu.vector_store %arg7[%swap3A], %gather3A {strides = array<i32>} : memref<8192xf32, #tpu.memory_space<vmem>>, vector<16xf32>,
        %scan3A_916 = arith.constant 1 : i32
        %scan3A_917 = arith.addi %scan3A_909, %scan3A_916 : i32
        %mul3A_918 = arith.constant 16 : i32
        %mul3A_919 = arith.muli %scan3A_917, %mul3A_918 : i32
        %get3A_920 = arith.index_cast %mul3A_919 : i32 to index
        %get3A_921 = tpu.vector_load %arg5[%get3A_920] {strides = array<i32>} : memref<8192xi32, #tpu.memory_space<vmem>>, vector<16xi32>,
        %gather3A_922 = tpu.vector_load_idx %arg6[%get3A_921] : memref<100000xf32, #tpu.memory_space<vmem>>[vector<16xi32>], vector<16xf32>,
        %mul3A_923 = arith.constant 16 : i32
        %mul3A_924 = arith.muli %scan3A_917, %mul3A_923 : i32
        %swap3A_925 = arith.index_cast %mul3A_924 : i32 to index
        %swap3A_926 = tpu.vector_load %arg7[%swap3A_925] {strides = array<i32>} : memref<8192xf32, #tpu.memory_space<vmem>>, vector<16xf32>,
        tpu.vector_store %arg7[%swap3A_925], %gather3A_922 {strides = array<i32>} : memref<8192xf32, #tpu.memory_space<vmem>>, vector<16xf32>,
        %scan3A_927 = arith.constant 2 : i32
        %scan3A_928 = arith.addi %scan3A_909, %scan3A_927 : i32
        %mul3A_929 = arith.constant 16 : i32
        %mul3A_930 = arith.muli %scan3A_928, %mul3A_929 : i32
        %get3A_931 = arith.index_cast %mul3A_930 : i32 to index
        %get3A_932 = tpu.vector_load %arg5[%get3A_931] {strides = array<i32>} : memref<8192xi32, #tpu.memory_space<vmem>>, vector<16xi32>,
        %gather3A_933 = tpu.vector_load_idx %arg6[%get3A_932] : memref<100000xf32, #tpu.memory_space<vmem>>[vector<16xi32>], vector<16xf32>,
        %mul3A_934 = arith.constant 16 : i32
        %mul3A_935 = arith.muli %scan3A_928, %mul3A_934 : i32
        %swap3A_936 = arith.index_cast %mul3A_935 : i32 to index
        %swap3A_937 = tpu.vector_load %arg7[%swap3A_936] {strides = array<i32>} : memref<8192xf32, #tpu.memory_space<vmem>>, vector<16xf32>,
        tpu.vector_store %arg7[%swap3A_936], %gather3A_933 {strides = array<i32>} : memref<8192xf32, #tpu.memory_space<vmem>>, vector<16xf32>,
        %scan3A_938 = arith.constant 3 : i32
        %scan3A_939 = arith.addi %scan3A_909, %scan3A_938 : i32
        %mul3A_940 = arith.constant 16 : i32
        %mul3A_941 = arith.muli %scan3A_939, %mul3A_940 : i32
        %get3A_942 = arith.index_cast %mul3A_941 : i32 to index
        %get3A_943 = tpu.vector_load %arg5[%get3A_942] {strides = array<i32>} : memref<8192xi32, #tpu.memory_space<vmem>>, vector<16xi32>,
        %gather3A_944 = tpu.vector_load_idx %arg6[%get3A_943] : memref<100000xf32, #tpu.memory_space<vmem>>[vector<16xi32>], vector<16xf32>,
        %mul3A_945 = arith.constant 16 : i32
        %mul3A_946 = arith.muli %scan3A_939, %mul3A_945 : i32
        %swap3A_947 = arith.index_cast %mul3A_946 : i32 to index
        %swap3A_948 = tpu.vector_load %arg7[%swap3A_947] {strides = array<i32>} : memref<8192xf32, #tpu.memory_space<vmem>>, vector<16xf32>,
        tpu.vector_store %arg7[%swap3A_947], %gather3A_944 {strides = array<i32>} : memref<8192xf32, #tpu.memory_space<vmem>>, vector<16xf32>,
        %scan3A_949 = arith.constant 4 : i32
        %scan3A_950 = arith.addi %scan3A_909, %scan3A_949 : i32
        %mul3A_951 = arith.constant 16 : i32
        %mul3A_952 = arith.muli %scan3A_950, %mul3A_951 : i32
        %get3A_953 = arith.index_cast %mul3A_952 : i32 to index
        %get3A_954 = tpu.vector_load %arg5[%get3A_953] {strides = array<i32>} : memref<8192xi32, #tpu.memory_space<vmem>>, vector<16xi32>,
        %gather3A_955 = tpu.vector_load_idx %arg6[%get3A_954] : memref<100000xf32, #tpu.memory_space<vmem>>[vector<16xi32>], vector<16xf32>,
        %mul3A_956 = arith.constant 16 : i32
        %mul3A_957 = arith.muli %scan3A_950, %mul3A_956 : i32
        %swap3A_958 = arith.index_cast %mul3A_957 : i32 to index
        %swap3A_959 = tpu.vector_load %arg7[%swap3A_958] {strides = array<i32>} : memref<8192xf32, #tpu.memory_space<vmem>>, vector<16xf32>,
        tpu.vector_store %arg7[%swap3A_958], %gather3A_955 {strides = array<i32>} : memref<8192xf32, #tpu.memory_space<vmem>>, vector<16xf32>,
        %scan3A_960 = arith.constant 5 : i32
        %scan3A_961 = arith.addi %scan3A_909, %scan3A_960 : i32
        %mul3A_962 = arith.constant 16 : i32
        %mul3A_963 = arith.muli %scan3A_961, %mul3A_962 : i32
        %get3A_964 = arith.index_cast %mul3A_963 : i32 to index
        %get3A_965 = tpu.vector_load %arg5[%get3A_964] {strides = array<i32>} : memref<8192xi32, #tpu.memory_space<vmem>>, vector<16xi32>,
        %gather3A_966 = tpu.vector_load_idx %arg6[%get3A_965] : memref<100000xf32, #tpu.memory_space<vmem>>[vector<16xi32>], vector<16xf32>,
        %mul3A_967 = arith.constant 16 : i32
        %mul3A_968 = arith.muli %scan3A_961, %mul3A_967 : i32
        %swap3A_969 = arith.index_cast %mul3A_968 : i32 to index
        %swap3A_970 = tpu.vector_load %arg7[%swap3A_969] {strides = array<i32>} : memref<8192xf32, #tpu.memory_space<vmem>>, vector<16xf32>,
        tpu.vector_store %arg7[%swap3A_969], %gather3A_966 {strides = array<i32>} : memref<8192xf32, #tpu.memory_space<vmem>>, vector<16xf32>,
        %scan3A_971 = arith.constant 6 : i32
        %scan3A_972 = arith.addi %scan3A_909, %scan3A_971 : i32
        %mul3A_973 = arith.constant 16 : i32
        %mul3A_974 = arith.muli %scan3A_972, %mul3A_973 : i32
        %get3A_975 = arith.index_cast %mul3A_974 : i32 to index
        %get3A_976 = tpu.vector_load %arg5[%get3A_975] {strides = array<i32>} : memref<8192xi32, #tpu.memory_space<vmem>>, vector<16xi32>,
        %gather3A_977 = tpu.vector_load_idx %arg6[%get3A_976] : memref<100000xf32, #tpu.memory_space<vmem>>[vector<16xi32>], vector<16xf32>,
        %mul3A_978 = arith.constant 16 : i32
        %mul3A_979 = arith.muli %scan3A_972, %mul3A_978 : i32
        %swap3A_980 = arith.index_cast %mul3A_979 : i32 to index
        %swap3A_981 = tpu.vector_load %arg7[%swap3A_980] {strides = array<i32>} : memref<8192xf32, #tpu.memory_space<vmem>>, vector<16xf32>,
        tpu.vector_store %arg7[%swap3A_980], %gather3A_977 {strides = array<i32>} : memref<8192xf32, #tpu.memory_space<vmem>>, vector<16xf32>,
        %scan3A_982 = arith.constant 7 : i32
        %scan3A_983 = arith.addi %scan3A_909, %scan3A_982 : i32
        %mul3A_984 = arith.constant 16 : i32
        %mul3A_985 = arith.muli %scan3A_983, %mul3A_984 : i32
        %get3A_986 = arith.index_cast %mul3A_985 : i32 to index
        %get3A_987 = tpu.vector_load %arg5[%get3A_986] {strides = array<i32>} : memref<8192xi32, #tpu.memory_space<vmem>>, vector<16xi32>,
        %gather3A_988 = tpu.vector_load_idx %arg6[%get3A_987] : memref<100000xf32, #tpu.memory_space<vmem>>[vector<16xi32>], vector<16xf32>,
        %mul3A_989 = arith.constant 16 : i32
        %mul3A_990 = arith.muli %scan3A_983, %mul3A_989 : i32
        %swap3A_991 = arith.index_cast %mul3A_990 : i32 to index
        %swap3A_992 = tpu.vector_load %arg7[%swap3A_991] {strides = array<i32>} : memref<8192xf32, #tpu.memory_space<vmem>>, vector<16xf32>,
        tpu.vector_store %arg7[%swap3A_991], %gather3A_988 {strides = array<i32>} : memref<8192xf32, #tpu.memory_space<vmem>>, vector<16xf32>,
      }
      %scan3A_900 = arith.constant 512 : i32
      %add3A_901 = arith.constant 0 : i32
      %add3A_902 = arith.addi %add3A_901, %add3A_205 : i32
      %dma_start3A_903 = arith.constant 0 : i32
      %dma_start3A_904 = tpu.memref_slice %arg4[%add3A_902, %dma_start3A_903] : memref<456x8192xf32, #tpu.memory_space<hbm>> -> memref<1x8192xf32, #tpu.memory_space<hbm>>
      %dma_start3A_905 = tpu.memref_squeeze %dma_start3A_904 : memref<1x8192xf32, #tpu.memory_space<hbm>> -> memref<8192xf32, #tpu.memory_space<hbm>>
      %dma_start3A_906 = arith.constant 0 : i32
      %dma_start3A_907 = tpu.memref_slice %arg4[%add3A_902, %dma_start3A_906] : memref<456x8192xf32, #tpu.memory_space<hbm>> -> memref<1x8192xf32, #tpu.memory_space<hbm>>
      %dma_start3A_908 = tpu.memref_squeeze %dma_start3A_907 : memref<1x8192xf32, #tpu.memory_space<hbm>> -> memref<8192xf32, #tpu.memory_space<hbm>>
      tpu.enqueue_dma source(%arg7 : memref<8192xf32, #tpu.memory_space<vmem>>) target(%dma_start3A_908 : memref<8192xf32, #tpu.memory_space<hbm>>) target_semaphore(%arg10 : memref<!tpu.dma_semaphore, #tpu.memory_space<semaphore_mem>>)
    } else {
    }
    %add3A_237 = arith.constant 11 : i32
    %add3A_238 = arith.addi %add3A, %add3A_237 : i32
    %jit3A_239 = arith.constant 32 : i32
    %eq3A_240 = arith.constant 0 : i32
    %eq3A_241 = arith.cmpi eq, %jit3A_239, %eq3A_240 : i32
    %jit3A_242 = arith.constant 1 : i32
    %select_n3A_243 = arith.select %eq3A_241, %jit3A_242, %jit3A_239 : i32
    %rem3A_244 = arith.remsi %add3A_238, %select_n3A_243 : i32
    %ne3A_245 = arith.constant 0 : i32
    %ne3A_246 = arith.cmpi ne, %rem3A_244, %ne3A_245 : i32
    %lt3A_247 = arith.constant 0 : i32
    %lt3A_248 = arith.cmpi slt, %rem3A_244, %lt3A_247 : i32
    %lt3A_249 = arith.constant 0 : i32
    %lt3A_250 = arith.cmpi slt, %select_n3A_243, %lt3A_249 : i32
    %ne3A_251 = arith.xori %lt3A_248, %lt3A_250 : i1
    %and3A_252 = arith.andi %ne3A_251, %ne3A_246 : i1
    %add3A_253 = arith.addi %rem3A_244, %select_n3A_243 : i32
    %select_n3A_254 = arith.select %and3A_252, %add3A_253, %rem3A_244 : i32
    %add3A_255 = arith.constant 0 : i32
    %add3A_256 = arith.addi %select_n3A_254, %add3A_255 : i32
    %add3A_257 = arith.constant 0 : i32
    %add3A_258 = arith.addi %add3A, %add3A_257 : i32
    %jit3A_259 = arith.constant 32 : i32
    %eq3A_260 = arith.constant 0 : i32
    %eq3A_261 = arith.cmpi eq, %jit3A_259, %eq3A_260 : i32
    %jit3A_262 = arith.constant 1 : i32
    %select_n3A_263 = arith.select %eq3A_261, %jit3A_262, %jit3A_259 : i32
    %rem3A_264 = arith.remsi %add3A_258, %select_n3A_263 : i32
    %ne3A_265 = arith.constant 0 : i32
    %ne3A_266 = arith.cmpi ne, %rem3A_264, %ne3A_265 : i32
    %lt3A_267 = arith.constant 0 : i32
    %lt3A_268 = arith.cmpi slt, %rem3A_264, %lt3A_267 : i32
    %lt3A_269 = arith.constant 0 : i32
    %lt3A_270 = arith.cmpi slt, %select_n3A_263, %lt3A_269 : i32
    %ne3A_271 = arith.xori %lt3A_268, %lt3A_270 : i1
    %and3A_272 = arith.andi %ne3A_271, %ne3A_266 : i1
    %add3A_273 = arith.addi %rem3A_264, %select_n3A_263 : i32
    %select_n3A_274 = arith.select %and3A_272, %add3A_273, %rem3A_264 : i32
    %add3A_275 = arith.constant 96 : i32
    %add3A_276 = arith.addi %select_n3A_274, %add3A_275 : i32
    %add3A_277 = arith.constant 0 : i32
    %add3A_278 = arith.addi %add3A_277, %add3A_276 : i32
    %dma_wait3A_279 = arith.constant 0 : i32
    %dma_wait3A_280 = tpu.memref_slice %arg4[%add3A_278, %dma_wait3A_279] : memref<456x8192xf32, #tpu.memory_space<hbm>> -> memref<1x8192xf32, #tpu.memory_space<hbm>>
    %dma_wait3A_281 = tpu.memref_squeeze %dma_wait3A_280 : memref<1x8192xf32, #tpu.memory_space<hbm>> -> memref<8192xf32, #tpu.memory_space<hbm>>
    %dma_wait3A_282 = arith.constant 0 : i32
    %dma_wait3A_283 = tpu.memref_slice %arg4[%add3A_278, %dma_wait3A_282] : memref<456x8192xf32, #tpu.memory_space<hbm>> -> memref<1x8192xf32, #tpu.memory_space<hbm>>
    %dma_wait3A_284 = tpu.memref_squeeze %dma_wait3A_283 : memref<1x8192xf32, #tpu.memory_space<hbm>> -> memref<8192xf32, #tpu.memory_space<hbm>>
    tpu.wait_dma2 semaphore(%arg11 : memref<!tpu.dma_semaphore, #tpu.memory_space<semaphore_mem>>) src(%arg8 : memref<8192xf32, #tpu.memory_space<vmem>>) dst(%dma_wait3A_284 : memref<8192xf32, #tpu.memory_space<hbm>>)
    %run_scoped3A_285 = arith.constant 1 : i32
    "tpu.region"() ({
      %run_scoped3A_894 = tpu.sem_alloc : memref<!tpu.dma_semaphore, #tpu.memory_space<semaphore_mem>>
      %dma_start3A_895 = arith.constant 0 : i32
      %dma_start3A_896 = tpu.memref_slice %arg2[%run_scoped3A_285, %add3A_256, %dma_start3A_895] : memref<3x149x100000xf32, #tpu.memory_space<hbm>> -> memref<1x1x100000xf32, #tpu.memory_space<hbm>>
      %dma_start3A_897 = tpu.memref_squeeze %dma_start3A_896 : memref<1x1x100000xf32, #tpu.memory_space<hbm>> -> memref<100000xf32, #tpu.memory_space<hbm>>
      %dma_start3A_898 = arith.constant 0 : i32
      %dma_start3A_899 = tpu.memref_slice %arg2[%run_scoped3A_285, %add3A_256, %dma_start3A_898] : memref<3x149x100000xf32, #tpu.memory_space<hbm>> -> memref<1x1x100000xf32, #tpu.memory_space<hbm>>
      %dma_start3A_900 = tpu.memref_squeeze %dma_start3A_899 : memref<1x1x100000xf32, #tpu.memory_space<hbm>> -> memref<100000xf32, #tpu.memory_space<hbm>>
      tpu.enqueue_dma source(%dma_start3A_900 : memref<100000xf32, #tpu.memory_space<hbm>>) target(%arg6 : memref<100000xf32, #tpu.memory_space<vmem>>) target_semaphore(%run_scoped3A_894 : memref<!tpu.dma_semaphore, #tpu.memory_space<semaphore_mem>>)
      %dma_wait3A_901 = arith.constant 0 : i32
      %dma_wait3A_902 = tpu.memref_slice %arg2[%run_scoped3A_285, %add3A_256, %dma_wait3A_901] : memref<3x149x100000xf32, #tpu.memory_space<hbm>> -> memref<1x1x100000xf32, #tpu.memory_space<hbm>>
      %dma_wait3A_903 = tpu.memref_squeeze %dma_wait3A_902 : memref<1x1x100000xf32, #tpu.memory_space<hbm>> -> memref<100000xf32, #tpu.memory_space<hbm>>
      %dma_wait3A_904 = arith.constant 0 : i32
      %dma_wait3A_905 = tpu.memref_slice %arg2[%run_scoped3A_285, %add3A_256, %dma_wait3A_904] : memref<3x149x100000xf32, #tpu.memory_space<hbm>> -> memref<1x1x100000xf32, #tpu.memory_space<hbm>>
      %dma_wait3A_906 = tpu.memref_squeeze %dma_wait3A_905 : memref<1x1x100000xf32, #tpu.memory_space<hbm>> -> memref<100000xf32, #tpu.memory_space<hbm>>
      tpu.wait_dma2 semaphore(%run_scoped3A_894 : memref<!tpu.dma_semaphore, #tpu.memory_space<semaphore_mem>>) src(%dma_wait3A_906 : memref<100000xf32, #tpu.memory_space<hbm>>) dst(%arg6 : memref<100000xf32, #tpu.memory_space<vmem>>)
      tpu.yield
    }) : () -> ()
    %scan3A_286 = arith.constant 0 : i32
    %scan3A_287 = arith.constant 0 : i32
    %scan3A_288 = arith.constant 512 : i32
    %scan3A_289 = arith.addi %scan3A_287, %scan3A_288 : i32
    %scan3A_290 = arith.constant 8 : i32
    scf.for %scan3A_894 = %scan3A_287 to %scan3A_289 step %scan3A_290  : i32 {
      %mul3A_895 = arith.constant 16 : i32
      %mul3A_896 = arith.muli %scan3A_894, %mul3A_895 : i32
      %get3A = arith.index_cast %mul3A_896 : i32 to index
      %get3A_897 = tpu.vector_load %arg5[%get3A] {strides = array<i32>} : memref<8192xi32, #tpu.memory_space<vmem>>, vector<16xi32>,
      %gather3A = tpu.vector_load_idx %arg6[%get3A_897] : memref<100000xf32, #tpu.memory_space<vmem>>[vector<16xi32>], vector<16xf32>,
      %mul3A_898 = arith.constant 16 : i32
      %mul3A_899 = arith.muli %scan3A_894, %mul3A_898 : i32
      %swap3A = arith.index_cast %mul3A_899 : i32 to index
      %swap3A_900 = tpu.vector_load %arg8[%swap3A] {strides = array<i32>} : memref<8192xf32, #tpu.memory_space<vmem>>, vector<16xf32>,
      tpu.vector_store %arg8[%swap3A], %gather3A {strides = array<i32>} : memref<8192xf32, #tpu.memory_space<vmem>>, vector<16xf32>,
      %scan3A_901 = arith.constant 1 : i32
      %scan3A_902 = arith.addi %scan3A_894, %scan3A_901 : i32
      %mul3A_903 = arith.constant 16 : i32
      %mul3A_904 = arith.muli %scan3A_902, %mul3A_903 : i32
      %get3A_905 = arith.index_cast %mul3A_904 : i32 to index
      %get3A_906 = tpu.vector_load %arg5[%get3A_905] {strides = array<i32>} : memref<8192xi32, #tpu.memory_space<vmem>>, vector<16xi32>,
      %gather3A_907 = tpu.vector_load_idx %arg6[%get3A_906] : memref<100000xf32, #tpu.memory_space<vmem>>[vector<16xi32>], vector<16xf32>,
      %mul3A_908 = arith.constant 16 : i32
      %mul3A_909 = arith.muli %scan3A_902, %mul3A_908 : i32
      %swap3A_910 = arith.index_cast %mul3A_909 : i32 to index
      %swap3A_911 = tpu.vector_load %arg8[%swap3A_910] {strides = array<i32>} : memref<8192xf32, #tpu.memory_space<vmem>>, vector<16xf32>,
      tpu.vector_store %arg8[%swap3A_910], %gather3A_907 {strides = array<i32>} : memref<8192xf32, #tpu.memory_space<vmem>>, vector<16xf32>,
      %scan3A_912 = arith.constant 2 : i32
      %scan3A_913 = arith.addi %scan3A_894, %scan3A_912 : i32
      %mul3A_914 = arith.constant 16 : i32
      %mul3A_915 = arith.muli %scan3A_913, %mul3A_914 : i32
      %get3A_916 = arith.index_cast %mul3A_915 : i32 to index
      %get3A_917 = tpu.vector_load %arg5[%get3A_916] {strides = array<i32>} : memref<8192xi32, #tpu.memory_space<vmem>>, vector<16xi32>,
      %gather3A_918 = tpu.vector_load_idx %arg6[%get3A_917] : memref<100000xf32, #tpu.memory_space<vmem>>[vector<16xi32>], vector<16xf32>,
      %mul3A_919 = arith.constant 16 : i32
      %mul3A_920 = arith.muli %scan3A_913, %mul3A_919 : i32
      %swap3A_921 = arith.index_cast %mul3A_920 : i32 to index
      %swap3A_922 = tpu.vector_load %arg8[%swap3A_921] {strides = array<i32>} : memref<8192xf32, #tpu.memory_space<vmem>>, vector<16xf32>,
      tpu.vector_store %arg8[%swap3A_921], %gather3A_918 {strides = array<i32>} : memref<8192xf32, #tpu.memory_space<vmem>>, vector<16xf32>,
      %scan3A_923 = arith.constant 3 : i32
      %scan3A_924 = arith.addi %scan3A_894, %scan3A_923 : i32
      %mul3A_925 = arith.constant 16 : i32
      %mul3A_926 = arith.muli %scan3A_924, %mul3A_925 : i32
      %get3A_927 = arith.index_cast %mul3A_926 : i32 to index
      %get3A_928 = tpu.vector_load %arg5[%get3A_927] {strides = array<i32>} : memref<8192xi32, #tpu.memory_space<vmem>>, vector<16xi32>,
      %gather3A_929 = tpu.vector_load_idx %arg6[%get3A_928] : memref<100000xf32, #tpu.memory_space<vmem>>[vector<16xi32>], vector<16xf32>,
      %mul3A_930 = arith.constant 16 : i32
      %mul3A_931 = arith.muli %scan3A_924, %mul3A_930 : i32
      %swap3A_932 = arith.index_cast %mul3A_931 : i32 to index
      %swap3A_933 = tpu.vector_load %arg8[%swap3A_932] {strides = array<i32>} : memref<8192xf32, #tpu.memory_space<vmem>>, vector<16xf32>,
      tpu.vector_store %arg8[%swap3A_932], %gather3A_929 {strides = array<i32>} : memref<8192xf32, #tpu.memory_space<vmem>>, vector<16xf32>,
      %scan3A_934 = arith.constant 4 : i32
      %scan3A_935 = arith.addi %scan3A_894, %scan3A_934 : i32
      %mul3A_936 = arith.constant 16 : i32
      %mul3A_937 = arith.muli %scan3A_935, %mul3A_936 : i32
      %get3A_938 = arith.index_cast %mul3A_937 : i32 to index
      %get3A_939 = tpu.vector_load %arg5[%get3A_938] {strides = array<i32>} : memref<8192xi32, #tpu.memory_space<vmem>>, vector<16xi32>,
      %gather3A_940 = tpu.vector_load_idx %arg6[%get3A_939] : memref<100000xf32, #tpu.memory_space<vmem>>[vector<16xi32>], vector<16xf32>,
      %mul3A_941 = arith.constant 16 : i32
      %mul3A_942 = arith.muli %scan3A_935, %mul3A_941 : i32
      %swap3A_943 = arith.index_cast %mul3A_942 : i32 to index
      %swap3A_944 = tpu.vector_load %arg8[%swap3A_943] {strides = array<i32>} : memref<8192xf32, #tpu.memory_space<vmem>>, vector<16xf32>,
      tpu.vector_store %arg8[%swap3A_943], %gather3A_940 {strides = array<i32>} : memref<8192xf32, #tpu.memory_space<vmem>>, vector<16xf32>,
      %scan3A_945 = arith.constant 5 : i32
      %scan3A_946 = arith.addi %scan3A_894, %scan3A_945 : i32
      %mul3A_947 = arith.constant 16 : i32
      %mul3A_948 = arith.muli %scan3A_946, %mul3A_947 : i32
      %get3A_949 = arith.index_cast %mul3A_948 : i32 to index
      %get3A_950 = tpu.vector_load %arg5[%get3A_949] {strides = array<i32>} : memref<8192xi32, #tpu.memory_space<vmem>>, vector<16xi32>,
      %gather3A_951 = tpu.vector_load_idx %arg6[%get3A_950] : memref<100000xf32, #tpu.memory_space<vmem>>[vector<16xi32>], vector<16xf32>,
      %mul3A_952 = arith.constant 16 : i32
      %mul3A_953 = arith.muli %scan3A_946, %mul3A_952 : i32
      %swap3A_954 = arith.index_cast %mul3A_953 : i32 to index
      %swap3A_955 = tpu.vector_load %arg8[%swap3A_954] {strides = array<i32>} : memref<8192xf32, #tpu.memory_space<vmem>>, vector<16xf32>,
      tpu.vector_store %arg8[%swap3A_954], %gather3A_951 {strides = array<i32>} : memref<8192xf32, #tpu.memory_space<vmem>>, vector<16xf32>,
      %scan3A_956 = arith.constant 6 : i32
      %scan3A_957 = arith.addi %scan3A_894, %scan3A_956 : i32
      %mul3A_958 = arith.constant 16 : i32
      %mul3A_959 = arith.muli %scan3A_957, %mul3A_958 : i32
      %get3A_960 = arith.index_cast %mul3A_959 : i32 to index
      %get3A_961 = tpu.vector_load %arg5[%get3A_960] {strides = array<i32>} : memref<8192xi32, #tpu.memory_space<vmem>>, vector<16xi32>,
      %gather3A_962 = tpu.vector_load_idx %arg6[%get3A_961] : memref<100000xf32, #tpu.memory_space<vmem>>[vector<16xi32>], vector<16xf32>,
      %mul3A_963 = arith.constant 16 : i32
      %mul3A_964 = arith.muli %scan3A_957, %mul3A_963 : i32
      %swap3A_965 = arith.index_cast %mul3A_964 : i32 to index
      %swap3A_966 = tpu.vector_load %arg8[%swap3A_965] {strides = array<i32>} : memref<8192xf32, #tpu.memory_space<vmem>>, vector<16xf32>,
      tpu.vector_store %arg8[%swap3A_965], %gather3A_962 {strides = array<i32>} : memref<8192xf32, #tpu.memory_space<vmem>>, vector<16xf32>,
      %scan3A_967 = arith.constant 7 : i32
      %scan3A_968 = arith.addi %scan3A_894, %scan3A_967 : i32
      %mul3A_969 = arith.constant 16 : i32
      %mul3A_970 = arith.muli %scan3A_968, %mul3A_969 : i32
      %get3A_971 = arith.index_cast %mul3A_970 : i32 to index
      %get3A_972 = tpu.vector_load %arg5[%get3A_971] {strides = array<i32>} : memref<8192xi32, #tpu.memory_space<vmem>>, vector<16xi32>,
      %gather3A_973 = tpu.vector_load_idx %arg6[%get3A_972] : memref<100000xf32, #tpu.memory_space<vmem>>[vector<16xi32>], vector<16xf32>,
      %mul3A_974 = arith.constant 16 : i32
      %mul3A_975 = arith.muli %scan3A_968, %mul3A_974 : i32
      %swap3A_976 = arith.index_cast %mul3A_975 : i32 to index
      %swap3A_977 = tpu.vector_load %arg8[%swap3A_976] {strides = array<i32>} : memref<8192xf32, #tpu.memory_space<vmem>>, vector<16xf32>,
      tpu.vector_store %arg8[%swap3A_976], %gather3A_973 {strides = array<i32>} : memref<8192xf32, #tpu.memory_space<vmem>>, vector<16xf32>,
    }
    %scan3A_291 = arith.constant 512 : i32
    %add3A_292 = arith.constant 152 : i32
    %add3A_293 = arith.addi %add3A_292, %add3A_256 : i32
    %dma_start3A_294 = arith.constant 0 : i32
    %dma_start3A_295 = tpu.memref_slice %arg4[%add3A_293, %dma_start3A_294] : memref<456x8192xf32, #tpu.memory_space<hbm>> -> memref<1x8192xf32, #tpu.memory_space<hbm>>
    %dma_start3A_296 = tpu.memref_squeeze %dma_start3A_295 : memref<1x8192xf32, #tpu.memory_space<hbm>> -> memref<8192xf32, #tpu.memory_space<hbm>>
    %dma_start3A_297 = arith.constant 0 : i32
    %dma_start3A_298 = tpu.memref_slice %arg4[%add3A_293, %dma_start3A_297] : memref<456x8192xf32, #tpu.memory_space<hbm>> -> memref<1x8192xf32, #tpu.memory_space<hbm>>
    %dma_start3A_299 = tpu.memref_squeeze %dma_start3A_298 : memref<1x8192xf32, #tpu.memory_space<hbm>> -> memref<8192xf32, #tpu.memory_space<hbm>>
    tpu.enqueue_dma source(%arg8 : memref<8192xf32, #tpu.memory_space<vmem>>) target(%dma_start3A_299 : memref<8192xf32, #tpu.memory_space<hbm>>) target_semaphore(%arg11 : memref<!tpu.dma_semaphore, #tpu.memory_space<semaphore_mem>>)
    %add3A_300 = arith.constant 11 : i32
    %add3A_301 = arith.addi %add3A, %add3A_300 : i32
    %jit3A_302 = arith.constant 32 : i32
    %eq3A_303 = arith.constant 0 : i32
    %eq3A_304 = arith.cmpi eq, %jit3A_302, %eq3A_303 : i32
    %jit3A_305 = arith.constant 1 : i32
    %select_n3A_306 = arith.select %eq3A_304, %jit3A_305, %jit3A_302 : i32
    %rem3A_307 = arith.remsi %add3A_301, %select_n3A_306 : i32
    %ne3A_308 = arith.constant 0 : i32
    %ne3A_309 = arith.cmpi ne, %rem3A_307, %ne3A_308 : i32
    %lt3A_310 = arith.constant 0 : i32
    %lt3A_311 = arith.cmpi slt, %rem3A_307, %lt3A_310 : i32
    %lt3A_312 = arith.constant 0 : i32
    %lt3A_313 = arith.cmpi slt, %select_n3A_306, %lt3A_312 : i32
    %ne3A_314 = arith.xori %lt3A_311, %lt3A_313 : i1
    %and3A_315 = arith.andi %ne3A_314, %ne3A_309 : i1
    %add3A_316 = arith.addi %rem3A_307, %select_n3A_306 : i32
    %select_n3A_317 = arith.select %and3A_315, %add3A_316, %rem3A_307 : i32
    %add3A_318 = arith.constant 32 : i32
    %add3A_319 = arith.addi %select_n3A_317, %add3A_318 : i32
    %add3A_320 = arith.constant 0 : i32
    %add3A_321 = arith.addi %add3A, %add3A_320 : i32
    %jit3A_322 = arith.constant 32 : i32
    %eq3A_323 = arith.constant 0 : i32
    %eq3A_324 = arith.cmpi eq, %jit3A_322, %eq3A_323 : i32
    %jit3A_325 = arith.constant 1 : i32
    %select_n3A_326 = arith.select %eq3A_324, %jit3A_325, %jit3A_322 : i32
    %rem3A_327 = arith.remsi %add3A_321, %select_n3A_326 : i32
    %ne3A_328 = arith.constant 0 : i32
    %ne3A_329 = arith.cmpi ne, %rem3A_327, %ne3A_328 : i32
    %lt3A_330 = arith.constant 0 : i32
    %lt3A_331 = arith.cmpi slt, %rem3A_327, %lt3A_330 : i32
    %lt3A_332 = arith.constant 0 : i32
    %lt3A_333 = arith.cmpi slt, %select_n3A_326, %lt3A_332 : i32
    %ne3A_334 = arith.xori %lt3A_331, %lt3A_333 : i1
    %and3A_335 = arith.andi %ne3A_334, %ne3A_329 : i1
    %add3A_336 = arith.addi %rem3A_327, %select_n3A_326 : i32
    %select_n3A_337 = arith.select %and3A_335, %add3A_336, %rem3A_327 : i32
    %add3A_338 = arith.constant 128 : i32
    %add3A_339 = arith.addi %select_n3A_337, %add3A_338 : i32
    %lt3A_340 = arith.constant 149 : i32
    %lt3A_341 = arith.cmpi slt, %add3A_339, %lt3A_340 : i32
    %convert_element_type3A_342 = arith.extui %lt3A_341 : i1 to i32
    %cond3A_343 = arith.constant 0 : i32
    %cond3A_344 = arith.cmpi ne, %convert_element_type3A_342, %cond3A_343 : i32
    scf.if %cond3A_344 {
      %add3A_894 = arith.constant 0 : i32
      %add3A_895 = arith.addi %add3A_894, %add3A_339 : i32
      %dma_wait3A_896 = arith.constant 0 : i32
      %dma_wait3A_897 = tpu.memref_slice %arg4[%add3A_895, %dma_wait3A_896] : memref<456x8192xf32, #tpu.memory_space<hbm>> -> memref<1x8192xf32, #tpu.memory_space<hbm>>
      %dma_wait3A_898 = tpu.memref_squeeze %dma_wait3A_897 : memref<1x8192xf32, #tpu.memory_space<hbm>> -> memref<8192xf32, #tpu.memory_space<hbm>>
      %dma_wait3A_899 = arith.constant 0 : i32
      %dma_wait3A_900 = tpu.memref_slice %arg4[%add3A_895, %dma_wait3A_899] : memref<456x8192xf32, #tpu.memory_space<hbm>> -> memref<1x8192xf32, #tpu.memory_space<hbm>>
      %dma_wait3A_901 = tpu.memref_squeeze %dma_wait3A_900 : memref<1x8192xf32, #tpu.memory_space<hbm>> -> memref<8192xf32, #tpu.memory_space<hbm>>
      tpu.wait_dma2 semaphore(%arg10 : memref<!tpu.dma_semaphore, #tpu.memory_space<semaphore_mem>>) src(%arg7 : memref<8192xf32, #tpu.memory_space<vmem>>) dst(%dma_wait3A_901 : memref<8192xf32, #tpu.memory_space<hbm>>)
    } else {
    }
    %run_scoped3A_345 = arith.constant 1 : i32
    "tpu.region"() ({
      %run_scoped3A_894 = tpu.sem_alloc : memref<!tpu.dma_semaphore, #tpu.memory_space<semaphore_mem>>
      %dma_start3A_895 = arith.constant 0 : i32
      %dma_start3A_896 = tpu.memref_slice %arg2[%run_scoped3A_345, %add3A_319, %dma_start3A_895] : memref<3x149x100000xf32, #tpu.memory_space<hbm>> -> memref<1x1x100000xf32, #tpu.memory_space<hbm>>
      %dma_start3A_897 = tpu.memref_squeeze %dma_start3A_896 : memref<1x1x100000xf32, #tpu.memory_space<hbm>> -> memref<100000xf32, #tpu.memory_space<hbm>>
      %dma_start3A_898 = arith.constant 0 : i32
      %dma_start3A_899 = tpu.memref_slice %arg2[%run_scoped3A_345, %add3A_319, %dma_start3A_898] : memref<3x149x100000xf32, #tpu.memory_space<hbm>> -> memref<1x1x100000xf32, #tpu.memory_space<hbm>>
      %dma_start3A_900 = tpu.memref_squeeze %dma_start3A_899 : memref<1x1x100000xf32, #tpu.memory_space<hbm>> -> memref<100000xf32, #tpu.memory_space<hbm>>
      tpu.enqueue_dma source(%dma_start3A_900 : memref<100000xf32, #tpu.memory_space<hbm>>) target(%arg6 : memref<100000xf32, #tpu.memory_space<vmem>>) target_semaphore(%run_scoped3A_894 : memref<!tpu.dma_semaphore, #tpu.memory_space<semaphore_mem>>)
      %dma_wait3A_901 = arith.constant 0 : i32
      %dma_wait3A_902 = tpu.memref_slice %arg2[%run_scoped3A_345, %add3A_319, %dma_wait3A_901] : memref<3x149x100000xf32, #tpu.memory_space<hbm>> -> memref<1x1x100000xf32, #tpu.memory_space<hbm>>
      %dma_wait3A_903 = tpu.memref_squeeze %dma_wait3A_902 : memref<1x1x100000xf32, #tpu.memory_space<hbm>> -> memref<100000xf32, #tpu.memory_space<hbm>>
      %dma_wait3A_904 = arith.constant 0 : i32
      %dma_wait3A_905 = tpu.memref_slice %arg2[%run_scoped3A_345, %add3A_319, %dma_wait3A_904] : memref<3x149x100000xf32, #tpu.memory_space<hbm>> -> memref<1x1x100000xf32, #tpu.memory_space<hbm>>
      %dma_wait3A_906 = tpu.memref_squeeze %dma_wait3A_905 : memref<1x1x100000xf32, #tpu.memory_space<hbm>> -> memref<100000xf32, #tpu.memory_space<hbm>>
      tpu.wait_dma2 semaphore(%run_scoped3A_894 : memref<!tpu.dma_semaphore, #tpu.memory_space<semaphore_mem>>) src(%dma_wait3A_906 : memref<100000xf32, #tpu.memory_space<hbm>>) dst(%arg6 : memref<100000xf32, #tpu.memory_space<vmem>>)
      tpu.yield
    }) : () -> ()
    %scan3A_346 = arith.constant 0 : i32
    %scan3A_347 = arith.constant 0 : i32
    %scan3A_348 = arith.constant 512 : i32
    %scan3A_349 = arith.addi %scan3A_347, %scan3A_348 : i32
    %scan3A_350 = arith.constant 8 : i32
    scf.for %scan3A_894 = %scan3A_347 to %scan3A_349 step %scan3A_350  : i32 {
      %mul3A_895 = arith.constant 16 : i32
      %mul3A_896 = arith.muli %scan3A_894, %mul3A_895 : i32
      %get3A = arith.index_cast %mul3A_896 : i32 to index
      %get3A_897 = tpu.vector_load %arg5[%get3A] {strides = array<i32>} : memref<8192xi32, #tpu.memory_space<vmem>>, vector<16xi32>,
      %gather3A = tpu.vector_load_idx %arg6[%get3A_897] : memref<100000xf32, #tpu.memory_space<vmem>>[vector<16xi32>], vector<16xf32>,
      %mul3A_898 = arith.constant 16 : i32
      %mul3A_899 = arith.muli %scan3A_894, %mul3A_898 : i32
      %swap3A = arith.index_cast %mul3A_899 : i32 to index
      %swap3A_900 = tpu.vector_load %arg7[%swap3A] {strides = array<i32>} : memref<8192xf32, #tpu.memory_space<vmem>>, vector<16xf32>,
      tpu.vector_store %arg7[%swap3A], %gather3A {strides = array<i32>} : memref<8192xf32, #tpu.memory_space<vmem>>, vector<16xf32>,
      %scan3A_901 = arith.constant 1 : i32
      %scan3A_902 = arith.addi %scan3A_894, %scan3A_901 : i32
      %mul3A_903 = arith.constant 16 : i32
      %mul3A_904 = arith.muli %scan3A_902, %mul3A_903 : i32
      %get3A_905 = arith.index_cast %mul3A_904 : i32 to index
      %get3A_906 = tpu.vector_load %arg5[%get3A_905] {strides = array<i32>} : memref<8192xi32, #tpu.memory_space<vmem>>, vector<16xi32>,
      %gather3A_907 = tpu.vector_load_idx %arg6[%get3A_906] : memref<100000xf32, #tpu.memory_space<vmem>>[vector<16xi32>], vector<16xf32>,
      %mul3A_908 = arith.constant 16 : i32
      %mul3A_909 = arith.muli %scan3A_902, %mul3A_908 : i32
      %swap3A_910 = arith.index_cast %mul3A_909 : i32 to index
      %swap3A_911 = tpu.vector_load %arg7[%swap3A_910] {strides = array<i32>} : memref<8192xf32, #tpu.memory_space<vmem>>, vector<16xf32>,
      tpu.vector_store %arg7[%swap3A_910], %gather3A_907 {strides = array<i32>} : memref<8192xf32, #tpu.memory_space<vmem>>, vector<16xf32>,
      %scan3A_912 = arith.constant 2 : i32
      %scan3A_913 = arith.addi %scan3A_894, %scan3A_912 : i32
      %mul3A_914 = arith.constant 16 : i32
      %mul3A_915 = arith.muli %scan3A_913, %mul3A_914 : i32
      %get3A_916 = arith.index_cast %mul3A_915 : i32 to index
      %get3A_917 = tpu.vector_load %arg5[%get3A_916] {strides = array<i32>} : memref<8192xi32, #tpu.memory_space<vmem>>, vector<16xi32>,
      %gather3A_918 = tpu.vector_load_idx %arg6[%get3A_917] : memref<100000xf32, #tpu.memory_space<vmem>>[vector<16xi32>], vector<16xf32>,
      %mul3A_919 = arith.constant 16 : i32
      %mul3A_920 = arith.muli %scan3A_913, %mul3A_919 : i32
      %swap3A_921 = arith.index_cast %mul3A_920 : i32 to index
      %swap3A_922 = tpu.vector_load %arg7[%swap3A_921] {strides = array<i32>} : memref<8192xf32, #tpu.memory_space<vmem>>, vector<16xf32>,
      tpu.vector_store %arg7[%swap3A_921], %gather3A_918 {strides = array<i32>} : memref<8192xf32, #tpu.memory_space<vmem>>, vector<16xf32>,
      %scan3A_923 = arith.constant 3 : i32
      %scan3A_924 = arith.addi %scan3A_894, %scan3A_923 : i32
      %mul3A_925 = arith.constant 16 : i32
      %mul3A_926 = arith.muli %scan3A_924, %mul3A_925 : i32
      %get3A_927 = arith.index_cast %mul3A_926 : i32 to index
      %get3A_928 = tpu.vector_load %arg5[%get3A_927] {strides = array<i32>} : memref<8192xi32, #tpu.memory_space<vmem>>, vector<16xi32>,
      %gather3A_929 = tpu.vector_load_idx %arg6[%get3A_928] : memref<100000xf32, #tpu.memory_space<vmem>>[vector<16xi32>], vector<16xf32>,
      %mul3A_930 = arith.constant 16 : i32
      %mul3A_931 = arith.muli %scan3A_924, %mul3A_930 : i32
      %swap3A_932 = arith.index_cast %mul3A_931 : i32 to index
      %swap3A_933 = tpu.vector_load %arg7[%swap3A_932] {strides = array<i32>} : memref<8192xf32, #tpu.memory_space<vmem>>, vector<16xf32>,
      tpu.vector_store %arg7[%swap3A_932], %gather3A_929 {strides = array<i32>} : memref<8192xf32, #tpu.memory_space<vmem>>, vector<16xf32>,
      %scan3A_934 = arith.constant 4 : i32
      %scan3A_935 = arith.addi %scan3A_894, %scan3A_934 : i32
      %mul3A_936 = arith.constant 16 : i32
      %mul3A_937 = arith.muli %scan3A_935, %mul3A_936 : i32
      %get3A_938 = arith.index_cast %mul3A_937 : i32 to index
      %get3A_939 = tpu.vector_load %arg5[%get3A_938] {strides = array<i32>} : memref<8192xi32, #tpu.memory_space<vmem>>, vector<16xi32>,
      %gather3A_940 = tpu.vector_load_idx %arg6[%get3A_939] : memref<100000xf32, #tpu.memory_space<vmem>>[vector<16xi32>], vector<16xf32>,
      %mul3A_941 = arith.constant 16 : i32
      %mul3A_942 = arith.muli %scan3A_935, %mul3A_941 : i32
      %swap3A_943 = arith.index_cast %mul3A_942 : i32 to index
      %swap3A_944 = tpu.vector_load %arg7[%swap3A_943] {strides = array<i32>} : memref<8192xf32, #tpu.memory_space<vmem>>, vector<16xf32>,
      tpu.vector_store %arg7[%swap3A_943], %gather3A_940 {strides = array<i32>} : memref<8192xf32, #tpu.memory_space<vmem>>, vector<16xf32>,
      %scan3A_945 = arith.constant 5 : i32
      %scan3A_946 = arith.addi %scan3A_894, %scan3A_945 : i32
      %mul3A_947 = arith.constant 16 : i32
      %mul3A_948 = arith.muli %scan3A_946, %mul3A_947 : i32
      %get3A_949 = arith.index_cast %mul3A_948 : i32 to index
      %get3A_950 = tpu.vector_load %arg5[%get3A_949] {strides = array<i32>} : memref<8192xi32, #tpu.memory_space<vmem>>, vector<16xi32>,
      %gather3A_951 = tpu.vector_load_idx %arg6[%get3A_950] : memref<100000xf32, #tpu.memory_space<vmem>>[vector<16xi32>], vector<16xf32>,
      %mul3A_952 = arith.constant 16 : i32
      %mul3A_953 = arith.muli %scan3A_946, %mul3A_952 : i32
      %swap3A_954 = arith.index_cast %mul3A_953 : i32 to index
      %swap3A_955 = tpu.vector_load %arg7[%swap3A_954] {strides = array<i32>} : memref<8192xf32, #tpu.memory_space<vmem>>, vector<16xf32>,
      tpu.vector_store %arg7[%swap3A_954], %gather3A_951 {strides = array<i32>} : memref<8192xf32, #tpu.memory_space<vmem>>, vector<16xf32>,
      %scan3A_956 = arith.constant 6 : i32
      %scan3A_957 = arith.addi %scan3A_894, %scan3A_956 : i32
      %mul3A_958 = arith.constant 16 : i32
      %mul3A_959 = arith.muli %scan3A_957, %mul3A_958 : i32
      %get3A_960 = arith.index_cast %mul3A_959 : i32 to index
      %get3A_961 = tpu.vector_load %arg5[%get3A_960] {strides = array<i32>} : memref<8192xi32, #tpu.memory_space<vmem>>, vector<16xi32>,
      %gather3A_962 = tpu.vector_load_idx %arg6[%get3A_961] : memref<100000xf32, #tpu.memory_space<vmem>>[vector<16xi32>], vector<16xf32>,
      %mul3A_963 = arith.constant 16 : i32
      %mul3A_964 = arith.muli %scan3A_957, %mul3A_963 : i32
      %swap3A_965 = arith.index_cast %mul3A_964 : i32 to index
      %swap3A_966 = tpu.vector_load %arg7[%swap3A_965] {strides = array<i32>} : memref<8192xf32, #tpu.memory_space<vmem>>, vector<16xf32>,
      tpu.vector_store %arg7[%swap3A_965], %gather3A_962 {strides = array<i32>} : memref<8192xf32, #tpu.memory_space<vmem>>, vector<16xf32>,
      %scan3A_967 = arith.constant 7 : i32
      %scan3A_968 = arith.addi %scan3A_894, %scan3A_967 : i32
      %mul3A_969 = arith.constant 16 : i32
      %mul3A_970 = arith.muli %scan3A_968, %mul3A_969 : i32
      %get3A_971 = arith.index_cast %mul3A_970 : i32 to index
      %get3A_972 = tpu.vector_load %arg5[%get3A_971] {strides = array<i32>} : memref<8192xi32, #tpu.memory_space<vmem>>, vector<16xi32>,
      %gather3A_973 = tpu.vector_load_idx %arg6[%get3A_972] : memref<100000xf32, #tpu.memory_space<vmem>>[vector<16xi32>], vector<16xf32>,
      %mul3A_974 = arith.constant 16 : i32
      %mul3A_975 = arith.muli %scan3A_968, %mul3A_974 : i32
      %swap3A_976 = arith.index_cast %mul3A_975 : i32 to index
      %swap3A_977 = tpu.vector_load %arg7[%swap3A_976] {strides = array<i32>} : memref<8192xf32, #tpu.memory_space<vmem>>, vector<16xf32>,
      tpu.vector_store %arg7[%swap3A_976], %gather3A_973 {strides = array<i32>} : memref<8192xf32, #tpu.memory_space<vmem>>, vector<16xf32>,
    }
    %scan3A_351 = arith.constant 512 : i32
    %add3A_352 = arith.constant 152 : i32
    %add3A_353 = arith.addi %add3A_352, %add3A_319 : i32
    %dma_start3A_354 = arith.constant 0 : i32
    %dma_start3A_355 = tpu.memref_slice %arg4[%add3A_353, %dma_start3A_354] : memref<456x8192xf32, #tpu.memory_space<hbm>> -> memref<1x8192xf32, #tpu.memory_space<hbm>>
    %dma_start3A_356 = tpu.memref_squeeze %dma_start3A_355 : memref<1x8192xf32, #tpu.memory_space<hbm>> -> memref<8192xf32, #tpu.memory_space<hbm>>
    %dma_start3A_357 = arith.constant 0 : i32
    %dma_start3A_358 = tpu.memref_slice %arg4[%add3A_353, %dma_start3A_357] : memref<456x8192xf32, #tpu.memory_space<hbm>> -> memref<1x8192xf32, #tpu.memory_space<hbm>>
    %dma_start3A_359 = tpu.memref_squeeze %dma_start3A_358 : memref<1x8192xf32, #tpu.memory_space<hbm>> -> memref<8192xf32, #tpu.memory_space<hbm>>
    tpu.enqueue_dma source(%arg7 : memref<8192xf32, #tpu.memory_space<vmem>>) target(%dma_start3A_359 : memref<8192xf32, #tpu.memory_space<hbm>>) target_semaphore(%arg10 : memref<!tpu.dma_semaphore, #tpu.memory_space<semaphore_mem>>)
    %add3A_360 = arith.constant 11 : i32
    %add3A_361 = arith.addi %add3A, %add3A_360 : i32
    %jit3A_362 = arith.constant 32 : i32
    %eq3A_363 = arith.constant 0 : i32
    %eq3A_364 = arith.cmpi eq, %jit3A_362, %eq3A_363 : i32
    %jit3A_365 = arith.constant 1 : i32
    %select_n3A_366 = arith.select %eq3A_364, %jit3A_365, %jit3A_362 : i32
    %rem3A_367 = arith.remsi %add3A_361, %select_n3A_366 : i32
    %ne3A_368 = arith.constant 0 : i32
    %ne3A_369 = arith.cmpi ne, %rem3A_367, %ne3A_368 : i32
    %lt3A_370 = arith.constant 0 : i32
    %lt3A_371 = arith.cmpi slt, %rem3A_367, %lt3A_370 : i32
    %lt3A_372 = arith.constant 0 : i32
    %lt3A_373 = arith.cmpi slt, %select_n3A_366, %lt3A_372 : i32
    %ne3A_374 = arith.xori %lt3A_371, %lt3A_373 : i1
    %and3A_375 = arith.andi %ne3A_374, %ne3A_369 : i1
    %add3A_376 = arith.addi %rem3A_367, %select_n3A_366 : i32
    %select_n3A_377 = arith.select %and3A_375, %add3A_376, %rem3A_367 : i32
    %add3A_378 = arith.constant 64 : i32
    %add3A_379 = arith.addi %select_n3A_377, %add3A_378 : i32
    %add3A_380 = arith.constant 11 : i32
    %add3A_381 = arith.addi %add3A, %add3A_380 : i32
    %jit3A_382 = arith.constant 32 : i32
    %eq3A_383 = arith.constant 0 : i32
    %eq3A_384 = arith.cmpi eq, %jit3A_382, %eq3A_383 : i32
    %jit3A_385 = arith.constant 1 : i32
    %select_n3A_386 = arith.select %eq3A_384, %jit3A_385, %jit3A_382 : i32
    %rem3A_387 = arith.remsi %add3A_381, %select_n3A_386 : i32
    %ne3A_388 = arith.constant 0 : i32
    %ne3A_389 = arith.cmpi ne, %rem3A_387, %ne3A_388 : i32
    %lt3A_390 = arith.constant 0 : i32
    %lt3A_391 = arith.cmpi slt, %rem3A_387, %lt3A_390 : i32
    %lt3A_392 = arith.constant 0 : i32
    %lt3A_393 = arith.cmpi slt, %select_n3A_386, %lt3A_392 : i32
    %ne3A_394 = arith.xori %lt3A_391, %lt3A_393 : i1
    %and3A_395 = arith.andi %ne3A_394, %ne3A_389 : i1
    %add3A_396 = arith.addi %rem3A_387, %select_n3A_386 : i32
    %select_n3A_397 = arith.select %and3A_395, %add3A_396, %rem3A_387 : i32
    %add3A_398 = arith.constant 0 : i32
    %add3A_399 = arith.addi %select_n3A_397, %add3A_398 : i32
    %add3A_400 = arith.constant 152 : i32
    %add3A_401 = arith.addi %add3A_400, %add3A_399 : i32
    %dma_wait3A_402 = arith.constant 0 : i32
    %dma_wait3A_403 = tpu.memref_slice %arg4[%add3A_401, %dma_wait3A_402] : memref<456x8192xf32, #tpu.memory_space<hbm>> -> memref<1x8192xf32, #tpu.memory_space<hbm>>
    %dma_wait3A_404 = tpu.memref_squeeze %dma_wait3A_403 : memref<1x8192xf32, #tpu.memory_space<hbm>> -> memref<8192xf32, #tpu.memory_space<hbm>>
    %dma_wait3A_405 = arith.constant 0 : i32
    %dma_wait3A_406 = tpu.memref_slice %arg4[%add3A_401, %dma_wait3A_405] : memref<456x8192xf32, #tpu.memory_space<hbm>> -> memref<1x8192xf32, #tpu.memory_space<hbm>>
    %dma_wait3A_407 = tpu.memref_squeeze %dma_wait3A_406 : memref<1x8192xf32, #tpu.memory_space<hbm>> -> memref<8192xf32, #tpu.memory_space<hbm>>
    tpu.wait_dma2 semaphore(%arg11 : memref<!tpu.dma_semaphore, #tpu.memory_space<semaphore_mem>>) src(%arg8 : memref<8192xf32, #tpu.memory_space<vmem>>) dst(%dma_wait3A_407 : memref<8192xf32, #tpu.memory_space<hbm>>)
    %run_scoped3A_408 = arith.constant 1 : i32
    "tpu.region"() ({
      %run_scoped3A_894 = tpu.sem_alloc : memref<!tpu.dma_semaphore, #tpu.memory_space<semaphore_mem>>
      %dma_start3A_895 = arith.constant 0 : i32
      %dma_start3A_896 = tpu.memref_slice %arg2[%run_scoped3A_408, %add3A_379, %dma_start3A_895] : memref<3x149x100000xf32, #tpu.memory_space<hbm>> -> memref<1x1x100000xf32, #tpu.memory_space<hbm>>
      %dma_start3A_897 = tpu.memref_squeeze %dma_start3A_896 : memref<1x1x100000xf32, #tpu.memory_space<hbm>> -> memref<100000xf32, #tpu.memory_space<hbm>>
      %dma_start3A_898 = arith.constant 0 : i32
      %dma_start3A_899 = tpu.memref_slice %arg2[%run_scoped3A_408, %add3A_379, %dma_start3A_898] : memref<3x149x100000xf32, #tpu.memory_space<hbm>> -> memref<1x1x100000xf32, #tpu.memory_space<hbm>>
      %dma_start3A_900 = tpu.memref_squeeze %dma_start3A_899 : memref<1x1x100000xf32, #tpu.memory_space<hbm>> -> memref<100000xf32, #tpu.memory_space<hbm>>
      tpu.enqueue_dma source(%dma_start3A_900 : memref<100000xf32, #tpu.memory_space<hbm>>) target(%arg6 : memref<100000xf32, #tpu.memory_space<vmem>>) target_semaphore(%run_scoped3A_894 : memref<!tpu.dma_semaphore, #tpu.memory_space<semaphore_mem>>)
      %dma_wait3A_901 = arith.constant 0 : i32
      %dma_wait3A_902 = tpu.memref_slice %arg2[%run_scoped3A_408, %add3A_379, %dma_wait3A_901] : memref<3x149x100000xf32, #tpu.memory_space<hbm>> -> memref<1x1x100000xf32, #tpu.memory_space<hbm>>
      %dma_wait3A_903 = tpu.memref_squeeze %dma_wait3A_902 : memref<1x1x100000xf32, #tpu.memory_space<hbm>> -> memref<100000xf32, #tpu.memory_space<hbm>>
      %dma_wait3A_904 = arith.constant 0 : i32
      %dma_wait3A_905 = tpu.memref_slice %arg2[%run_scoped3A_408, %add3A_379, %dma_wait3A_904] : memref<3x149x100000xf32, #tpu.memory_space<hbm>> -> memref<1x1x100000xf32, #tpu.memory_space<hbm>>
      %dma_wait3A_906 = tpu.memref_squeeze %dma_wait3A_905 : memref<1x1x100000xf32, #tpu.memory_space<hbm>> -> memref<100000xf32, #tpu.memory_space<hbm>>
      tpu.wait_dma2 semaphore(%run_scoped3A_894 : memref<!tpu.dma_semaphore, #tpu.memory_space<semaphore_mem>>) src(%dma_wait3A_906 : memref<100000xf32, #tpu.memory_space<hbm>>) dst(%arg6 : memref<100000xf32, #tpu.memory_space<vmem>>)
      tpu.yield
    }) : () -> ()
    %scan3A_409 = arith.constant 0 : i32
    %scan3A_410 = arith.constant 0 : i32
    %scan3A_411 = arith.constant 512 : i32
    %scan3A_412 = arith.addi %scan3A_410, %scan3A_411 : i32
    %scan3A_413 = arith.constant 8 : i32
    scf.for %scan3A_894 = %scan3A_410 to %scan3A_412 step %scan3A_413  : i32 {
      %mul3A_895 = arith.constant 16 : i32
      %mul3A_896 = arith.muli %scan3A_894, %mul3A_895 : i32
      %get3A = arith.index_cast %mul3A_896 : i32 to index
      %get3A_897 = tpu.vector_load %arg5[%get3A] {strides = array<i32>} : memref<8192xi32, #tpu.memory_space<vmem>>, vector<16xi32>,
      %gather3A = tpu.vector_load_idx %arg6[%get3A_897] : memref<100000xf32, #tpu.memory_space<vmem>>[vector<16xi32>], vector<16xf32>,
      %mul3A_898 = arith.constant 16 : i32
      %mul3A_899 = arith.muli %scan3A_894, %mul3A_898 : i32
      %swap3A = arith.index_cast %mul3A_899 : i32 to index
      %swap3A_900 = tpu.vector_load %arg8[%swap3A] {strides = array<i32>} : memref<8192xf32, #tpu.memory_space<vmem>>, vector<16xf32>,
      tpu.vector_store %arg8[%swap3A], %gather3A {strides = array<i32>} : memref<8192xf32, #tpu.memory_space<vmem>>, vector<16xf32>,
      %scan3A_901 = arith.constant 1 : i32
      %scan3A_902 = arith.addi %scan3A_894, %scan3A_901 : i32
      %mul3A_903 = arith.constant 16 : i32
      %mul3A_904 = arith.muli %scan3A_902, %mul3A_903 : i32
      %get3A_905 = arith.index_cast %mul3A_904 : i32 to index
      %get3A_906 = tpu.vector_load %arg5[%get3A_905] {strides = array<i32>} : memref<8192xi32, #tpu.memory_space<vmem>>, vector<16xi32>,
      %gather3A_907 = tpu.vector_load_idx %arg6[%get3A_906] : memref<100000xf32, #tpu.memory_space<vmem>>[vector<16xi32>], vector<16xf32>,
      %mul3A_908 = arith.constant 16 : i32
      %mul3A_909 = arith.muli %scan3A_902, %mul3A_908 : i32
      %swap3A_910 = arith.index_cast %mul3A_909 : i32 to index
      %swap3A_911 = tpu.vector_load %arg8[%swap3A_910] {strides = array<i32>} : memref<8192xf32, #tpu.memory_space<vmem>>, vector<16xf32>,
      tpu.vector_store %arg8[%swap3A_910], %gather3A_907 {strides = array<i32>} : memref<8192xf32, #tpu.memory_space<vmem>>, vector<16xf32>,
      %scan3A_912 = arith.constant 2 : i32
      %scan3A_913 = arith.addi %scan3A_894, %scan3A_912 : i32
      %mul3A_914 = arith.constant 16 : i32
      %mul3A_915 = arith.muli %scan3A_913, %mul3A_914 : i32
      %get3A_916 = arith.index_cast %mul3A_915 : i32 to index
      %get3A_917 = tpu.vector_load %arg5[%get3A_916] {strides = array<i32>} : memref<8192xi32, #tpu.memory_space<vmem>>, vector<16xi32>,
      %gather3A_918 = tpu.vector_load_idx %arg6[%get3A_917] : memref<100000xf32, #tpu.memory_space<vmem>>[vector<16xi32>], vector<16xf32>,
      %mul3A_919 = arith.constant 16 : i32
      %mul3A_920 = arith.muli %scan3A_913, %mul3A_919 : i32
      %swap3A_921 = arith.index_cast %mul3A_920 : i32 to index
      %swap3A_922 = tpu.vector_load %arg8[%swap3A_921] {strides = array<i32>} : memref<8192xf32, #tpu.memory_space<vmem>>, vector<16xf32>,
      tpu.vector_store %arg8[%swap3A_921], %gather3A_918 {strides = array<i32>} : memref<8192xf32, #tpu.memory_space<vmem>>, vector<16xf32>,
      %scan3A_923 = arith.constant 3 : i32
      %scan3A_924 = arith.addi %scan3A_894, %scan3A_923 : i32
      %mul3A_925 = arith.constant 16 : i32
      %mul3A_926 = arith.muli %scan3A_924, %mul3A_925 : i32
      %get3A_927 = arith.index_cast %mul3A_926 : i32 to index
      %get3A_928 = tpu.vector_load %arg5[%get3A_927] {strides = array<i32>} : memref<8192xi32, #tpu.memory_space<vmem>>, vector<16xi32>,
      %gather3A_929 = tpu.vector_load_idx %arg6[%get3A_928] : memref<100000xf32, #tpu.memory_space<vmem>>[vector<16xi32>], vector<16xf32>,
      %mul3A_930 = arith.constant 16 : i32
      %mul3A_931 = arith.muli %scan3A_924, %mul3A_930 : i32
      %swap3A_932 = arith.index_cast %mul3A_931 : i32 to index
      %swap3A_933 = tpu.vector_load %arg8[%swap3A_932] {strides = array<i32>} : memref<8192xf32, #tpu.memory_space<vmem>>, vector<16xf32>,
      tpu.vector_store %arg8[%swap3A_932], %gather3A_929 {strides = array<i32>} : memref<8192xf32, #tpu.memory_space<vmem>>, vector<16xf32>,
      %scan3A_934 = arith.constant 4 : i32
      %scan3A_935 = arith.addi %scan3A_894, %scan3A_934 : i32
      %mul3A_936 = arith.constant 16 : i32
      %mul3A_937 = arith.muli %scan3A_935, %mul3A_936 : i32
      %get3A_938 = arith.index_cast %mul3A_937 : i32 to index
      %get3A_939 = tpu.vector_load %arg5[%get3A_938] {strides = array<i32>} : memref<8192xi32, #tpu.memory_space<vmem>>, vector<16xi32>,
      %gather3A_940 = tpu.vector_load_idx %arg6[%get3A_939] : memref<100000xf32, #tpu.memory_space<vmem>>[vector<16xi32>], vector<16xf32>,
      %mul3A_941 = arith.constant 16 : i32
      %mul3A_942 = arith.muli %scan3A_935, %mul3A_941 : i32
      %swap3A_943 = arith.index_cast %mul3A_942 : i32 to index
      %swap3A_944 = tpu.vector_load %arg8[%swap3A_943] {strides = array<i32>} : memref<8192xf32, #tpu.memory_space<vmem>>, vector<16xf32>,
      tpu.vector_store %arg8[%swap3A_943], %gather3A_940 {strides = array<i32>} : memref<8192xf32, #tpu.memory_space<vmem>>, vector<16xf32>,
      %scan3A_945 = arith.constant 5 : i32
      %scan3A_946 = arith.addi %scan3A_894, %scan3A_945 : i32
      %mul3A_947 = arith.constant 16 : i32
      %mul3A_948 = arith.muli %scan3A_946, %mul3A_947 : i32
      %get3A_949 = arith.index_cast %mul3A_948 : i32 to index
      %get3A_950 = tpu.vector_load %arg5[%get3A_949] {strides = array<i32>} : memref<8192xi32, #tpu.memory_space<vmem>>, vector<16xi32>,
      %gather3A_951 = tpu.vector_load_idx %arg6[%get3A_950] : memref<100000xf32, #tpu.memory_space<vmem>>[vector<16xi32>], vector<16xf32>,
      %mul3A_952 = arith.constant 16 : i32
      %mul3A_953 = arith.muli %scan3A_946, %mul3A_952 : i32
      %swap3A_954 = arith.index_cast %mul3A_953 : i32 to index
      %swap3A_955 = tpu.vector_load %arg8[%swap3A_954] {strides = array<i32>} : memref<8192xf32, #tpu.memory_space<vmem>>, vector<16xf32>,
      tpu.vector_store %arg8[%swap3A_954], %gather3A_951 {strides = array<i32>} : memref<8192xf32, #tpu.memory_space<vmem>>, vector<16xf32>,
      %scan3A_956 = arith.constant 6 : i32
      %scan3A_957 = arith.addi %scan3A_894, %scan3A_956 : i32
      %mul3A_958 = arith.constant 16 : i32
      %mul3A_959 = arith.muli %scan3A_957, %mul3A_958 : i32
      %get3A_960 = arith.index_cast %mul3A_959 : i32 to index
      %get3A_961 = tpu.vector_load %arg5[%get3A_960] {strides = array<i32>} : memref<8192xi32, #tpu.memory_space<vmem>>, vector<16xi32>,
      %gather3A_962 = tpu.vector_load_idx %arg6[%get3A_961] : memref<100000xf32, #tpu.memory_space<vmem>>[vector<16xi32>], vector<16xf32>,
      %mul3A_963 = arith.constant 16 : i32
      %mul3A_964 = arith.muli %scan3A_957, %mul3A_963 : i32
      %swap3A_965 = arith.index_cast %mul3A_964 : i32 to index
      %swap3A_966 = tpu.vector_load %arg8[%swap3A_965] {strides = array<i32>} : memref<8192xf32, #tpu.memory_space<vmem>>, vector<16xf32>,
      tpu.vector_store %arg8[%swap3A_965], %gather3A_962 {strides = array<i32>} : memref<8192xf32, #tpu.memory_space<vmem>>, vector<16xf32>,
      %scan3A_967 = arith.constant 7 : i32
      %scan3A_968 = arith.addi %scan3A_894, %scan3A_967 : i32
      %mul3A_969 = arith.constant 16 : i32
      %mul3A_970 = arith.muli %scan3A_968, %mul3A_969 : i32
      %get3A_971 = arith.index_cast %mul3A_970 : i32 to index
      %get3A_972 = tpu.vector_load %arg5[%get3A_971] {strides = array<i32>} : memref<8192xi32, #tpu.memory_space<vmem>>, vector<16xi32>,
      %gather3A_973 = tpu.vector_load_idx %arg6[%get3A_972] : memref<100000xf32, #tpu.memory_space<vmem>>[vector<16xi32>], vector<16xf32>,
      %mul3A_974 = arith.constant 16 : i32
      %mul3A_975 = arith.muli %scan3A_968, %mul3A_974 : i32
      %swap3A_976 = arith.index_cast %mul3A_975 : i32 to index
      %swap3A_977 = tpu.vector_load %arg8[%swap3A_976] {strides = array<i32>} : memref<8192xf32, #tpu.memory_space<vmem>>, vector<16xf32>,
      tpu.vector_store %arg8[%swap3A_976], %gather3A_973 {strides = array<i32>} : memref<8192xf32, #tpu.memory_space<vmem>>, vector<16xf32>,
    }
    %scan3A_414 = arith.constant 512 : i32
    %add3A_415 = arith.constant 152 : i32
    %add3A_416 = arith.addi %add3A_415, %add3A_379 : i32
    %dma_start3A_417 = arith.constant 0 : i32
    %dma_start3A_418 = tpu.memref_slice %arg4[%add3A_416, %dma_start3A_417] : memref<456x8192xf32, #tpu.memory_space<hbm>> -> memref<1x8192xf32, #tpu.memory_space<hbm>>
    %dma_start3A_419 = tpu.memref_squeeze %dma_start3A_418 : memref<1x8192xf32, #tpu.memory_space<hbm>> -> memref<8192xf32, #tpu.memory_space<hbm>>
    %dma_start3A_420 = arith.constant 0 : i32
    %dma_start3A_421 = tpu.memref_slice %arg4[%add3A_416, %dma_start3A_420] : memref<456x8192xf32, #tpu.memory_space<hbm>> -> memref<1x8192xf32, #tpu.memory_space<hbm>>
    %dma_start3A_422 = tpu.memref_squeeze %dma_start3A_421 : memref<1x8192xf32, #tpu.memory_space<hbm>> -> memref<8192xf32, #tpu.memory_space<hbm>>
    tpu.enqueue_dma source(%arg8 : memref<8192xf32, #tpu.memory_space<vmem>>) target(%dma_start3A_422 : memref<8192xf32, #tpu.memory_space<hbm>>) target_semaphore(%arg11 : memref<!tpu.dma_semaphore, #tpu.memory_space<semaphore_mem>>)
    %add3A_423 = arith.constant 11 : i32
    %add3A_424 = arith.addi %add3A, %add3A_423 : i32
    %jit3A_425 = arith.constant 32 : i32
    %eq3A_426 = arith.constant 0 : i32
    %eq3A_427 = arith.cmpi eq, %jit3A_425, %eq3A_426 : i32
    %jit3A_428 = arith.constant 1 : i32
    %select_n3A_429 = arith.select %eq3A_427, %jit3A_428, %jit3A_425 : i32
    %rem3A_430 = arith.remsi %add3A_424, %select_n3A_429 : i32
    %ne3A_431 = arith.constant 0 : i32
    %ne3A_432 = arith.cmpi ne, %rem3A_430, %ne3A_431 : i32
    %lt3A_433 = arith.constant 0 : i32
    %lt3A_434 = arith.cmpi slt, %rem3A_430, %lt3A_433 : i32
    %lt3A_435 = arith.constant 0 : i32
    %lt3A_436 = arith.cmpi slt, %select_n3A_429, %lt3A_435 : i32
    %ne3A_437 = arith.xori %lt3A_434, %lt3A_436 : i1
    %and3A_438 = arith.andi %ne3A_437, %ne3A_432 : i1
    %add3A_439 = arith.addi %rem3A_430, %select_n3A_429 : i32
    %select_n3A_440 = arith.select %and3A_438, %add3A_439, %rem3A_430 : i32
    %add3A_441 = arith.constant 96 : i32
    %add3A_442 = arith.addi %select_n3A_440, %add3A_441 : i32
    %add3A_443 = arith.constant 11 : i32
    %add3A_444 = arith.addi %add3A, %add3A_443 : i32
    %jit3A_445 = arith.constant 32 : i32
    %eq3A_446 = arith.constant 0 : i32
    %eq3A_447 = arith.cmpi eq, %jit3A_445, %eq3A_446 : i32
    %jit3A_448 = arith.constant 1 : i32
    %select_n3A_449 = arith.select %eq3A_447, %jit3A_448, %jit3A_445 : i32
    %rem3A_450 = arith.remsi %add3A_444, %select_n3A_449 : i32
    %ne3A_451 = arith.constant 0 : i32
    %ne3A_452 = arith.cmpi ne, %rem3A_450, %ne3A_451 : i32
    %lt3A_453 = arith.constant 0 : i32
    %lt3A_454 = arith.cmpi slt, %rem3A_450, %lt3A_453 : i32
    %lt3A_455 = arith.constant 0 : i32
    %lt3A_456 = arith.cmpi slt, %select_n3A_449, %lt3A_455 : i32
    %ne3A_457 = arith.xori %lt3A_454, %lt3A_456 : i1
    %and3A_458 = arith.andi %ne3A_457, %ne3A_452 : i1
    %add3A_459 = arith.addi %rem3A_450, %select_n3A_449 : i32
    %select_n3A_460 = arith.select %and3A_458, %add3A_459, %rem3A_450 : i32
    %add3A_461 = arith.constant 32 : i32
    %add3A_462 = arith.addi %select_n3A_460, %add3A_461 : i32
    %add3A_463 = arith.constant 152 : i32
    %add3A_464 = arith.addi %add3A_463, %add3A_462 : i32
    %dma_wait3A_465 = arith.constant 0 : i32
    %dma_wait3A_466 = tpu.memref_slice %arg4[%add3A_464, %dma_wait3A_465] : memref<456x8192xf32, #tpu.memory_space<hbm>> -> memref<1x8192xf32, #tpu.memory_space<hbm>>
    %dma_wait3A_467 = tpu.memref_squeeze %dma_wait3A_466 : memref<1x8192xf32, #tpu.memory_space<hbm>> -> memref<8192xf32, #tpu.memory_space<hbm>>
    %dma_wait3A_468 = arith.constant 0 : i32
    %dma_wait3A_469 = tpu.memref_slice %arg4[%add3A_464, %dma_wait3A_468] : memref<456x8192xf32, #tpu.memory_space<hbm>> -> memref<1x8192xf32, #tpu.memory_space<hbm>>
    %dma_wait3A_470 = tpu.memref_squeeze %dma_wait3A_469 : memref<1x8192xf32, #tpu.memory_space<hbm>> -> memref<8192xf32, #tpu.memory_space<hbm>>
    tpu.wait_dma2 semaphore(%arg10 : memref<!tpu.dma_semaphore, #tpu.memory_space<semaphore_mem>>) src(%arg7 : memref<8192xf32, #tpu.memory_space<vmem>>) dst(%dma_wait3A_470 : memref<8192xf32, #tpu.memory_space<hbm>>)
    %run_scoped3A_471 = arith.constant 1 : i32
    "tpu.region"() ({
      %run_scoped3A_894 = tpu.sem_alloc : memref<!tpu.dma_semaphore, #tpu.memory_space<semaphore_mem>>
      %dma_start3A_895 = arith.constant 0 : i32
      %dma_start3A_896 = tpu.memref_slice %arg2[%run_scoped3A_471, %add3A_442, %dma_start3A_895] : memref<3x149x100000xf32, #tpu.memory_space<hbm>> -> memref<1x1x100000xf32, #tpu.memory_space<hbm>>
      %dma_start3A_897 = tpu.memref_squeeze %dma_start3A_896 : memref<1x1x100000xf32, #tpu.memory_space<hbm>> -> memref<100000xf32, #tpu.memory_space<hbm>>
      %dma_start3A_898 = arith.constant 0 : i32
      %dma_start3A_899 = tpu.memref_slice %arg2[%run_scoped3A_471, %add3A_442, %dma_start3A_898] : memref<3x149x100000xf32, #tpu.memory_space<hbm>> -> memref<1x1x100000xf32, #tpu.memory_space<hbm>>
      %dma_start3A_900 = tpu.memref_squeeze %dma_start3A_899 : memref<1x1x100000xf32, #tpu.memory_space<hbm>> -> memref<100000xf32, #tpu.memory_space<hbm>>
      tpu.enqueue_dma source(%dma_start3A_900 : memref<100000xf32, #tpu.memory_space<hbm>>) target(%arg6 : memref<100000xf32, #tpu.memory_space<vmem>>) target_semaphore(%run_scoped3A_894 : memref<!tpu.dma_semaphore, #tpu.memory_space<semaphore_mem>>)
      %dma_wait3A_901 = arith.constant 0 : i32
      %dma_wait3A_902 = tpu.memref_slice %arg2[%run_scoped3A_471, %add3A_442, %dma_wait3A_901] : memref<3x149x100000xf32, #tpu.memory_space<hbm>> -> memref<1x1x100000xf32, #tpu.memory_space<hbm>>
      %dma_wait3A_903 = tpu.memref_squeeze %dma_wait3A_902 : memref<1x1x100000xf32, #tpu.memory_space<hbm>> -> memref<100000xf32, #tpu.memory_space<hbm>>
      %dma_wait3A_904 = arith.constant 0 : i32
      %dma_wait3A_905 = tpu.memref_slice %arg2[%run_scoped3A_471, %add3A_442, %dma_wait3A_904] : memref<3x149x100000xf32, #tpu.memory_space<hbm>> -> memref<1x1x100000xf32, #tpu.memory_space<hbm>>
      %dma_wait3A_906 = tpu.memref_squeeze %dma_wait3A_905 : memref<1x1x100000xf32, #tpu.memory_space<hbm>> -> memref<100000xf32, #tpu.memory_space<hbm>>
      tpu.wait_dma2 semaphore(%run_scoped3A_894 : memref<!tpu.dma_semaphore, #tpu.memory_space<semaphore_mem>>) src(%dma_wait3A_906 : memref<100000xf32, #tpu.memory_space<hbm>>) dst(%arg6 : memref<100000xf32, #tpu.memory_space<vmem>>)
      tpu.yield
    }) : () -> ()
    %scan3A_472 = arith.constant 0 : i32
    %scan3A_473 = arith.constant 0 : i32
    %scan3A_474 = arith.constant 512 : i32
    %scan3A_475 = arith.addi %scan3A_473, %scan3A_474 : i32
    %scan3A_476 = arith.constant 8 : i32
    scf.for %scan3A_894 = %scan3A_473 to %scan3A_475 step %scan3A_476  : i32 {
      %mul3A_895 = arith.constant 16 : i32
      %mul3A_896 = arith.muli %scan3A_894, %mul3A_895 : i32
      %get3A = arith.index_cast %mul3A_896 : i32 to index
      %get3A_897 = tpu.vector_load %arg5[%get3A] {strides = array<i32>} : memref<8192xi32, #tpu.memory_space<vmem>>, vector<16xi32>,
      %gather3A = tpu.vector_load_idx %arg6[%get3A_897] : memref<100000xf32, #tpu.memory_space<vmem>>[vector<16xi32>], vector<16xf32>,
      %mul3A_898 = arith.constant 16 : i32
      %mul3A_899 = arith.muli %scan3A_894, %mul3A_898 : i32
      %swap3A = arith.index_cast %mul3A_899 : i32 to index
      %swap3A_900 = tpu.vector_load %arg7[%swap3A] {strides = array<i32>} : memref<8192xf32, #tpu.memory_space<vmem>>, vector<16xf32>,
      tpu.vector_store %arg7[%swap3A], %gather3A {strides = array<i32>} : memref<8192xf32, #tpu.memory_space<vmem>>, vector<16xf32>,
      %scan3A_901 = arith.constant 1 : i32
      %scan3A_902 = arith.addi %scan3A_894, %scan3A_901 : i32
      %mul3A_903 = arith.constant 16 : i32
      %mul3A_904 = arith.muli %scan3A_902, %mul3A_903 : i32
      %get3A_905 = arith.index_cast %mul3A_904 : i32 to index
      %get3A_906 = tpu.vector_load %arg5[%get3A_905] {strides = array<i32>} : memref<8192xi32, #tpu.memory_space<vmem>>, vector<16xi32>,
      %gather3A_907 = tpu.vector_load_idx %arg6[%get3A_906] : memref<100000xf32, #tpu.memory_space<vmem>>[vector<16xi32>], vector<16xf32>,
      %mul3A_908 = arith.constant 16 : i32
      %mul3A_909 = arith.muli %scan3A_902, %mul3A_908 : i32
      %swap3A_910 = arith.index_cast %mul3A_909 : i32 to index
      %swap3A_911 = tpu.vector_load %arg7[%swap3A_910] {strides = array<i32>} : memref<8192xf32, #tpu.memory_space<vmem>>, vector<16xf32>,
      tpu.vector_store %arg7[%swap3A_910], %gather3A_907 {strides = array<i32>} : memref<8192xf32, #tpu.memory_space<vmem>>, vector<16xf32>,
      %scan3A_912 = arith.constant 2 : i32
      %scan3A_913 = arith.addi %scan3A_894, %scan3A_912 : i32
      %mul3A_914 = arith.constant 16 : i32
      %mul3A_915 = arith.muli %scan3A_913, %mul3A_914 : i32
      %get3A_916 = arith.index_cast %mul3A_915 : i32 to index
      %get3A_917 = tpu.vector_load %arg5[%get3A_916] {strides = array<i32>} : memref<8192xi32, #tpu.memory_space<vmem>>, vector<16xi32>,
      %gather3A_918 = tpu.vector_load_idx %arg6[%get3A_917] : memref<100000xf32, #tpu.memory_space<vmem>>[vector<16xi32>], vector<16xf32>,
      %mul3A_919 = arith.constant 16 : i32
      %mul3A_920 = arith.muli %scan3A_913, %mul3A_919 : i32
      %swap3A_921 = arith.index_cast %mul3A_920 : i32 to index
      %swap3A_922 = tpu.vector_load %arg7[%swap3A_921] {strides = array<i32>} : memref<8192xf32, #tpu.memory_space<vmem>>, vector<16xf32>,
      tpu.vector_store %arg7[%swap3A_921], %gather3A_918 {strides = array<i32>} : memref<8192xf32, #tpu.memory_space<vmem>>, vector<16xf32>,
      %scan3A_923 = arith.constant 3 : i32
      %scan3A_924 = arith.addi %scan3A_894, %scan3A_923 : i32
      %mul3A_925 = arith.constant 16 : i32
      %mul3A_926 = arith.muli %scan3A_924, %mul3A_925 : i32
      %get3A_927 = arith.index_cast %mul3A_926 : i32 to index
      %get3A_928 = tpu.vector_load %arg5[%get3A_927] {strides = array<i32>} : memref<8192xi32, #tpu.memory_space<vmem>>, vector<16xi32>,
      %gather3A_929 = tpu.vector_load_idx %arg6[%get3A_928] : memref<100000xf32, #tpu.memory_space<vmem>>[vector<16xi32>], vector<16xf32>,
      %mul3A_930 = arith.constant 16 : i32
      %mul3A_931 = arith.muli %scan3A_924, %mul3A_930 : i32
      %swap3A_932 = arith.index_cast %mul3A_931 : i32 to index
      %swap3A_933 = tpu.vector_load %arg7[%swap3A_932] {strides = array<i32>} : memref<8192xf32, #tpu.memory_space<vmem>>, vector<16xf32>,
      tpu.vector_store %arg7[%swap3A_932], %gather3A_929 {strides = array<i32>} : memref<8192xf32, #tpu.memory_space<vmem>>, vector<16xf32>,
      %scan3A_934 = arith.constant 4 : i32
      %scan3A_935 = arith.addi %scan3A_894, %scan3A_934 : i32
      %mul3A_936 = arith.constant 16 : i32
      %mul3A_937 = arith.muli %scan3A_935, %mul3A_936 : i32
      %get3A_938 = arith.index_cast %mul3A_937 : i32 to index
      %get3A_939 = tpu.vector_load %arg5[%get3A_938] {strides = array<i32>} : memref<8192xi32, #tpu.memory_space<vmem>>, vector<16xi32>,
      %gather3A_940 = tpu.vector_load_idx %arg6[%get3A_939] : memref<100000xf32, #tpu.memory_space<vmem>>[vector<16xi32>], vector<16xf32>,
      %mul3A_941 = arith.constant 16 : i32
      %mul3A_942 = arith.muli %scan3A_935, %mul3A_941 : i32
      %swap3A_943 = arith.index_cast %mul3A_942 : i32 to index
      %swap3A_944 = tpu.vector_load %arg7[%swap3A_943] {strides = array<i32>} : memref<8192xf32, #tpu.memory_space<vmem>>, vector<16xf32>,
      tpu.vector_store %arg7[%swap3A_943], %gather3A_940 {strides = array<i32>} : memref<8192xf32, #tpu.memory_space<vmem>>, vector<16xf32>,
      %scan3A_945 = arith.constant 5 : i32
      %scan3A_946 = arith.addi %scan3A_894, %scan3A_945 : i32
      %mul3A_947 = arith.constant 16 : i32
      %mul3A_948 = arith.muli %scan3A_946, %mul3A_947 : i32
      %get3A_949 = arith.index_cast %mul3A_948 : i32 to index
      %get3A_950 = tpu.vector_load %arg5[%get3A_949] {strides = array<i32>} : memref<8192xi32, #tpu.memory_space<vmem>>, vector<16xi32>,
      %gather3A_951 = tpu.vector_load_idx %arg6[%get3A_950] : memref<100000xf32, #tpu.memory_space<vmem>>[vector<16xi32>], vector<16xf32>,
      %mul3A_952 = arith.constant 16 : i32
      %mul3A_953 = arith.muli %scan3A_946, %mul3A_952 : i32
      %swap3A_954 = arith.index_cast %mul3A_953 : i32 to index
      %swap3A_955 = tpu.vector_load %arg7[%swap3A_954] {strides = array<i32>} : memref<8192xf32, #tpu.memory_space<vmem>>, vector<16xf32>,
      tpu.vector_store %arg7[%swap3A_954], %gather3A_951 {strides = array<i32>} : memref<8192xf32, #tpu.memory_space<vmem>>, vector<16xf32>,
      %scan3A_956 = arith.constant 6 : i32
      %scan3A_957 = arith.addi %scan3A_894, %scan3A_956 : i32
      %mul3A_958 = arith.constant 16 : i32
      %mul3A_959 = arith.muli %scan3A_957, %mul3A_958 : i32
      %get3A_960 = arith.index_cast %mul3A_959 : i32 to index
      %get3A_961 = tpu.vector_load %arg5[%get3A_960] {strides = array<i32>} : memref<8192xi32, #tpu.memory_space<vmem>>, vector<16xi32>,
      %gather3A_962 = tpu.vector_load_idx %arg6[%get3A_961] : memref<100000xf32, #tpu.memory_space<vmem>>[vector<16xi32>], vector<16xf32>,
      %mul3A_963 = arith.constant 16 : i32
      %mul3A_964 = arith.muli %scan3A_957, %mul3A_963 : i32
      %swap3A_965 = arith.index_cast %mul3A_964 : i32 to index
      %swap3A_966 = tpu.vector_load %arg7[%swap3A_965] {strides = array<i32>} : memref<8192xf32, #tpu.memory_space<vmem>>, vector<16xf32>,
      tpu.vector_store %arg7[%swap3A_965], %gather3A_962 {strides = array<i32>} : memref<8192xf32, #tpu.memory_space<vmem>>, vector<16xf32>,
      %scan3A_967 = arith.constant 7 : i32
      %scan3A_968 = arith.addi %scan3A_894, %scan3A_967 : i32
      %mul3A_969 = arith.constant 16 : i32
      %mul3A_970 = arith.muli %scan3A_968, %mul3A_969 : i32
      %get3A_971 = arith.index_cast %mul3A_970 : i32 to index
      %get3A_972 = tpu.vector_load %arg5[%get3A_971] {strides = array<i32>} : memref<8192xi32, #tpu.memory_space<vmem>>, vector<16xi32>,
      %gather3A_973 = tpu.vector_load_idx %arg6[%get3A_972] : memref<100000xf32, #tpu.memory_space<vmem>>[vector<16xi32>], vector<16xf32>,
      %mul3A_974 = arith.constant 16 : i32
      %mul3A_975 = arith.muli %scan3A_968, %mul3A_974 : i32
      %swap3A_976 = arith.index_cast %mul3A_975 : i32 to index
      %swap3A_977 = tpu.vector_load %arg7[%swap3A_976] {strides = array<i32>} : memref<8192xf32, #tpu.memory_space<vmem>>, vector<16xf32>,
      tpu.vector_store %arg7[%swap3A_976], %gather3A_973 {strides = array<i32>} : memref<8192xf32, #tpu.memory_space<vmem>>, vector<16xf32>,
    }
    %scan3A_477 = arith.constant 512 : i32
    %add3A_478 = arith.constant 152 : i32
    %add3A_479 = arith.addi %add3A_478, %add3A_442 : i32
    %dma_start3A_480 = arith.constant 0 : i32
    %dma_start3A_481 = tpu.memref_slice %arg4[%add3A_479, %dma_start3A_480] : memref<456x8192xf32, #tpu.memory_space<hbm>> -> memref<1x8192xf32, #tpu.memory_space<hbm>>
    %dma_start3A_482 = tpu.memref_squeeze %dma_start3A_481 : memref<1x8192xf32, #tpu.memory_space<hbm>> -> memref<8192xf32, #tpu.memory_space<hbm>>
    %dma_start3A_483 = arith.constant 0 : i32
    %dma_start3A_484 = tpu.memref_slice %arg4[%add3A_479, %dma_start3A_483] : memref<456x8192xf32, #tpu.memory_space<hbm>> -> memref<1x8192xf32, #tpu.memory_space<hbm>>
    %dma_start3A_485 = tpu.memref_squeeze %dma_start3A_484 : memref<1x8192xf32, #tpu.memory_space<hbm>> -> memref<8192xf32, #tpu.memory_space<hbm>>
    tpu.enqueue_dma source(%arg7 : memref<8192xf32, #tpu.memory_space<vmem>>) target(%dma_start3A_485 : memref<8192xf32, #tpu.memory_space<hbm>>) target_semaphore(%arg10 : memref<!tpu.dma_semaphore, #tpu.memory_space<semaphore_mem>>)
    %add3A_486 = arith.constant 11 : i32
    %add3A_487 = arith.addi %add3A, %add3A_486 : i32
    %jit3A_488 = arith.constant 32 : i32
    %eq3A_489 = arith.constant 0 : i32
    %eq3A_490 = arith.cmpi eq, %jit3A_488, %eq3A_489 : i32
    %jit3A_491 = arith.constant 1 : i32
    %select_n3A_492 = arith.select %eq3A_490, %jit3A_491, %jit3A_488 : i32
    %rem3A_493 = arith.remsi %add3A_487, %select_n3A_492 : i32
    %ne3A_494 = arith.constant 0 : i32
    %ne3A_495 = arith.cmpi ne, %rem3A_493, %ne3A_494 : i32
    %lt3A_496 = arith.constant 0 : i32
    %lt3A_497 = arith.cmpi slt, %rem3A_493, %lt3A_496 : i32
    %lt3A_498 = arith.constant 0 : i32
    %lt3A_499 = arith.cmpi slt, %select_n3A_492, %lt3A_498 : i32
    %ne3A_500 = arith.xori %lt3A_497, %lt3A_499 : i1
    %and3A_501 = arith.andi %ne3A_500, %ne3A_495 : i1
    %add3A_502 = arith.addi %rem3A_493, %select_n3A_492 : i32
    %select_n3A_503 = arith.select %and3A_501, %add3A_502, %rem3A_493 : i32
    %add3A_504 = arith.constant 128 : i32
    %add3A_505 = arith.addi %select_n3A_503, %add3A_504 : i32
    %add3A_506 = arith.constant 11 : i32
    %add3A_507 = arith.addi %add3A, %add3A_506 : i32
    %jit3A_508 = arith.constant 32 : i32
    %eq3A_509 = arith.constant 0 : i32
    %eq3A_510 = arith.cmpi eq, %jit3A_508, %eq3A_509 : i32
    %jit3A_511 = arith.constant 1 : i32
    %select_n3A_512 = arith.select %eq3A_510, %jit3A_511, %jit3A_508 : i32
    %rem3A_513 = arith.remsi %add3A_507, %select_n3A_512 : i32
    %ne3A_514 = arith.constant 0 : i32
    %ne3A_515 = arith.cmpi ne, %rem3A_513, %ne3A_514 : i32
    %lt3A_516 = arith.constant 0 : i32
    %lt3A_517 = arith.cmpi slt, %rem3A_513, %lt3A_516 : i32
    %lt3A_518 = arith.constant 0 : i32
    %lt3A_519 = arith.cmpi slt, %select_n3A_512, %lt3A_518 : i32
    %ne3A_520 = arith.xori %lt3A_517, %lt3A_519 : i1
    %and3A_521 = arith.andi %ne3A_520, %ne3A_515 : i1
    %add3A_522 = arith.addi %rem3A_513, %select_n3A_512 : i32
    %select_n3A_523 = arith.select %and3A_521, %add3A_522, %rem3A_513 : i32
    %add3A_524 = arith.constant 64 : i32
    %add3A_525 = arith.addi %select_n3A_523, %add3A_524 : i32
    %add3A_526 = arith.constant 152 : i32
    %add3A_527 = arith.addi %add3A_526, %add3A_525 : i32
    %dma_wait3A_528 = arith.constant 0 : i32
    %dma_wait3A_529 = tpu.memref_slice %arg4[%add3A_527, %dma_wait3A_528] : memref<456x8192xf32, #tpu.memory_space<hbm>> -> memref<1x8192xf32, #tpu.memory_space<hbm>>
    %dma_wait3A_530 = tpu.memref_squeeze %dma_wait3A_529 : memref<1x8192xf32, #tpu.memory_space<hbm>> -> memref<8192xf32, #tpu.memory_space<hbm>>
    %dma_wait3A_531 = arith.constant 0 : i32
    %dma_wait3A_532 = tpu.memref_slice %arg4[%add3A_527, %dma_wait3A_531] : memref<456x8192xf32, #tpu.memory_space<hbm>> -> memref<1x8192xf32, #tpu.memory_space<hbm>>
    %dma_wait3A_533 = tpu.memref_squeeze %dma_wait3A_532 : memref<1x8192xf32, #tpu.memory_space<hbm>> -> memref<8192xf32, #tpu.memory_space<hbm>>
    tpu.wait_dma2 semaphore(%arg11 : memref<!tpu.dma_semaphore, #tpu.memory_space<semaphore_mem>>) src(%arg8 : memref<8192xf32, #tpu.memory_space<vmem>>) dst(%dma_wait3A_533 : memref<8192xf32, #tpu.memory_space<hbm>>)
    %lt3A_534 = arith.constant 149 : i32
    %lt3A_535 = arith.cmpi slt, %add3A_505, %lt3A_534 : i32
    %convert_element_type3A_536 = arith.extui %lt3A_535 : i1 to i32
    %cond3A_537 = arith.constant 0 : i32
    %cond3A_538 = arith.cmpi ne, %convert_element_type3A_536, %cond3A_537 : i32
    scf.if %cond3A_538 {
      %run_scoped3A_894 = arith.constant 1 : i32
      "tpu.region"() ({
        %run_scoped3A_909 = tpu.sem_alloc : memref<!tpu.dma_semaphore, #tpu.memory_space<semaphore_mem>>
        %dma_start3A_910 = arith.constant 0 : i32
        %dma_start3A_911 = tpu.memref_slice %arg2[%run_scoped3A_894, %add3A_505, %dma_start3A_910] : memref<3x149x100000xf32, #tpu.memory_space<hbm>> -> memref<1x1x100000xf32, #tpu.memory_space<hbm>>
        %dma_start3A_912 = tpu.memref_squeeze %dma_start3A_911 : memref<1x1x100000xf32, #tpu.memory_space<hbm>> -> memref<100000xf32, #tpu.memory_space<hbm>>
        %dma_start3A_913 = arith.constant 0 : i32
        %dma_start3A_914 = tpu.memref_slice %arg2[%run_scoped3A_894, %add3A_505, %dma_start3A_913] : memref<3x149x100000xf32, #tpu.memory_space<hbm>> -> memref<1x1x100000xf32, #tpu.memory_space<hbm>>
        %dma_start3A_915 = tpu.memref_squeeze %dma_start3A_914 : memref<1x1x100000xf32, #tpu.memory_space<hbm>> -> memref<100000xf32, #tpu.memory_space<hbm>>
        tpu.enqueue_dma source(%dma_start3A_915 : memref<100000xf32, #tpu.memory_space<hbm>>) target(%arg6 : memref<100000xf32, #tpu.memory_space<vmem>>) target_semaphore(%run_scoped3A_909 : memref<!tpu.dma_semaphore, #tpu.memory_space<semaphore_mem>>)
        %dma_wait3A_916 = arith.constant 0 : i32
        %dma_wait3A_917 = tpu.memref_slice %arg2[%run_scoped3A_894, %add3A_505, %dma_wait3A_916] : memref<3x149x100000xf32, #tpu.memory_space<hbm>> -> memref<1x1x100000xf32, #tpu.memory_space<hbm>>
        %dma_wait3A_918 = tpu.memref_squeeze %dma_wait3A_917 : memref<1x1x100000xf32, #tpu.memory_space<hbm>> -> memref<100000xf32, #tpu.memory_space<hbm>>
        %dma_wait3A_919 = arith.constant 0 : i32
        %dma_wait3A_920 = tpu.memref_slice %arg2[%run_scoped3A_894, %add3A_505, %dma_wait3A_919] : memref<3x149x100000xf32, #tpu.memory_space<hbm>> -> memref<1x1x100000xf32, #tpu.memory_space<hbm>>
        %dma_wait3A_921 = tpu.memref_squeeze %dma_wait3A_920 : memref<1x1x100000xf32, #tpu.memory_space<hbm>> -> memref<100000xf32, #tpu.memory_space<hbm>>
        tpu.wait_dma2 semaphore(%run_scoped3A_909 : memref<!tpu.dma_semaphore, #tpu.memory_space<semaphore_mem>>) src(%dma_wait3A_921 : memref<100000xf32, #tpu.memory_space<hbm>>) dst(%arg6 : memref<100000xf32, #tpu.memory_space<vmem>>)
        tpu.yield
      }) : () -> ()
      %scan3A_895 = arith.constant 0 : i32
      %scan3A_896 = arith.constant 0 : i32
      %scan3A_897 = arith.constant 512 : i32
      %scan3A_898 = arith.addi %scan3A_896, %scan3A_897 : i32
      %scan3A_899 = arith.constant 8 : i32
      scf.for %scan3A_909 = %scan3A_896 to %scan3A_898 step %scan3A_899  : i32 {
        %mul3A_910 = arith.constant 16 : i32
        %mul3A_911 = arith.muli %scan3A_909, %mul3A_910 : i32
        %get3A = arith.index_cast %mul3A_911 : i32 to index
        %get3A_912 = tpu.vector_load %arg5[%get3A] {strides = array<i32>} : memref<8192xi32, #tpu.memory_space<vmem>>, vector<16xi32>,
        %gather3A = tpu.vector_load_idx %arg6[%get3A_912] : memref<100000xf32, #tpu.memory_space<vmem>>[vector<16xi32>], vector<16xf32>,
        %mul3A_913 = arith.constant 16 : i32
        %mul3A_914 = arith.muli %scan3A_909, %mul3A_913 : i32
        %swap3A = arith.index_cast %mul3A_914 : i32 to index
        %swap3A_915 = tpu.vector_load %arg8[%swap3A] {strides = array<i32>} : memref<8192xf32, #tpu.memory_space<vmem>>, vector<16xf32>,
        tpu.vector_store %arg8[%swap3A], %gather3A {strides = array<i32>} : memref<8192xf32, #tpu.memory_space<vmem>>, vector<16xf32>,
        %scan3A_916 = arith.constant 1 : i32
        %scan3A_917 = arith.addi %scan3A_909, %scan3A_916 : i32
        %mul3A_918 = arith.constant 16 : i32
        %mul3A_919 = arith.muli %scan3A_917, %mul3A_918 : i32
        %get3A_920 = arith.index_cast %mul3A_919 : i32 to index
        %get3A_921 = tpu.vector_load %arg5[%get3A_920] {strides = array<i32>} : memref<8192xi32, #tpu.memory_space<vmem>>, vector<16xi32>,
        %gather3A_922 = tpu.vector_load_idx %arg6[%get3A_921] : memref<100000xf32, #tpu.memory_space<vmem>>[vector<16xi32>], vector<16xf32>,
        %mul3A_923 = arith.constant 16 : i32
        %mul3A_924 = arith.muli %scan3A_917, %mul3A_923 : i32
        %swap3A_925 = arith.index_cast %mul3A_924 : i32 to index
        %swap3A_926 = tpu.vector_load %arg8[%swap3A_925] {strides = array<i32>} : memref<8192xf32, #tpu.memory_space<vmem>>, vector<16xf32>,
        tpu.vector_store %arg8[%swap3A_925], %gather3A_922 {strides = array<i32>} : memref<8192xf32, #tpu.memory_space<vmem>>, vector<16xf32>,
        %scan3A_927 = arith.constant 2 : i32
        %scan3A_928 = arith.addi %scan3A_909, %scan3A_927 : i32
        %mul3A_929 = arith.constant 16 : i32
        %mul3A_930 = arith.muli %scan3A_928, %mul3A_929 : i32
        %get3A_931 = arith.index_cast %mul3A_930 : i32 to index
        %get3A_932 = tpu.vector_load %arg5[%get3A_931] {strides = array<i32>} : memref<8192xi32, #tpu.memory_space<vmem>>, vector<16xi32>,
        %gather3A_933 = tpu.vector_load_idx %arg6[%get3A_932] : memref<100000xf32, #tpu.memory_space<vmem>>[vector<16xi32>], vector<16xf32>,
        %mul3A_934 = arith.constant 16 : i32
        %mul3A_935 = arith.muli %scan3A_928, %mul3A_934 : i32
        %swap3A_936 = arith.index_cast %mul3A_935 : i32 to index
        %swap3A_937 = tpu.vector_load %arg8[%swap3A_936] {strides = array<i32>} : memref<8192xf32, #tpu.memory_space<vmem>>, vector<16xf32>,
        tpu.vector_store %arg8[%swap3A_936], %gather3A_933 {strides = array<i32>} : memref<8192xf32, #tpu.memory_space<vmem>>, vector<16xf32>,
        %scan3A_938 = arith.constant 3 : i32
        %scan3A_939 = arith.addi %scan3A_909, %scan3A_938 : i32
        %mul3A_940 = arith.constant 16 : i32
        %mul3A_941 = arith.muli %scan3A_939, %mul3A_940 : i32
        %get3A_942 = arith.index_cast %mul3A_941 : i32 to index
        %get3A_943 = tpu.vector_load %arg5[%get3A_942] {strides = array<i32>} : memref<8192xi32, #tpu.memory_space<vmem>>, vector<16xi32>,
        %gather3A_944 = tpu.vector_load_idx %arg6[%get3A_943] : memref<100000xf32, #tpu.memory_space<vmem>>[vector<16xi32>], vector<16xf32>,
        %mul3A_945 = arith.constant 16 : i32
        %mul3A_946 = arith.muli %scan3A_939, %mul3A_945 : i32
        %swap3A_947 = arith.index_cast %mul3A_946 : i32 to index
        %swap3A_948 = tpu.vector_load %arg8[%swap3A_947] {strides = array<i32>} : memref<8192xf32, #tpu.memory_space<vmem>>, vector<16xf32>,
        tpu.vector_store %arg8[%swap3A_947], %gather3A_944 {strides = array<i32>} : memref<8192xf32, #tpu.memory_space<vmem>>, vector<16xf32>,
        %scan3A_949 = arith.constant 4 : i32
        %scan3A_950 = arith.addi %scan3A_909, %scan3A_949 : i32
        %mul3A_951 = arith.constant 16 : i32
        %mul3A_952 = arith.muli %scan3A_950, %mul3A_951 : i32
        %get3A_953 = arith.index_cast %mul3A_952 : i32 to index
        %get3A_954 = tpu.vector_load %arg5[%get3A_953] {strides = array<i32>} : memref<8192xi32, #tpu.memory_space<vmem>>, vector<16xi32>,
        %gather3A_955 = tpu.vector_load_idx %arg6[%get3A_954] : memref<100000xf32, #tpu.memory_space<vmem>>[vector<16xi32>], vector<16xf32>,
        %mul3A_956 = arith.constant 16 : i32
        %mul3A_957 = arith.muli %scan3A_950, %mul3A_956 : i32
        %swap3A_958 = arith.index_cast %mul3A_957 : i32 to index
        %swap3A_959 = tpu.vector_load %arg8[%swap3A_958] {strides = array<i32>} : memref<8192xf32, #tpu.memory_space<vmem>>, vector<16xf32>,
        tpu.vector_store %arg8[%swap3A_958], %gather3A_955 {strides = array<i32>} : memref<8192xf32, #tpu.memory_space<vmem>>, vector<16xf32>,
        %scan3A_960 = arith.constant 5 : i32
        %scan3A_961 = arith.addi %scan3A_909, %scan3A_960 : i32
        %mul3A_962 = arith.constant 16 : i32
        %mul3A_963 = arith.muli %scan3A_961, %mul3A_962 : i32
        %get3A_964 = arith.index_cast %mul3A_963 : i32 to index
        %get3A_965 = tpu.vector_load %arg5[%get3A_964] {strides = array<i32>} : memref<8192xi32, #tpu.memory_space<vmem>>, vector<16xi32>,
        %gather3A_966 = tpu.vector_load_idx %arg6[%get3A_965] : memref<100000xf32, #tpu.memory_space<vmem>>[vector<16xi32>], vector<16xf32>,
        %mul3A_967 = arith.constant 16 : i32
        %mul3A_968 = arith.muli %scan3A_961, %mul3A_967 : i32
        %swap3A_969 = arith.index_cast %mul3A_968 : i32 to index
        %swap3A_970 = tpu.vector_load %arg8[%swap3A_969] {strides = array<i32>} : memref<8192xf32, #tpu.memory_space<vmem>>, vector<16xf32>,
        tpu.vector_store %arg8[%swap3A_969], %gather3A_966 {strides = array<i32>} : memref<8192xf32, #tpu.memory_space<vmem>>, vector<16xf32>,
        %scan3A_971 = arith.constant 6 : i32
        %scan3A_972 = arith.addi %scan3A_909, %scan3A_971 : i32
        %mul3A_973 = arith.constant 16 : i32
        %mul3A_974 = arith.muli %scan3A_972, %mul3A_973 : i32
        %get3A_975 = arith.index_cast %mul3A_974 : i32 to index
        %get3A_976 = tpu.vector_load %arg5[%get3A_975] {strides = array<i32>} : memref<8192xi32, #tpu.memory_space<vmem>>, vector<16xi32>,
        %gather3A_977 = tpu.vector_load_idx %arg6[%get3A_976] : memref<100000xf32, #tpu.memory_space<vmem>>[vector<16xi32>], vector<16xf32>,
        %mul3A_978 = arith.constant 16 : i32
        %mul3A_979 = arith.muli %scan3A_972, %mul3A_978 : i32
        %swap3A_980 = arith.index_cast %mul3A_979 : i32 to index
        %swap3A_981 = tpu.vector_load %arg8[%swap3A_980] {strides = array<i32>} : memref<8192xf32, #tpu.memory_space<vmem>>, vector<16xf32>,
        tpu.vector_store %arg8[%swap3A_980], %gather3A_977 {strides = array<i32>} : memref<8192xf32, #tpu.memory_space<vmem>>, vector<16xf32>,
        %scan3A_982 = arith.constant 7 : i32
        %scan3A_983 = arith.addi %scan3A_909, %scan3A_982 : i32
        %mul3A_984 = arith.constant 16 : i32
        %mul3A_985 = arith.muli %scan3A_983, %mul3A_984 : i32
        %get3A_986 = arith.index_cast %mul3A_985 : i32 to index
        %get3A_987 = tpu.vector_load %arg5[%get3A_986] {strides = array<i32>} : memref<8192xi32, #tpu.memory_space<vmem>>, vector<16xi32>,
        %gather3A_988 = tpu.vector_load_idx %arg6[%get3A_987] : memref<100000xf32, #tpu.memory_space<vmem>>[vector<16xi32>], vector<16xf32>,
        %mul3A_989 = arith.constant 16 : i32
        %mul3A_990 = arith.muli %scan3A_983, %mul3A_989 : i32
        %swap3A_991 = arith.index_cast %mul3A_990 : i32 to index
        %swap3A_992 = tpu.vector_load %arg8[%swap3A_991] {strides = array<i32>} : memref<8192xf32, #tpu.memory_space<vmem>>, vector<16xf32>,
        tpu.vector_store %arg8[%swap3A_991], %gather3A_988 {strides = array<i32>} : memref<8192xf32, #tpu.memory_space<vmem>>, vector<16xf32>,
      }
      %scan3A_900 = arith.constant 512 : i32
      %add3A_901 = arith.constant 152 : i32
      %add3A_902 = arith.addi %add3A_901, %add3A_505 : i32
      %dma_start3A_903 = arith.constant 0 : i32
      %dma_start3A_904 = tpu.memref_slice %arg4[%add3A_902, %dma_start3A_903] : memref<456x8192xf32, #tpu.memory_space<hbm>> -> memref<1x8192xf32, #tpu.memory_space<hbm>>
      %dma_start3A_905 = tpu.memref_squeeze %dma_start3A_904 : memref<1x8192xf32, #tpu.memory_space<hbm>> -> memref<8192xf32, #tpu.memory_space<hbm>>
      %dma_start3A_906 = arith.constant 0 : i32
      %dma_start3A_907 = tpu.memref_slice %arg4[%add3A_902, %dma_start3A_906] : memref<456x8192xf32, #tpu.memory_space<hbm>> -> memref<1x8192xf32, #tpu.memory_space<hbm>>
      %dma_start3A_908 = tpu.memref_squeeze %dma_start3A_907 : memref<1x8192xf32, #tpu.memory_space<hbm>> -> memref<8192xf32, #tpu.memory_space<hbm>>
      tpu.enqueue_dma source(%arg8 : memref<8192xf32, #tpu.memory_space<vmem>>) target(%dma_start3A_908 : memref<8192xf32, #tpu.memory_space<hbm>>) target_semaphore(%arg11 : memref<!tpu.dma_semaphore, #tpu.memory_space<semaphore_mem>>)
    } else {
    }
    %add3A_539 = arith.constant 22 : i32
    %add3A_540 = arith.addi %add3A, %add3A_539 : i32
    %jit3A_541 = arith.constant 32 : i32
    %eq3A_542 = arith.constant 0 : i32
    %eq3A_543 = arith.cmpi eq, %jit3A_541, %eq3A_542 : i32
    %jit3A_544 = arith.constant 1 : i32
    %select_n3A_545 = arith.select %eq3A_543, %jit3A_544, %jit3A_541 : i32
    %rem3A_546 = arith.remsi %add3A_540, %select_n3A_545 : i32
    %ne3A_547 = arith.constant 0 : i32
    %ne3A_548 = arith.cmpi ne, %rem3A_546, %ne3A_547 : i32
    %lt3A_549 = arith.constant 0 : i32
    %lt3A_550 = arith.cmpi slt, %rem3A_546, %lt3A_549 : i32
    %lt3A_551 = arith.constant 0 : i32
    %lt3A_552 = arith.cmpi slt, %select_n3A_545, %lt3A_551 : i32
    %ne3A_553 = arith.xori %lt3A_550, %lt3A_552 : i1
    %and3A_554 = arith.andi %ne3A_553, %ne3A_548 : i1
    %add3A_555 = arith.addi %rem3A_546, %select_n3A_545 : i32
    %select_n3A_556 = arith.select %and3A_554, %add3A_555, %rem3A_546 : i32
    %add3A_557 = arith.constant 0 : i32
    %add3A_558 = arith.addi %select_n3A_556, %add3A_557 : i32
    %add3A_559 = arith.constant 11 : i32
    %add3A_560 = arith.addi %add3A, %add3A_559 : i32
    %jit3A_561 = arith.constant 32 : i32
    %eq3A_562 = arith.constant 0 : i32
    %eq3A_563 = arith.cmpi eq, %jit3A_561, %eq3A_562 : i32
    %jit3A_564 = arith.constant 1 : i32
    %select_n3A_565 = arith.select %eq3A_563, %jit3A_564, %jit3A_561 : i32
    %rem3A_566 = arith.remsi %add3A_560, %select_n3A_565 : i32
    %ne3A_567 = arith.constant 0 : i32
    %ne3A_568 = arith.cmpi ne, %rem3A_566, %ne3A_567 : i32
    %lt3A_569 = arith.constant 0 : i32
    %lt3A_570 = arith.cmpi slt, %rem3A_566, %lt3A_569 : i32
    %lt3A_571 = arith.constant 0 : i32
    %lt3A_572 = arith.cmpi slt, %select_n3A_565, %lt3A_571 : i32
    %ne3A_573 = arith.xori %lt3A_570, %lt3A_572 : i1
    %and3A_574 = arith.andi %ne3A_573, %ne3A_568 : i1
    %add3A_575 = arith.addi %rem3A_566, %select_n3A_565 : i32
    %select_n3A_576 = arith.select %and3A_574, %add3A_575, %rem3A_566 : i32
    %add3A_577 = arith.constant 96 : i32
    %add3A_578 = arith.addi %select_n3A_576, %add3A_577 : i32
    %add3A_579 = arith.constant 152 : i32
    %add3A_580 = arith.addi %add3A_579, %add3A_578 : i32
    %dma_wait3A_581 = arith.constant 0 : i32
    %dma_wait3A_582 = tpu.memref_slice %arg4[%add3A_580, %dma_wait3A_581] : memref<456x8192xf32, #tpu.memory_space<hbm>> -> memref<1x8192xf32, #tpu.memory_space<hbm>>
    %dma_wait3A_583 = tpu.memref_squeeze %dma_wait3A_582 : memref<1x8192xf32, #tpu.memory_space<hbm>> -> memref<8192xf32, #tpu.memory_space<hbm>>
    %dma_wait3A_584 = arith.constant 0 : i32
    %dma_wait3A_585 = tpu.memref_slice %arg4[%add3A_580, %dma_wait3A_584] : memref<456x8192xf32, #tpu.memory_space<hbm>> -> memref<1x8192xf32, #tpu.memory_space<hbm>>
    %dma_wait3A_586 = tpu.memref_squeeze %dma_wait3A_585 : memref<1x8192xf32, #tpu.memory_space<hbm>> -> memref<8192xf32, #tpu.memory_space<hbm>>
    tpu.wait_dma2 semaphore(%arg10 : memref<!tpu.dma_semaphore, #tpu.memory_space<semaphore_mem>>) src(%arg7 : memref<8192xf32, #tpu.memory_space<vmem>>) dst(%dma_wait3A_586 : memref<8192xf32, #tpu.memory_space<hbm>>)
    %run_scoped3A_587 = arith.constant 2 : i32
    "tpu.region"() ({
      %run_scoped3A_894 = tpu.sem_alloc : memref<!tpu.dma_semaphore, #tpu.memory_space<semaphore_mem>>
      %dma_start3A_895 = arith.constant 0 : i32
      %dma_start3A_896 = tpu.memref_slice %arg2[%run_scoped3A_587, %add3A_558, %dma_start3A_895] : memref<3x149x100000xf32, #tpu.memory_space<hbm>> -> memref<1x1x100000xf32, #tpu.memory_space<hbm>>
      %dma_start3A_897 = tpu.memref_squeeze %dma_start3A_896 : memref<1x1x100000xf32, #tpu.memory_space<hbm>> -> memref<100000xf32, #tpu.memory_space<hbm>>
      %dma_start3A_898 = arith.constant 0 : i32
      %dma_start3A_899 = tpu.memref_slice %arg2[%run_scoped3A_587, %add3A_558, %dma_start3A_898] : memref<3x149x100000xf32, #tpu.memory_space<hbm>> -> memref<1x1x100000xf32, #tpu.memory_space<hbm>>
      %dma_start3A_900 = tpu.memref_squeeze %dma_start3A_899 : memref<1x1x100000xf32, #tpu.memory_space<hbm>> -> memref<100000xf32, #tpu.memory_space<hbm>>
      tpu.enqueue_dma source(%dma_start3A_900 : memref<100000xf32, #tpu.memory_space<hbm>>) target(%arg6 : memref<100000xf32, #tpu.memory_space<vmem>>) target_semaphore(%run_scoped3A_894 : memref<!tpu.dma_semaphore, #tpu.memory_space<semaphore_mem>>)
      %dma_wait3A_901 = arith.constant 0 : i32
      %dma_wait3A_902 = tpu.memref_slice %arg2[%run_scoped3A_587, %add3A_558, %dma_wait3A_901] : memref<3x149x100000xf32, #tpu.memory_space<hbm>> -> memref<1x1x100000xf32, #tpu.memory_space<hbm>>
      %dma_wait3A_903 = tpu.memref_squeeze %dma_wait3A_902 : memref<1x1x100000xf32, #tpu.memory_space<hbm>> -> memref<100000xf32, #tpu.memory_space<hbm>>
      %dma_wait3A_904 = arith.constant 0 : i32
      %dma_wait3A_905 = tpu.memref_slice %arg2[%run_scoped3A_587, %add3A_558, %dma_wait3A_904] : memref<3x149x100000xf32, #tpu.memory_space<hbm>> -> memref<1x1x100000xf32, #tpu.memory_space<hbm>>
      %dma_wait3A_906 = tpu.memref_squeeze %dma_wait3A_905 : memref<1x1x100000xf32, #tpu.memory_space<hbm>> -> memref<100000xf32, #tpu.memory_space<hbm>>
      tpu.wait_dma2 semaphore(%run_scoped3A_894 : memref<!tpu.dma_semaphore, #tpu.memory_space<semaphore_mem>>) src(%dma_wait3A_906 : memref<100000xf32, #tpu.memory_space<hbm>>) dst(%arg6 : memref<100000xf32, #tpu.memory_space<vmem>>)
      tpu.yield
    }) : () -> ()
    %scan3A_588 = arith.constant 0 : i32
    %scan3A_589 = arith.constant 0 : i32
    %scan3A_590 = arith.constant 512 : i32
    %scan3A_591 = arith.addi %scan3A_589, %scan3A_590 : i32
    %scan3A_592 = arith.constant 8 : i32
    scf.for %scan3A_894 = %scan3A_589 to %scan3A_591 step %scan3A_592  : i32 {
      %mul3A_895 = arith.constant 16 : i32
      %mul3A_896 = arith.muli %scan3A_894, %mul3A_895 : i32
      %get3A = arith.index_cast %mul3A_896 : i32 to index
      %get3A_897 = tpu.vector_load %arg5[%get3A] {strides = array<i32>} : memref<8192xi32, #tpu.memory_space<vmem>>, vector<16xi32>,
      %gather3A = tpu.vector_load_idx %arg6[%get3A_897] : memref<100000xf32, #tpu.memory_space<vmem>>[vector<16xi32>], vector<16xf32>,
      %mul3A_898 = arith.constant 16 : i32
      %mul3A_899 = arith.muli %scan3A_894, %mul3A_898 : i32
      %swap3A = arith.index_cast %mul3A_899 : i32 to index
      %swap3A_900 = tpu.vector_load %arg7[%swap3A] {strides = array<i32>} : memref<8192xf32, #tpu.memory_space<vmem>>, vector<16xf32>,
      tpu.vector_store %arg7[%swap3A], %gather3A {strides = array<i32>} : memref<8192xf32, #tpu.memory_space<vmem>>, vector<16xf32>,
      %scan3A_901 = arith.constant 1 : i32
      %scan3A_902 = arith.addi %scan3A_894, %scan3A_901 : i32
      %mul3A_903 = arith.constant 16 : i32
      %mul3A_904 = arith.muli %scan3A_902, %mul3A_903 : i32
      %get3A_905 = arith.index_cast %mul3A_904 : i32 to index
      %get3A_906 = tpu.vector_load %arg5[%get3A_905] {strides = array<i32>} : memref<8192xi32, #tpu.memory_space<vmem>>, vector<16xi32>,
      %gather3A_907 = tpu.vector_load_idx %arg6[%get3A_906] : memref<100000xf32, #tpu.memory_space<vmem>>[vector<16xi32>], vector<16xf32>,
      %mul3A_908 = arith.constant 16 : i32
      %mul3A_909 = arith.muli %scan3A_902, %mul3A_908 : i32
      %swap3A_910 = arith.index_cast %mul3A_909 : i32 to index
      %swap3A_911 = tpu.vector_load %arg7[%swap3A_910] {strides = array<i32>} : memref<8192xf32, #tpu.memory_space<vmem>>, vector<16xf32>,
      tpu.vector_store %arg7[%swap3A_910], %gather3A_907 {strides = array<i32>} : memref<8192xf32, #tpu.memory_space<vmem>>, vector<16xf32>,
      %scan3A_912 = arith.constant 2 : i32
      %scan3A_913 = arith.addi %scan3A_894, %scan3A_912 : i32
      %mul3A_914 = arith.constant 16 : i32
      %mul3A_915 = arith.muli %scan3A_913, %mul3A_914 : i32
      %get3A_916 = arith.index_cast %mul3A_915 : i32 to index
      %get3A_917 = tpu.vector_load %arg5[%get3A_916] {strides = array<i32>} : memref<8192xi32, #tpu.memory_space<vmem>>, vector<16xi32>,
      %gather3A_918 = tpu.vector_load_idx %arg6[%get3A_917] : memref<100000xf32, #tpu.memory_space<vmem>>[vector<16xi32>], vector<16xf32>,
      %mul3A_919 = arith.constant 16 : i32
      %mul3A_920 = arith.muli %scan3A_913, %mul3A_919 : i32
      %swap3A_921 = arith.index_cast %mul3A_920 : i32 to index
      %swap3A_922 = tpu.vector_load %arg7[%swap3A_921] {strides = array<i32>} : memref<8192xf32, #tpu.memory_space<vmem>>, vector<16xf32>,
      tpu.vector_store %arg7[%swap3A_921], %gather3A_918 {strides = array<i32>} : memref<8192xf32, #tpu.memory_space<vmem>>, vector<16xf32>,
      %scan3A_923 = arith.constant 3 : i32
      %scan3A_924 = arith.addi %scan3A_894, %scan3A_923 : i32
      %mul3A_925 = arith.constant 16 : i32
      %mul3A_926 = arith.muli %scan3A_924, %mul3A_925 : i32
      %get3A_927 = arith.index_cast %mul3A_926 : i32 to index
      %get3A_928 = tpu.vector_load %arg5[%get3A_927] {strides = array<i32>} : memref<8192xi32, #tpu.memory_space<vmem>>, vector<16xi32>,
      %gather3A_929 = tpu.vector_load_idx %arg6[%get3A_928] : memref<100000xf32, #tpu.memory_space<vmem>>[vector<16xi32>], vector<16xf32>,
      %mul3A_930 = arith.constant 16 : i32
      %mul3A_931 = arith.muli %scan3A_924, %mul3A_930 : i32
      %swap3A_932 = arith.index_cast %mul3A_931 : i32 to index
      %swap3A_933 = tpu.vector_load %arg7[%swap3A_932] {strides = array<i32>} : memref<8192xf32, #tpu.memory_space<vmem>>, vector<16xf32>,
      tpu.vector_store %arg7[%swap3A_932], %gather3A_929 {strides = array<i32>} : memref<8192xf32, #tpu.memory_space<vmem>>, vector<16xf32>,
      %scan3A_934 = arith.constant 4 : i32
      %scan3A_935 = arith.addi %scan3A_894, %scan3A_934 : i32
      %mul3A_936 = arith.constant 16 : i32
      %mul3A_937 = arith.muli %scan3A_935, %mul3A_936 : i32
      %get3A_938 = arith.index_cast %mul3A_937 : i32 to index
      %get3A_939 = tpu.vector_load %arg5[%get3A_938] {strides = array<i32>} : memref<8192xi32, #tpu.memory_space<vmem>>, vector<16xi32>,
      %gather3A_940 = tpu.vector_load_idx %arg6[%get3A_939] : memref<100000xf32, #tpu.memory_space<vmem>>[vector<16xi32>], vector<16xf32>,
      %mul3A_941 = arith.constant 16 : i32
      %mul3A_942 = arith.muli %scan3A_935, %mul3A_941 : i32
      %swap3A_943 = arith.index_cast %mul3A_942 : i32 to index
      %swap3A_944 = tpu.vector_load %arg7[%swap3A_943] {strides = array<i32>} : memref<8192xf32, #tpu.memory_space<vmem>>, vector<16xf32>,
      tpu.vector_store %arg7[%swap3A_943], %gather3A_940 {strides = array<i32>} : memref<8192xf32, #tpu.memory_space<vmem>>, vector<16xf32>,
      %scan3A_945 = arith.constant 5 : i32
      %scan3A_946 = arith.addi %scan3A_894, %scan3A_945 : i32
      %mul3A_947 = arith.constant 16 : i32
      %mul3A_948 = arith.muli %scan3A_946, %mul3A_947 : i32
      %get3A_949 = arith.index_cast %mul3A_948 : i32 to index
      %get3A_950 = tpu.vector_load %arg5[%get3A_949] {strides = array<i32>} : memref<8192xi32, #tpu.memory_space<vmem>>, vector<16xi32>,
      %gather3A_951 = tpu.vector_load_idx %arg6[%get3A_950] : memref<100000xf32, #tpu.memory_space<vmem>>[vector<16xi32>], vector<16xf32>,
      %mul3A_952 = arith.constant 16 : i32
      %mul3A_953 = arith.muli %scan3A_946, %mul3A_952 : i32
      %swap3A_954 = arith.index_cast %mul3A_953 : i32 to index
      %swap3A_955 = tpu.vector_load %arg7[%swap3A_954] {strides = array<i32>} : memref<8192xf32, #tpu.memory_space<vmem>>, vector<16xf32>,
      tpu.vector_store %arg7[%swap3A_954], %gather3A_951 {strides = array<i32>} : memref<8192xf32, #tpu.memory_space<vmem>>, vector<16xf32>,
      %scan3A_956 = arith.constant 6 : i32
      %scan3A_957 = arith.addi %scan3A_894, %scan3A_956 : i32
      %mul3A_958 = arith.constant 16 : i32
      %mul3A_959 = arith.muli %scan3A_957, %mul3A_958 : i32
      %get3A_960 = arith.index_cast %mul3A_959 : i32 to index
      %get3A_961 = tpu.vector_load %arg5[%get3A_960] {strides = array<i32>} : memref<8192xi32, #tpu.memory_space<vmem>>, vector<16xi32>,
      %gather3A_962 = tpu.vector_load_idx %arg6[%get3A_961] : memref<100000xf32, #tpu.memory_space<vmem>>[vector<16xi32>], vector<16xf32>,
      %mul3A_963 = arith.constant 16 : i32
      %mul3A_964 = arith.muli %scan3A_957, %mul3A_963 : i32
      %swap3A_965 = arith.index_cast %mul3A_964 : i32 to index
      %swap3A_966 = tpu.vector_load %arg7[%swap3A_965] {strides = array<i32>} : memref<8192xf32, #tpu.memory_space<vmem>>, vector<16xf32>,
      tpu.vector_store %arg7[%swap3A_965], %gather3A_962 {strides = array<i32>} : memref<8192xf32, #tpu.memory_space<vmem>>, vector<16xf32>,
      %scan3A_967 = arith.constant 7 : i32
      %scan3A_968 = arith.addi %scan3A_894, %scan3A_967 : i32
      %mul3A_969 = arith.constant 16 : i32
      %mul3A_970 = arith.muli %scan3A_968, %mul3A_969 : i32
      %get3A_971 = arith.index_cast %mul3A_970 : i32 to index
      %get3A_972 = tpu.vector_load %arg5[%get3A_971] {strides = array<i32>} : memref<8192xi32, #tpu.memory_space<vmem>>, vector<16xi32>,
      %gather3A_973 = tpu.vector_load_idx %arg6[%get3A_972] : memref<100000xf32, #tpu.memory_space<vmem>>[vector<16xi32>], vector<16xf32>,
      %mul3A_974 = arith.constant 16 : i32
      %mul3A_975 = arith.muli %scan3A_968, %mul3A_974 : i32
      %swap3A_976 = arith.index_cast %mul3A_975 : i32 to index
      %swap3A_977 = tpu.vector_load %arg7[%swap3A_976] {strides = array<i32>} : memref<8192xf32, #tpu.memory_space<vmem>>, vector<16xf32>,
      tpu.vector_store %arg7[%swap3A_976], %gather3A_973 {strides = array<i32>} : memref<8192xf32, #tpu.memory_space<vmem>>, vector<16xf32>,
    }
    %scan3A_593 = arith.constant 512 : i32
    %add3A_594 = arith.constant 304 : i32
    %add3A_595 = arith.addi %add3A_594, %add3A_558 : i32
    %dma_start3A_596 = arith.constant 0 : i32
    %dma_start3A_597 = tpu.memref_slice %arg4[%add3A_595, %dma_start3A_596] : memref<456x8192xf32, #tpu.memory_space<hbm>> -> memref<1x8192xf32, #tpu.memory_space<hbm>>
    %dma_start3A_598 = tpu.memref_squeeze %dma_start3A_597 : memref<1x8192xf32, #tpu.memory_space<hbm>> -> memref<8192xf32, #tpu.memory_space<hbm>>
    %dma_start3A_599 = arith.constant 0 : i32
    %dma_start3A_600 = tpu.memref_slice %arg4[%add3A_595, %dma_start3A_599] : memref<456x8192xf32, #tpu.memory_space<hbm>> -> memref<1x8192xf32, #tpu.memory_space<hbm>>
    %dma_start3A_601 = tpu.memref_squeeze %dma_start3A_600 : memref<1x8192xf32, #tpu.memory_space<hbm>> -> memref<8192xf32, #tpu.memory_space<hbm>>
    tpu.enqueue_dma source(%arg7 : memref<8192xf32, #tpu.memory_space<vmem>>) target(%dma_start3A_601 : memref<8192xf32, #tpu.memory_space<hbm>>) target_semaphore(%arg10 : memref<!tpu.dma_semaphore, #tpu.memory_space<semaphore_mem>>)
    %add3A_602 = arith.constant 22 : i32
    %add3A_603 = arith.addi %add3A, %add3A_602 : i32
    %jit3A_604 = arith.constant 32 : i32
    %eq3A_605 = arith.constant 0 : i32
    %eq3A_606 = arith.cmpi eq, %jit3A_604, %eq3A_605 : i32
    %jit3A_607 = arith.constant 1 : i32
    %select_n3A_608 = arith.select %eq3A_606, %jit3A_607, %jit3A_604 : i32
    %rem3A_609 = arith.remsi %add3A_603, %select_n3A_608 : i32
    %ne3A_610 = arith.constant 0 : i32
    %ne3A_611 = arith.cmpi ne, %rem3A_609, %ne3A_610 : i32
    %lt3A_612 = arith.constant 0 : i32
    %lt3A_613 = arith.cmpi slt, %rem3A_609, %lt3A_612 : i32
    %lt3A_614 = arith.constant 0 : i32
    %lt3A_615 = arith.cmpi slt, %select_n3A_608, %lt3A_614 : i32
    %ne3A_616 = arith.xori %lt3A_613, %lt3A_615 : i1
    %and3A_617 = arith.andi %ne3A_616, %ne3A_611 : i1
    %add3A_618 = arith.addi %rem3A_609, %select_n3A_608 : i32
    %select_n3A_619 = arith.select %and3A_617, %add3A_618, %rem3A_609 : i32
    %add3A_620 = arith.constant 32 : i32
    %add3A_621 = arith.addi %select_n3A_619, %add3A_620 : i32
    %add3A_622 = arith.constant 11 : i32
    %add3A_623 = arith.addi %add3A, %add3A_622 : i32
    %jit3A_624 = arith.constant 32 : i32
    %eq3A_625 = arith.constant 0 : i32
    %eq3A_626 = arith.cmpi eq, %jit3A_624, %eq3A_625 : i32
    %jit3A_627 = arith.constant 1 : i32
    %select_n3A_628 = arith.select %eq3A_626, %jit3A_627, %jit3A_624 : i32
    %rem3A_629 = arith.remsi %add3A_623, %select_n3A_628 : i32
    %ne3A_630 = arith.constant 0 : i32
    %ne3A_631 = arith.cmpi ne, %rem3A_629, %ne3A_630 : i32
    %lt3A_632 = arith.constant 0 : i32
    %lt3A_633 = arith.cmpi slt, %rem3A_629, %lt3A_632 : i32
    %lt3A_634 = arith.constant 0 : i32
    %lt3A_635 = arith.cmpi slt, %select_n3A_628, %lt3A_634 : i32
    %ne3A_636 = arith.xori %lt3A_633, %lt3A_635 : i1
    %and3A_637 = arith.andi %ne3A_636, %ne3A_631 : i1
    %add3A_638 = arith.addi %rem3A_629, %select_n3A_628 : i32
    %select_n3A_639 = arith.select %and3A_637, %add3A_638, %rem3A_629 : i32
    %add3A_640 = arith.constant 128 : i32
    %add3A_641 = arith.addi %select_n3A_639, %add3A_640 : i32
    %lt3A_642 = arith.constant 149 : i32
    %lt3A_643 = arith.cmpi slt, %add3A_641, %lt3A_642 : i32
    %convert_element_type3A_644 = arith.extui %lt3A_643 : i1 to i32
    %cond3A_645 = arith.constant 0 : i32
    %cond3A_646 = arith.cmpi ne, %convert_element_type3A_644, %cond3A_645 : i32
    scf.if %cond3A_646 {
      %add3A_894 = arith.constant 152 : i32
      %add3A_895 = arith.addi %add3A_894, %add3A_641 : i32
      %dma_wait3A_896 = arith.constant 0 : i32
      %dma_wait3A_897 = tpu.memref_slice %arg4[%add3A_895, %dma_wait3A_896] : memref<456x8192xf32, #tpu.memory_space<hbm>> -> memref<1x8192xf32, #tpu.memory_space<hbm>>
      %dma_wait3A_898 = tpu.memref_squeeze %dma_wait3A_897 : memref<1x8192xf32, #tpu.memory_space<hbm>> -> memref<8192xf32, #tpu.memory_space<hbm>>
      %dma_wait3A_899 = arith.constant 0 : i32
      %dma_wait3A_900 = tpu.memref_slice %arg4[%add3A_895, %dma_wait3A_899] : memref<456x8192xf32, #tpu.memory_space<hbm>> -> memref<1x8192xf32, #tpu.memory_space<hbm>>
      %dma_wait3A_901 = tpu.memref_squeeze %dma_wait3A_900 : memref<1x8192xf32, #tpu.memory_space<hbm>> -> memref<8192xf32, #tpu.memory_space<hbm>>
      tpu.wait_dma2 semaphore(%arg11 : memref<!tpu.dma_semaphore, #tpu.memory_space<semaphore_mem>>) src(%arg8 : memref<8192xf32, #tpu.memory_space<vmem>>) dst(%dma_wait3A_901 : memref<8192xf32, #tpu.memory_space<hbm>>)
    } else {
    }
    %run_scoped3A_647 = arith.constant 2 : i32
    "tpu.region"() ({
      %run_scoped3A_894 = tpu.sem_alloc : memref<!tpu.dma_semaphore, #tpu.memory_space<semaphore_mem>>
      %dma_start3A_895 = arith.constant 0 : i32
      %dma_start3A_896 = tpu.memref_slice %arg2[%run_scoped3A_647, %add3A_621, %dma_start3A_895] : memref<3x149x100000xf32, #tpu.memory_space<hbm>> -> memref<1x1x100000xf32, #tpu.memory_space<hbm>>
      %dma_start3A_897 = tpu.memref_squeeze %dma_start3A_896 : memref<1x1x100000xf32, #tpu.memory_space<hbm>> -> memref<100000xf32, #tpu.memory_space<hbm>>
      %dma_start3A_898 = arith.constant 0 : i32
      %dma_start3A_899 = tpu.memref_slice %arg2[%run_scoped3A_647, %add3A_621, %dma_start3A_898] : memref<3x149x100000xf32, #tpu.memory_space<hbm>> -> memref<1x1x100000xf32, #tpu.memory_space<hbm>>
      %dma_start3A_900 = tpu.memref_squeeze %dma_start3A_899 : memref<1x1x100000xf32, #tpu.memory_space<hbm>> -> memref<100000xf32, #tpu.memory_space<hbm>>
      tpu.enqueue_dma source(%dma_start3A_900 : memref<100000xf32, #tpu.memory_space<hbm>>) target(%arg6 : memref<100000xf32, #tpu.memory_space<vmem>>) target_semaphore(%run_scoped3A_894 : memref<!tpu.dma_semaphore, #tpu.memory_space<semaphore_mem>>)
      %dma_wait3A_901 = arith.constant 0 : i32
      %dma_wait3A_902 = tpu.memref_slice %arg2[%run_scoped3A_647, %add3A_621, %dma_wait3A_901] : memref<3x149x100000xf32, #tpu.memory_space<hbm>> -> memref<1x1x100000xf32, #tpu.memory_space<hbm>>
      %dma_wait3A_903 = tpu.memref_squeeze %dma_wait3A_902 : memref<1x1x100000xf32, #tpu.memory_space<hbm>> -> memref<100000xf32, #tpu.memory_space<hbm>>
      %dma_wait3A_904 = arith.constant 0 : i32
      %dma_wait3A_905 = tpu.memref_slice %arg2[%run_scoped3A_647, %add3A_621, %dma_wait3A_904] : memref<3x149x100000xf32, #tpu.memory_space<hbm>> -> memref<1x1x100000xf32, #tpu.memory_space<hbm>>
      %dma_wait3A_906 = tpu.memref_squeeze %dma_wait3A_905 : memref<1x1x100000xf32, #tpu.memory_space<hbm>> -> memref<100000xf32, #tpu.memory_space<hbm>>
      tpu.wait_dma2 semaphore(%run_scoped3A_894 : memref<!tpu.dma_semaphore, #tpu.memory_space<semaphore_mem>>) src(%dma_wait3A_906 : memref<100000xf32, #tpu.memory_space<hbm>>) dst(%arg6 : memref<100000xf32, #tpu.memory_space<vmem>>)
      tpu.yield
    }) : () -> ()
    %scan3A_648 = arith.constant 0 : i32
    %scan3A_649 = arith.constant 0 : i32
    %scan3A_650 = arith.constant 512 : i32
    %scan3A_651 = arith.addi %scan3A_649, %scan3A_650 : i32
    %scan3A_652 = arith.constant 8 : i32
    scf.for %scan3A_894 = %scan3A_649 to %scan3A_651 step %scan3A_652  : i32 {
      %mul3A_895 = arith.constant 16 : i32
      %mul3A_896 = arith.muli %scan3A_894, %mul3A_895 : i32
      %get3A = arith.index_cast %mul3A_896 : i32 to index
      %get3A_897 = tpu.vector_load %arg5[%get3A] {strides = array<i32>} : memref<8192xi32, #tpu.memory_space<vmem>>, vector<16xi32>,
      %gather3A = tpu.vector_load_idx %arg6[%get3A_897] : memref<100000xf32, #tpu.memory_space<vmem>>[vector<16xi32>], vector<16xf32>,
      %mul3A_898 = arith.constant 16 : i32
      %mul3A_899 = arith.muli %scan3A_894, %mul3A_898 : i32
      %swap3A = arith.index_cast %mul3A_899 : i32 to index
      %swap3A_900 = tpu.vector_load %arg8[%swap3A] {strides = array<i32>} : memref<8192xf32, #tpu.memory_space<vmem>>, vector<16xf32>,
      tpu.vector_store %arg8[%swap3A], %gather3A {strides = array<i32>} : memref<8192xf32, #tpu.memory_space<vmem>>, vector<16xf32>,
      %scan3A_901 = arith.constant 1 : i32
      %scan3A_902 = arith.addi %scan3A_894, %scan3A_901 : i32
      %mul3A_903 = arith.constant 16 : i32
      %mul3A_904 = arith.muli %scan3A_902, %mul3A_903 : i32
      %get3A_905 = arith.index_cast %mul3A_904 : i32 to index
      %get3A_906 = tpu.vector_load %arg5[%get3A_905] {strides = array<i32>} : memref<8192xi32, #tpu.memory_space<vmem>>, vector<16xi32>,
      %gather3A_907 = tpu.vector_load_idx %arg6[%get3A_906] : memref<100000xf32, #tpu.memory_space<vmem>>[vector<16xi32>], vector<16xf32>,
      %mul3A_908 = arith.constant 16 : i32
      %mul3A_909 = arith.muli %scan3A_902, %mul3A_908 : i32
      %swap3A_910 = arith.index_cast %mul3A_909 : i32 to index
      %swap3A_911 = tpu.vector_load %arg8[%swap3A_910] {strides = array<i32>} : memref<8192xf32, #tpu.memory_space<vmem>>, vector<16xf32>,
      tpu.vector_store %arg8[%swap3A_910], %gather3A_907 {strides = array<i32>} : memref<8192xf32, #tpu.memory_space<vmem>>, vector<16xf32>,
      %scan3A_912 = arith.constant 2 : i32
      %scan3A_913 = arith.addi %scan3A_894, %scan3A_912 : i32
      %mul3A_914 = arith.constant 16 : i32
      %mul3A_915 = arith.muli %scan3A_913, %mul3A_914 : i32
      %get3A_916 = arith.index_cast %mul3A_915 : i32 to index
      %get3A_917 = tpu.vector_load %arg5[%get3A_916] {strides = array<i32>} : memref<8192xi32, #tpu.memory_space<vmem>>, vector<16xi32>,
      %gather3A_918 = tpu.vector_load_idx %arg6[%get3A_917] : memref<100000xf32, #tpu.memory_space<vmem>>[vector<16xi32>], vector<16xf32>,
      %mul3A_919 = arith.constant 16 : i32
      %mul3A_920 = arith.muli %scan3A_913, %mul3A_919 : i32
      %swap3A_921 = arith.index_cast %mul3A_920 : i32 to index
      %swap3A_922 = tpu.vector_load %arg8[%swap3A_921] {strides = array<i32>} : memref<8192xf32, #tpu.memory_space<vmem>>, vector<16xf32>,
      tpu.vector_store %arg8[%swap3A_921], %gather3A_918 {strides = array<i32>} : memref<8192xf32, #tpu.memory_space<vmem>>, vector<16xf32>,
      %scan3A_923 = arith.constant 3 : i32
      %scan3A_924 = arith.addi %scan3A_894, %scan3A_923 : i32
      %mul3A_925 = arith.constant 16 : i32
      %mul3A_926 = arith.muli %scan3A_924, %mul3A_925 : i32
      %get3A_927 = arith.index_cast %mul3A_926 : i32 to index
      %get3A_928 = tpu.vector_load %arg5[%get3A_927] {strides = array<i32>} : memref<8192xi32, #tpu.memory_space<vmem>>, vector<16xi32>,
      %gather3A_929 = tpu.vector_load_idx %arg6[%get3A_928] : memref<100000xf32, #tpu.memory_space<vmem>>[vector<16xi32>], vector<16xf32>,
      %mul3A_930 = arith.constant 16 : i32
      %mul3A_931 = arith.muli %scan3A_924, %mul3A_930 : i32
      %swap3A_932 = arith.index_cast %mul3A_931 : i32 to index
      %swap3A_933 = tpu.vector_load %arg8[%swap3A_932] {strides = array<i32>} : memref<8192xf32, #tpu.memory_space<vmem>>, vector<16xf32>,
      tpu.vector_store %arg8[%swap3A_932], %gather3A_929 {strides = array<i32>} : memref<8192xf32, #tpu.memory_space<vmem>>, vector<16xf32>,
      %scan3A_934 = arith.constant 4 : i32
      %scan3A_935 = arith.addi %scan3A_894, %scan3A_934 : i32
      %mul3A_936 = arith.constant 16 : i32
      %mul3A_937 = arith.muli %scan3A_935, %mul3A_936 : i32
      %get3A_938 = arith.index_cast %mul3A_937 : i32 to index
      %get3A_939 = tpu.vector_load %arg5[%get3A_938] {strides = array<i32>} : memref<8192xi32, #tpu.memory_space<vmem>>, vector<16xi32>,
      %gather3A_940 = tpu.vector_load_idx %arg6[%get3A_939] : memref<100000xf32, #tpu.memory_space<vmem>>[vector<16xi32>], vector<16xf32>,
      %mul3A_941 = arith.constant 16 : i32
      %mul3A_942 = arith.muli %scan3A_935, %mul3A_941 : i32
      %swap3A_943 = arith.index_cast %mul3A_942 : i32 to index
      %swap3A_944 = tpu.vector_load %arg8[%swap3A_943] {strides = array<i32>} : memref<8192xf32, #tpu.memory_space<vmem>>, vector<16xf32>,
      tpu.vector_store %arg8[%swap3A_943], %gather3A_940 {strides = array<i32>} : memref<8192xf32, #tpu.memory_space<vmem>>, vector<16xf32>,
      %scan3A_945 = arith.constant 5 : i32
      %scan3A_946 = arith.addi %scan3A_894, %scan3A_945 : i32
      %mul3A_947 = arith.constant 16 : i32
      %mul3A_948 = arith.muli %scan3A_946, %mul3A_947 : i32
      %get3A_949 = arith.index_cast %mul3A_948 : i32 to index
      %get3A_950 = tpu.vector_load %arg5[%get3A_949] {strides = array<i32>} : memref<8192xi32, #tpu.memory_space<vmem>>, vector<16xi32>,
      %gather3A_951 = tpu.vector_load_idx %arg6[%get3A_950] : memref<100000xf32, #tpu.memory_space<vmem>>[vector<16xi32>], vector<16xf32>,
      %mul3A_952 = arith.constant 16 : i32
      %mul3A_953 = arith.muli %scan3A_946, %mul3A_952 : i32
      %swap3A_954 = arith.index_cast %mul3A_953 : i32 to index
      %swap3A_955 = tpu.vector_load %arg8[%swap3A_954] {strides = array<i32>} : memref<8192xf32, #tpu.memory_space<vmem>>, vector<16xf32>,
      tpu.vector_store %arg8[%swap3A_954], %gather3A_951 {strides = array<i32>} : memref<8192xf32, #tpu.memory_space<vmem>>, vector<16xf32>,
      %scan3A_956 = arith.constant 6 : i32
      %scan3A_957 = arith.addi %scan3A_894, %scan3A_956 : i32
      %mul3A_958 = arith.constant 16 : i32
      %mul3A_959 = arith.muli %scan3A_957, %mul3A_958 : i32
      %get3A_960 = arith.index_cast %mul3A_959 : i32 to index
      %get3A_961 = tpu.vector_load %arg5[%get3A_960] {strides = array<i32>} : memref<8192xi32, #tpu.memory_space<vmem>>, vector<16xi32>,
      %gather3A_962 = tpu.vector_load_idx %arg6[%get3A_961] : memref<100000xf32, #tpu.memory_space<vmem>>[vector<16xi32>], vector<16xf32>,
      %mul3A_963 = arith.constant 16 : i32
      %mul3A_964 = arith.muli %scan3A_957, %mul3A_963 : i32
      %swap3A_965 = arith.index_cast %mul3A_964 : i32 to index
      %swap3A_966 = tpu.vector_load %arg8[%swap3A_965] {strides = array<i32>} : memref<8192xf32, #tpu.memory_space<vmem>>, vector<16xf32>,
      tpu.vector_store %arg8[%swap3A_965], %gather3A_962 {strides = array<i32>} : memref<8192xf32, #tpu.memory_space<vmem>>, vector<16xf32>,
      %scan3A_967 = arith.constant 7 : i32
      %scan3A_968 = arith.addi %scan3A_894, %scan3A_967 : i32
      %mul3A_969 = arith.constant 16 : i32
      %mul3A_970 = arith.muli %scan3A_968, %mul3A_969 : i32
      %get3A_971 = arith.index_cast %mul3A_970 : i32 to index
      %get3A_972 = tpu.vector_load %arg5[%get3A_971] {strides = array<i32>} : memref<8192xi32, #tpu.memory_space<vmem>>, vector<16xi32>,
      %gather3A_973 = tpu.vector_load_idx %arg6[%get3A_972] : memref<100000xf32, #tpu.memory_space<vmem>>[vector<16xi32>], vector<16xf32>,
      %mul3A_974 = arith.constant 16 : i32
      %mul3A_975 = arith.muli %scan3A_968, %mul3A_974 : i32
      %swap3A_976 = arith.index_cast %mul3A_975 : i32 to index
      %swap3A_977 = tpu.vector_load %arg8[%swap3A_976] {strides = array<i32>} : memref<8192xf32, #tpu.memory_space<vmem>>, vector<16xf32>,
      tpu.vector_store %arg8[%swap3A_976], %gather3A_973 {strides = array<i32>} : memref<8192xf32, #tpu.memory_space<vmem>>, vector<16xf32>,
    }
    %scan3A_653 = arith.constant 512 : i32
    %add3A_654 = arith.constant 304 : i32
    %add3A_655 = arith.addi %add3A_654, %add3A_621 : i32
    %dma_start3A_656 = arith.constant 0 : i32
    %dma_start3A_657 = tpu.memref_slice %arg4[%add3A_655, %dma_start3A_656] : memref<456x8192xf32, #tpu.memory_space<hbm>> -> memref<1x8192xf32, #tpu.memory_space<hbm>>
    %dma_start3A_658 = tpu.memref_squeeze %dma_start3A_657 : memref<1x8192xf32, #tpu.memory_space<hbm>> -> memref<8192xf32, #tpu.memory_space<hbm>>
    %dma_start3A_659 = arith.constant 0 : i32
    %dma_start3A_660 = tpu.memref_slice %arg4[%add3A_655, %dma_start3A_659] : memref<456x8192xf32, #tpu.memory_space<hbm>> -> memref<1x8192xf32, #tpu.memory_space<hbm>>
    %dma_start3A_661 = tpu.memref_squeeze %dma_start3A_660 : memref<1x8192xf32, #tpu.memory_space<hbm>> -> memref<8192xf32, #tpu.memory_space<hbm>>
    tpu.enqueue_dma source(%arg8 : memref<8192xf32, #tpu.memory_space<vmem>>) target(%dma_start3A_661 : memref<8192xf32, #tpu.memory_space<hbm>>) target_semaphore(%arg11 : memref<!tpu.dma_semaphore, #tpu.memory_space<semaphore_mem>>)
    %add3A_662 = arith.constant 22 : i32
    %add3A_663 = arith.addi %add3A, %add3A_662 : i32
    %jit3A_664 = arith.constant 32 : i32
    %eq3A_665 = arith.constant 0 : i32
    %eq3A_666 = arith.cmpi eq, %jit3A_664, %eq3A_665 : i32
    %jit3A_667 = arith.constant 1 : i32
    %select_n3A_668 = arith.select %eq3A_666, %jit3A_667, %jit3A_664 : i32
    %rem3A_669 = arith.remsi %add3A_663, %select_n3A_668 : i32
    %ne3A_670 = arith.constant 0 : i32
    %ne3A_671 = arith.cmpi ne, %rem3A_669, %ne3A_670 : i32
    %lt3A_672 = arith.constant 0 : i32
    %lt3A_673 = arith.cmpi slt, %rem3A_669, %lt3A_672 : i32
    %lt3A_674 = arith.constant 0 : i32
    %lt3A_675 = arith.cmpi slt, %select_n3A_668, %lt3A_674 : i32
    %ne3A_676 = arith.xori %lt3A_673, %lt3A_675 : i1
    %and3A_677 = arith.andi %ne3A_676, %ne3A_671 : i1
    %add3A_678 = arith.addi %rem3A_669, %select_n3A_668 : i32
    %select_n3A_679 = arith.select %and3A_677, %add3A_678, %rem3A_669 : i32
    %add3A_680 = arith.constant 64 : i32
    %add3A_681 = arith.addi %select_n3A_679, %add3A_680 : i32
    %add3A_682 = arith.constant 22 : i32
    %add3A_683 = arith.addi %add3A, %add3A_682 : i32
    %jit3A_684 = arith.constant 32 : i32
    %eq3A_685 = arith.constant 0 : i32
    %eq3A_686 = arith.cmpi eq, %jit3A_684, %eq3A_685 : i32
    %jit3A_687 = arith.constant 1 : i32
    %select_n3A_688 = arith.select %eq3A_686, %jit3A_687, %jit3A_684 : i32
    %rem3A_689 = arith.remsi %add3A_683, %select_n3A_688 : i32
    %ne3A_690 = arith.constant 0 : i32
    %ne3A_691 = arith.cmpi ne, %rem3A_689, %ne3A_690 : i32
    %lt3A_692 = arith.constant 0 : i32
    %lt3A_693 = arith.cmpi slt, %rem3A_689, %lt3A_692 : i32
    %lt3A_694 = arith.constant 0 : i32
    %lt3A_695 = arith.cmpi slt, %select_n3A_688, %lt3A_694 : i32
    %ne3A_696 = arith.xori %lt3A_693, %lt3A_695 : i1
    %and3A_697 = arith.andi %ne3A_696, %ne3A_691 : i1
    %add3A_698 = arith.addi %rem3A_689, %select_n3A_688 : i32
    %select_n3A_699 = arith.select %and3A_697, %add3A_698, %rem3A_689 : i32
    %add3A_700 = arith.constant 0 : i32
    %add3A_701 = arith.addi %select_n3A_699, %add3A_700 : i32
    %add3A_702 = arith.constant 304 : i32
    %add3A_703 = arith.addi %add3A_702, %add3A_701 : i32
    %dma_wait3A_704 = arith.constant 0 : i32
    %dma_wait3A_705 = tpu.memref_slice %arg4[%add3A_703, %dma_wait3A_704] : memref<456x8192xf32, #tpu.memory_space<hbm>> -> memref<1x8192xf32, #tpu.memory_space<hbm>>
    %dma_wait3A_706 = tpu.memref_squeeze %dma_wait3A_705 : memref<1x8192xf32, #tpu.memory_space<hbm>> -> memref<8192xf32, #tpu.memory_space<hbm>>
    %dma_wait3A_707 = arith.constant 0 : i32
    %dma_wait3A_708 = tpu.memref_slice %arg4[%add3A_703, %dma_wait3A_707] : memref<456x8192xf32, #tpu.memory_space<hbm>> -> memref<1x8192xf32, #tpu.memory_space<hbm>>
    %dma_wait3A_709 = tpu.memref_squeeze %dma_wait3A_708 : memref<1x8192xf32, #tpu.memory_space<hbm>> -> memref<8192xf32, #tpu.memory_space<hbm>>
    tpu.wait_dma2 semaphore(%arg10 : memref<!tpu.dma_semaphore, #tpu.memory_space<semaphore_mem>>) src(%arg7 : memref<8192xf32, #tpu.memory_space<vmem>>) dst(%dma_wait3A_709 : memref<8192xf32, #tpu.memory_space<hbm>>)
    %run_scoped3A_710 = arith.constant 2 : i32
    "tpu.region"() ({
      %run_scoped3A_894 = tpu.sem_alloc : memref<!tpu.dma_semaphore, #tpu.memory_space<semaphore_mem>>
      %dma_start3A_895 = arith.constant 0 : i32
      %dma_start3A_896 = tpu.memref_slice %arg2[%run_scoped3A_710, %add3A_681, %dma_start3A_895] : memref<3x149x100000xf32, #tpu.memory_space<hbm>> -> memref<1x1x100000xf32, #tpu.memory_space<hbm>>
      %dma_start3A_897 = tpu.memref_squeeze %dma_start3A_896 : memref<1x1x100000xf32, #tpu.memory_space<hbm>> -> memref<100000xf32, #tpu.memory_space<hbm>>
      %dma_start3A_898 = arith.constant 0 : i32
      %dma_start3A_899 = tpu.memref_slice %arg2[%run_scoped3A_710, %add3A_681, %dma_start3A_898] : memref<3x149x100000xf32, #tpu.memory_space<hbm>> -> memref<1x1x100000xf32, #tpu.memory_space<hbm>>
      %dma_start3A_900 = tpu.memref_squeeze %dma_start3A_899 : memref<1x1x100000xf32, #tpu.memory_space<hbm>> -> memref<100000xf32, #tpu.memory_space<hbm>>
      tpu.enqueue_dma source(%dma_start3A_900 : memref<100000xf32, #tpu.memory_space<hbm>>) target(%arg6 : memref<100000xf32, #tpu.memory_space<vmem>>) target_semaphore(%run_scoped3A_894 : memref<!tpu.dma_semaphore, #tpu.memory_space<semaphore_mem>>)
      %dma_wait3A_901 = arith.constant 0 : i32
      %dma_wait3A_902 = tpu.memref_slice %arg2[%run_scoped3A_710, %add3A_681, %dma_wait3A_901] : memref<3x149x100000xf32, #tpu.memory_space<hbm>> -> memref<1x1x100000xf32, #tpu.memory_space<hbm>>
      %dma_wait3A_903 = tpu.memref_squeeze %dma_wait3A_902 : memref<1x1x100000xf32, #tpu.memory_space<hbm>> -> memref<100000xf32, #tpu.memory_space<hbm>>
      %dma_wait3A_904 = arith.constant 0 : i32
      %dma_wait3A_905 = tpu.memref_slice %arg2[%run_scoped3A_710, %add3A_681, %dma_wait3A_904] : memref<3x149x100000xf32, #tpu.memory_space<hbm>> -> memref<1x1x100000xf32, #tpu.memory_space<hbm>>
      %dma_wait3A_906 = tpu.memref_squeeze %dma_wait3A_905 : memref<1x1x100000xf32, #tpu.memory_space<hbm>> -> memref<100000xf32, #tpu.memory_space<hbm>>
      tpu.wait_dma2 semaphore(%run_scoped3A_894 : memref<!tpu.dma_semaphore, #tpu.memory_space<semaphore_mem>>) src(%dma_wait3A_906 : memref<100000xf32, #tpu.memory_space<hbm>>) dst(%arg6 : memref<100000xf32, #tpu.memory_space<vmem>>)
      tpu.yield
    }) : () -> ()
    %scan3A_711 = arith.constant 0 : i32
    %scan3A_712 = arith.constant 0 : i32
    %scan3A_713 = arith.constant 512 : i32
    %scan3A_714 = arith.addi %scan3A_712, %scan3A_713 : i32
    %scan3A_715 = arith.constant 8 : i32
    scf.for %scan3A_894 = %scan3A_712 to %scan3A_714 step %scan3A_715  : i32 {
      %mul3A_895 = arith.constant 16 : i32
      %mul3A_896 = arith.muli %scan3A_894, %mul3A_895 : i32
      %get3A = arith.index_cast %mul3A_896 : i32 to index
      %get3A_897 = tpu.vector_load %arg5[%get3A] {strides = array<i32>} : memref<8192xi32, #tpu.memory_space<vmem>>, vector<16xi32>,
      %gather3A = tpu.vector_load_idx %arg6[%get3A_897] : memref<100000xf32, #tpu.memory_space<vmem>>[vector<16xi32>], vector<16xf32>,
      %mul3A_898 = arith.constant 16 : i32
      %mul3A_899 = arith.muli %scan3A_894, %mul3A_898 : i32
      %swap3A = arith.index_cast %mul3A_899 : i32 to index
      %swap3A_900 = tpu.vector_load %arg7[%swap3A] {strides = array<i32>} : memref<8192xf32, #tpu.memory_space<vmem>>, vector<16xf32>,
      tpu.vector_store %arg7[%swap3A], %gather3A {strides = array<i32>} : memref<8192xf32, #tpu.memory_space<vmem>>, vector<16xf32>,
      %scan3A_901 = arith.constant 1 : i32
      %scan3A_902 = arith.addi %scan3A_894, %scan3A_901 : i32
      %mul3A_903 = arith.constant 16 : i32
      %mul3A_904 = arith.muli %scan3A_902, %mul3A_903 : i32
      %get3A_905 = arith.index_cast %mul3A_904 : i32 to index
      %get3A_906 = tpu.vector_load %arg5[%get3A_905] {strides = array<i32>} : memref<8192xi32, #tpu.memory_space<vmem>>, vector<16xi32>,
      %gather3A_907 = tpu.vector_load_idx %arg6[%get3A_906] : memref<100000xf32, #tpu.memory_space<vmem>>[vector<16xi32>], vector<16xf32>,
      %mul3A_908 = arith.constant 16 : i32
      %mul3A_909 = arith.muli %scan3A_902, %mul3A_908 : i32
      %swap3A_910 = arith.index_cast %mul3A_909 : i32 to index
      %swap3A_911 = tpu.vector_load %arg7[%swap3A_910] {strides = array<i32>} : memref<8192xf32, #tpu.memory_space<vmem>>, vector<16xf32>,
      tpu.vector_store %arg7[%swap3A_910], %gather3A_907 {strides = array<i32>} : memref<8192xf32, #tpu.memory_space<vmem>>, vector<16xf32>,
      %scan3A_912 = arith.constant 2 : i32
      %scan3A_913 = arith.addi %scan3A_894, %scan3A_912 : i32
      %mul3A_914 = arith.constant 16 : i32
      %mul3A_915 = arith.muli %scan3A_913, %mul3A_914 : i32
      %get3A_916 = arith.index_cast %mul3A_915 : i32 to index
      %get3A_917 = tpu.vector_load %arg5[%get3A_916] {strides = array<i32>} : memref<8192xi32, #tpu.memory_space<vmem>>, vector<16xi32>,
      %gather3A_918 = tpu.vector_load_idx %arg6[%get3A_917] : memref<100000xf32, #tpu.memory_space<vmem>>[vector<16xi32>], vector<16xf32>,
      %mul3A_919 = arith.constant 16 : i32
      %mul3A_920 = arith.muli %scan3A_913, %mul3A_919 : i32
      %swap3A_921 = arith.index_cast %mul3A_920 : i32 to index
      %swap3A_922 = tpu.vector_load %arg7[%swap3A_921] {strides = array<i32>} : memref<8192xf32, #tpu.memory_space<vmem>>, vector<16xf32>,
      tpu.vector_store %arg7[%swap3A_921], %gather3A_918 {strides = array<i32>} : memref<8192xf32, #tpu.memory_space<vmem>>, vector<16xf32>,
      %scan3A_923 = arith.constant 3 : i32
      %scan3A_924 = arith.addi %scan3A_894, %scan3A_923 : i32
      %mul3A_925 = arith.constant 16 : i32
      %mul3A_926 = arith.muli %scan3A_924, %mul3A_925 : i32
      %get3A_927 = arith.index_cast %mul3A_926 : i32 to index
      %get3A_928 = tpu.vector_load %arg5[%get3A_927] {strides = array<i32>} : memref<8192xi32, #tpu.memory_space<vmem>>, vector<16xi32>,
      %gather3A_929 = tpu.vector_load_idx %arg6[%get3A_928] : memref<100000xf32, #tpu.memory_space<vmem>>[vector<16xi32>], vector<16xf32>,
      %mul3A_930 = arith.constant 16 : i32
      %mul3A_931 = arith.muli %scan3A_924, %mul3A_930 : i32
      %swap3A_932 = arith.index_cast %mul3A_931 : i32 to index
      %swap3A_933 = tpu.vector_load %arg7[%swap3A_932] {strides = array<i32>} : memref<8192xf32, #tpu.memory_space<vmem>>, vector<16xf32>,
      tpu.vector_store %arg7[%swap3A_932], %gather3A_929 {strides = array<i32>} : memref<8192xf32, #tpu.memory_space<vmem>>, vector<16xf32>,
      %scan3A_934 = arith.constant 4 : i32
      %scan3A_935 = arith.addi %scan3A_894, %scan3A_934 : i32
      %mul3A_936 = arith.constant 16 : i32
      %mul3A_937 = arith.muli %scan3A_935, %mul3A_936 : i32
      %get3A_938 = arith.index_cast %mul3A_937 : i32 to index
      %get3A_939 = tpu.vector_load %arg5[%get3A_938] {strides = array<i32>} : memref<8192xi32, #tpu.memory_space<vmem>>, vector<16xi32>,
      %gather3A_940 = tpu.vector_load_idx %arg6[%get3A_939] : memref<100000xf32, #tpu.memory_space<vmem>>[vector<16xi32>], vector<16xf32>,
      %mul3A_941 = arith.constant 16 : i32
      %mul3A_942 = arith.muli %scan3A_935, %mul3A_941 : i32
      %swap3A_943 = arith.index_cast %mul3A_942 : i32 to index
      %swap3A_944 = tpu.vector_load %arg7[%swap3A_943] {strides = array<i32>} : memref<8192xf32, #tpu.memory_space<vmem>>, vector<16xf32>,
      tpu.vector_store %arg7[%swap3A_943], %gather3A_940 {strides = array<i32>} : memref<8192xf32, #tpu.memory_space<vmem>>, vector<16xf32>,
      %scan3A_945 = arith.constant 5 : i32
      %scan3A_946 = arith.addi %scan3A_894, %scan3A_945 : i32
      %mul3A_947 = arith.constant 16 : i32
      %mul3A_948 = arith.muli %scan3A_946, %mul3A_947 : i32
      %get3A_949 = arith.index_cast %mul3A_948 : i32 to index
      %get3A_950 = tpu.vector_load %arg5[%get3A_949] {strides = array<i32>} : memref<8192xi32, #tpu.memory_space<vmem>>, vector<16xi32>,
      %gather3A_951 = tpu.vector_load_idx %arg6[%get3A_950] : memref<100000xf32, #tpu.memory_space<vmem>>[vector<16xi32>], vector<16xf32>,
      %mul3A_952 = arith.constant 16 : i32
      %mul3A_953 = arith.muli %scan3A_946, %mul3A_952 : i32
      %swap3A_954 = arith.index_cast %mul3A_953 : i32 to index
      %swap3A_955 = tpu.vector_load %arg7[%swap3A_954] {strides = array<i32>} : memref<8192xf32, #tpu.memory_space<vmem>>, vector<16xf32>,
      tpu.vector_store %arg7[%swap3A_954], %gather3A_951 {strides = array<i32>} : memref<8192xf32, #tpu.memory_space<vmem>>, vector<16xf32>,
      %scan3A_956 = arith.constant 6 : i32
      %scan3A_957 = arith.addi %scan3A_894, %scan3A_956 : i32
      %mul3A_958 = arith.constant 16 : i32
      %mul3A_959 = arith.muli %scan3A_957, %mul3A_958 : i32
      %get3A_960 = arith.index_cast %mul3A_959 : i32 to index
      %get3A_961 = tpu.vector_load %arg5[%get3A_960] {strides = array<i32>} : memref<8192xi32, #tpu.memory_space<vmem>>, vector<16xi32>,
      %gather3A_962 = tpu.vector_load_idx %arg6[%get3A_961] : memref<100000xf32, #tpu.memory_space<vmem>>[vector<16xi32>], vector<16xf32>,
      %mul3A_963 = arith.constant 16 : i32
      %mul3A_964 = arith.muli %scan3A_957, %mul3A_963 : i32
      %swap3A_965 = arith.index_cast %mul3A_964 : i32 to index
      %swap3A_966 = tpu.vector_load %arg7[%swap3A_965] {strides = array<i32>} : memref<8192xf32, #tpu.memory_space<vmem>>, vector<16xf32>,
      tpu.vector_store %arg7[%swap3A_965], %gather3A_962 {strides = array<i32>} : memref<8192xf32, #tpu.memory_space<vmem>>, vector<16xf32>,
      %scan3A_967 = arith.constant 7 : i32
      %scan3A_968 = arith.addi %scan3A_894, %scan3A_967 : i32
      %mul3A_969 = arith.constant 16 : i32
      %mul3A_970 = arith.muli %scan3A_968, %mul3A_969 : i32
      %get3A_971 = arith.index_cast %mul3A_970 : i32 to index
      %get3A_972 = tpu.vector_load %arg5[%get3A_971] {strides = array<i32>} : memref<8192xi32, #tpu.memory_space<vmem>>, vector<16xi32>,
      %gather3A_973 = tpu.vector_load_idx %arg6[%get3A_972] : memref<100000xf32, #tpu.memory_space<vmem>>[vector<16xi32>], vector<16xf32>,
      %mul3A_974 = arith.constant 16 : i32
      %mul3A_975 = arith.muli %scan3A_968, %mul3A_974 : i32
      %swap3A_976 = arith.index_cast %mul3A_975 : i32 to index
      %swap3A_977 = tpu.vector_load %arg7[%swap3A_976] {strides = array<i32>} : memref<8192xf32, #tpu.memory_space<vmem>>, vector<16xf32>,
      tpu.vector_store %arg7[%swap3A_976], %gather3A_973 {strides = array<i32>} : memref<8192xf32, #tpu.memory_space<vmem>>, vector<16xf32>,
    }
    %scan3A_716 = arith.constant 512 : i32
    %add3A_717 = arith.constant 304 : i32
    %add3A_718 = arith.addi %add3A_717, %add3A_681 : i32
    %dma_start3A_719 = arith.constant 0 : i32
    %dma_start3A_720 = tpu.memref_slice %arg4[%add3A_718, %dma_start3A_719] : memref<456x8192xf32, #tpu.memory_space<hbm>> -> memref<1x8192xf32, #tpu.memory_space<hbm>>
    %dma_start3A_721 = tpu.memref_squeeze %dma_start3A_720 : memref<1x8192xf32, #tpu.memory_space<hbm>> -> memref<8192xf32, #tpu.memory_space<hbm>>
    %dma_start3A_722 = arith.constant 0 : i32
    %dma_start3A_723 = tpu.memref_slice %arg4[%add3A_718, %dma_start3A_722] : memref<456x8192xf32, #tpu.memory_space<hbm>> -> memref<1x8192xf32, #tpu.memory_space<hbm>>
    %dma_start3A_724 = tpu.memref_squeeze %dma_start3A_723 : memref<1x8192xf32, #tpu.memory_space<hbm>> -> memref<8192xf32, #tpu.memory_space<hbm>>
    tpu.enqueue_dma source(%arg7 : memref<8192xf32, #tpu.memory_space<vmem>>) target(%dma_start3A_724 : memref<8192xf32, #tpu.memory_space<hbm>>) target_semaphore(%arg10 : memref<!tpu.dma_semaphore, #tpu.memory_space<semaphore_mem>>)
    %add3A_725 = arith.constant 22 : i32
    %add3A_726 = arith.addi %add3A, %add3A_725 : i32
    %jit3A_727 = arith.constant 32 : i32
    %eq3A_728 = arith.constant 0 : i32
    %eq3A_729 = arith.cmpi eq, %jit3A_727, %eq3A_728 : i32
    %jit3A_730 = arith.constant 1 : i32
    %select_n3A_731 = arith.select %eq3A_729, %jit3A_730, %jit3A_727 : i32
    %rem3A_732 = arith.remsi %add3A_726, %select_n3A_731 : i32
    %ne3A_733 = arith.constant 0 : i32
    %ne3A_734 = arith.cmpi ne, %rem3A_732, %ne3A_733 : i32
    %lt3A_735 = arith.constant 0 : i32
    %lt3A_736 = arith.cmpi slt, %rem3A_732, %lt3A_735 : i32
    %lt3A_737 = arith.constant 0 : i32
    %lt3A_738 = arith.cmpi slt, %select_n3A_731, %lt3A_737 : i32
    %ne3A_739 = arith.xori %lt3A_736, %lt3A_738 : i1
    %and3A_740 = arith.andi %ne3A_739, %ne3A_734 : i1
    %add3A_741 = arith.addi %rem3A_732, %select_n3A_731 : i32
    %select_n3A_742 = arith.select %and3A_740, %add3A_741, %rem3A_732 : i32
    %add3A_743 = arith.constant 96 : i32
    %add3A_744 = arith.addi %select_n3A_742, %add3A_743 : i32
    %add3A_745 = arith.constant 22 : i32
    %add3A_746 = arith.addi %add3A, %add3A_745 : i32
    %jit3A_747 = arith.constant 32 : i32
    %eq3A_748 = arith.constant 0 : i32
    %eq3A_749 = arith.cmpi eq, %jit3A_747, %eq3A_748 : i32
    %jit3A_750 = arith.constant 1 : i32
    %select_n3A_751 = arith.select %eq3A_749, %jit3A_750, %jit3A_747 : i32
    %rem3A_752 = arith.remsi %add3A_746, %select_n3A_751 : i32
    %ne3A_753 = arith.constant 0 : i32
    %ne3A_754 = arith.cmpi ne, %rem3A_752, %ne3A_753 : i32
    %lt3A_755 = arith.constant 0 : i32
    %lt3A_756 = arith.cmpi slt, %rem3A_752, %lt3A_755 : i32
    %lt3A_757 = arith.constant 0 : i32
    %lt3A_758 = arith.cmpi slt, %select_n3A_751, %lt3A_757 : i32
    %ne3A_759 = arith.xori %lt3A_756, %lt3A_758 : i1
    %and3A_760 = arith.andi %ne3A_759, %ne3A_754 : i1
    %add3A_761 = arith.addi %rem3A_752, %select_n3A_751 : i32
    %select_n3A_762 = arith.select %and3A_760, %add3A_761, %rem3A_752 : i32
    %add3A_763 = arith.constant 32 : i32
    %add3A_764 = arith.addi %select_n3A_762, %add3A_763 : i32
    %add3A_765 = arith.constant 304 : i32
    %add3A_766 = arith.addi %add3A_765, %add3A_764 : i32
    %dma_wait3A_767 = arith.constant 0 : i32
    %dma_wait3A_768 = tpu.memref_slice %arg4[%add3A_766, %dma_wait3A_767] : memref<456x8192xf32, #tpu.memory_space<hbm>> -> memref<1x8192xf32, #tpu.memory_space<hbm>>
    %dma_wait3A_769 = tpu.memref_squeeze %dma_wait3A_768 : memref<1x8192xf32, #tpu.memory_space<hbm>> -> memref<8192xf32, #tpu.memory_space<hbm>>
    %dma_wait3A_770 = arith.constant 0 : i32
    %dma_wait3A_771 = tpu.memref_slice %arg4[%add3A_766, %dma_wait3A_770] : memref<456x8192xf32, #tpu.memory_space<hbm>> -> memref<1x8192xf32, #tpu.memory_space<hbm>>
    %dma_wait3A_772 = tpu.memref_squeeze %dma_wait3A_771 : memref<1x8192xf32, #tpu.memory_space<hbm>> -> memref<8192xf32, #tpu.memory_space<hbm>>
    tpu.wait_dma2 semaphore(%arg11 : memref<!tpu.dma_semaphore, #tpu.memory_space<semaphore_mem>>) src(%arg8 : memref<8192xf32, #tpu.memory_space<vmem>>) dst(%dma_wait3A_772 : memref<8192xf32, #tpu.memory_space<hbm>>)
    %run_scoped3A_773 = arith.constant 2 : i32
    "tpu.region"() ({
      %run_scoped3A_894 = tpu.sem_alloc : memref<!tpu.dma_semaphore, #tpu.memory_space<semaphore_mem>>
      %dma_start3A_895 = arith.constant 0 : i32
      %dma_start3A_896 = tpu.memref_slice %arg2[%run_scoped3A_773, %add3A_744, %dma_start3A_895] : memref<3x149x100000xf32, #tpu.memory_space<hbm>> -> memref<1x1x100000xf32, #tpu.memory_space<hbm>>
      %dma_start3A_897 = tpu.memref_squeeze %dma_start3A_896 : memref<1x1x100000xf32, #tpu.memory_space<hbm>> -> memref<100000xf32, #tpu.memory_space<hbm>>
      %dma_start3A_898 = arith.constant 0 : i32
      %dma_start3A_899 = tpu.memref_slice %arg2[%run_scoped3A_773, %add3A_744, %dma_start3A_898] : memref<3x149x100000xf32, #tpu.memory_space<hbm>> -> memref<1x1x100000xf32, #tpu.memory_space<hbm>>
      %dma_start3A_900 = tpu.memref_squeeze %dma_start3A_899 : memref<1x1x100000xf32, #tpu.memory_space<hbm>> -> memref<100000xf32, #tpu.memory_space<hbm>>
      tpu.enqueue_dma source(%dma_start3A_900 : memref<100000xf32, #tpu.memory_space<hbm>>) target(%arg6 : memref<100000xf32, #tpu.memory_space<vmem>>) target_semaphore(%run_scoped3A_894 : memref<!tpu.dma_semaphore, #tpu.memory_space<semaphore_mem>>)
      %dma_wait3A_901 = arith.constant 0 : i32
      %dma_wait3A_902 = tpu.memref_slice %arg2[%run_scoped3A_773, %add3A_744, %dma_wait3A_901] : memref<3x149x100000xf32, #tpu.memory_space<hbm>> -> memref<1x1x100000xf32, #tpu.memory_space<hbm>>
      %dma_wait3A_903 = tpu.memref_squeeze %dma_wait3A_902 : memref<1x1x100000xf32, #tpu.memory_space<hbm>> -> memref<100000xf32, #tpu.memory_space<hbm>>
      %dma_wait3A_904 = arith.constant 0 : i32
      %dma_wait3A_905 = tpu.memref_slice %arg2[%run_scoped3A_773, %add3A_744, %dma_wait3A_904] : memref<3x149x100000xf32, #tpu.memory_space<hbm>> -> memref<1x1x100000xf32, #tpu.memory_space<hbm>>
      %dma_wait3A_906 = tpu.memref_squeeze %dma_wait3A_905 : memref<1x1x100000xf32, #tpu.memory_space<hbm>> -> memref<100000xf32, #tpu.memory_space<hbm>>
      tpu.wait_dma2 semaphore(%run_scoped3A_894 : memref<!tpu.dma_semaphore, #tpu.memory_space<semaphore_mem>>) src(%dma_wait3A_906 : memref<100000xf32, #tpu.memory_space<hbm>>) dst(%arg6 : memref<100000xf32, #tpu.memory_space<vmem>>)
      tpu.yield
    }) : () -> ()
    %scan3A_774 = arith.constant 0 : i32
    %scan3A_775 = arith.constant 0 : i32
    %scan3A_776 = arith.constant 512 : i32
    %scan3A_777 = arith.addi %scan3A_775, %scan3A_776 : i32
    %scan3A_778 = arith.constant 8 : i32
    scf.for %scan3A_894 = %scan3A_775 to %scan3A_777 step %scan3A_778  : i32 {
      %mul3A_895 = arith.constant 16 : i32
      %mul3A_896 = arith.muli %scan3A_894, %mul3A_895 : i32
      %get3A = arith.index_cast %mul3A_896 : i32 to index
      %get3A_897 = tpu.vector_load %arg5[%get3A] {strides = array<i32>} : memref<8192xi32, #tpu.memory_space<vmem>>, vector<16xi32>,
      %gather3A = tpu.vector_load_idx %arg6[%get3A_897] : memref<100000xf32, #tpu.memory_space<vmem>>[vector<16xi32>], vector<16xf32>,
      %mul3A_898 = arith.constant 16 : i32
      %mul3A_899 = arith.muli %scan3A_894, %mul3A_898 : i32
      %swap3A = arith.index_cast %mul3A_899 : i32 to index
      %swap3A_900 = tpu.vector_load %arg8[%swap3A] {strides = array<i32>} : memref<8192xf32, #tpu.memory_space<vmem>>, vector<16xf32>,
      tpu.vector_store %arg8[%swap3A], %gather3A {strides = array<i32>} : memref<8192xf32, #tpu.memory_space<vmem>>, vector<16xf32>,
      %scan3A_901 = arith.constant 1 : i32
      %scan3A_902 = arith.addi %scan3A_894, %scan3A_901 : i32
      %mul3A_903 = arith.constant 16 : i32
      %mul3A_904 = arith.muli %scan3A_902, %mul3A_903 : i32
      %get3A_905 = arith.index_cast %mul3A_904 : i32 to index
      %get3A_906 = tpu.vector_load %arg5[%get3A_905] {strides = array<i32>} : memref<8192xi32, #tpu.memory_space<vmem>>, vector<16xi32>,
      %gather3A_907 = tpu.vector_load_idx %arg6[%get3A_906] : memref<100000xf32, #tpu.memory_space<vmem>>[vector<16xi32>], vector<16xf32>,
      %mul3A_908 = arith.constant 16 : i32
      %mul3A_909 = arith.muli %scan3A_902, %mul3A_908 : i32
      %swap3A_910 = arith.index_cast %mul3A_909 : i32 to index
      %swap3A_911 = tpu.vector_load %arg8[%swap3A_910] {strides = array<i32>} : memref<8192xf32, #tpu.memory_space<vmem>>, vector<16xf32>,
      tpu.vector_store %arg8[%swap3A_910], %gather3A_907 {strides = array<i32>} : memref<8192xf32, #tpu.memory_space<vmem>>, vector<16xf32>,
      %scan3A_912 = arith.constant 2 : i32
      %scan3A_913 = arith.addi %scan3A_894, %scan3A_912 : i32
      %mul3A_914 = arith.constant 16 : i32
      %mul3A_915 = arith.muli %scan3A_913, %mul3A_914 : i32
      %get3A_916 = arith.index_cast %mul3A_915 : i32 to index
      %get3A_917 = tpu.vector_load %arg5[%get3A_916] {strides = array<i32>} : memref<8192xi32, #tpu.memory_space<vmem>>, vector<16xi32>,
      %gather3A_918 = tpu.vector_load_idx %arg6[%get3A_917] : memref<100000xf32, #tpu.memory_space<vmem>>[vector<16xi32>], vector<16xf32>,
      %mul3A_919 = arith.constant 16 : i32
      %mul3A_920 = arith.muli %scan3A_913, %mul3A_919 : i32
      %swap3A_921 = arith.index_cast %mul3A_920 : i32 to index
      %swap3A_922 = tpu.vector_load %arg8[%swap3A_921] {strides = array<i32>} : memref<8192xf32, #tpu.memory_space<vmem>>, vector<16xf32>,
      tpu.vector_store %arg8[%swap3A_921], %gather3A_918 {strides = array<i32>} : memref<8192xf32, #tpu.memory_space<vmem>>, vector<16xf32>,
      %scan3A_923 = arith.constant 3 : i32
      %scan3A_924 = arith.addi %scan3A_894, %scan3A_923 : i32
      %mul3A_925 = arith.constant 16 : i32
      %mul3A_926 = arith.muli %scan3A_924, %mul3A_925 : i32
      %get3A_927 = arith.index_cast %mul3A_926 : i32 to index
      %get3A_928 = tpu.vector_load %arg5[%get3A_927] {strides = array<i32>} : memref<8192xi32, #tpu.memory_space<vmem>>, vector<16xi32>,
      %gather3A_929 = tpu.vector_load_idx %arg6[%get3A_928] : memref<100000xf32, #tpu.memory_space<vmem>>[vector<16xi32>], vector<16xf32>,
      %mul3A_930 = arith.constant 16 : i32
      %mul3A_931 = arith.muli %scan3A_924, %mul3A_930 : i32
      %swap3A_932 = arith.index_cast %mul3A_931 : i32 to index
      %swap3A_933 = tpu.vector_load %arg8[%swap3A_932] {strides = array<i32>} : memref<8192xf32, #tpu.memory_space<vmem>>, vector<16xf32>,
      tpu.vector_store %arg8[%swap3A_932], %gather3A_929 {strides = array<i32>} : memref<8192xf32, #tpu.memory_space<vmem>>, vector<16xf32>,
      %scan3A_934 = arith.constant 4 : i32
      %scan3A_935 = arith.addi %scan3A_894, %scan3A_934 : i32
      %mul3A_936 = arith.constant 16 : i32
      %mul3A_937 = arith.muli %scan3A_935, %mul3A_936 : i32
      %get3A_938 = arith.index_cast %mul3A_937 : i32 to index
      %get3A_939 = tpu.vector_load %arg5[%get3A_938] {strides = array<i32>} : memref<8192xi32, #tpu.memory_space<vmem>>, vector<16xi32>,
      %gather3A_940 = tpu.vector_load_idx %arg6[%get3A_939] : memref<100000xf32, #tpu.memory_space<vmem>>[vector<16xi32>], vector<16xf32>,
      %mul3A_941 = arith.constant 16 : i32
      %mul3A_942 = arith.muli %scan3A_935, %mul3A_941 : i32
      %swap3A_943 = arith.index_cast %mul3A_942 : i32 to index
      %swap3A_944 = tpu.vector_load %arg8[%swap3A_943] {strides = array<i32>} : memref<8192xf32, #tpu.memory_space<vmem>>, vector<16xf32>,
      tpu.vector_store %arg8[%swap3A_943], %gather3A_940 {strides = array<i32>} : memref<8192xf32, #tpu.memory_space<vmem>>, vector<16xf32>,
      %scan3A_945 = arith.constant 5 : i32
      %scan3A_946 = arith.addi %scan3A_894, %scan3A_945 : i32
      %mul3A_947 = arith.constant 16 : i32
      %mul3A_948 = arith.muli %scan3A_946, %mul3A_947 : i32
      %get3A_949 = arith.index_cast %mul3A_948 : i32 to index
      %get3A_950 = tpu.vector_load %arg5[%get3A_949] {strides = array<i32>} : memref<8192xi32, #tpu.memory_space<vmem>>, vector<16xi32>,
      %gather3A_951 = tpu.vector_load_idx %arg6[%get3A_950] : memref<100000xf32, #tpu.memory_space<vmem>>[vector<16xi32>], vector<16xf32>,
      %mul3A_952 = arith.constant 16 : i32
      %mul3A_953 = arith.muli %scan3A_946, %mul3A_952 : i32
      %swap3A_954 = arith.index_cast %mul3A_953 : i32 to index
      %swap3A_955 = tpu.vector_load %arg8[%swap3A_954] {strides = array<i32>} : memref<8192xf32, #tpu.memory_space<vmem>>, vector<16xf32>,
      tpu.vector_store %arg8[%swap3A_954], %gather3A_951 {strides = array<i32>} : memref<8192xf32, #tpu.memory_space<vmem>>, vector<16xf32>,
      %scan3A_956 = arith.constant 6 : i32
      %scan3A_957 = arith.addi %scan3A_894, %scan3A_956 : i32
      %mul3A_958 = arith.constant 16 : i32
      %mul3A_959 = arith.muli %scan3A_957, %mul3A_958 : i32
      %get3A_960 = arith.index_cast %mul3A_959 : i32 to index
      %get3A_961 = tpu.vector_load %arg5[%get3A_960] {strides = array<i32>} : memref<8192xi32, #tpu.memory_space<vmem>>, vector<16xi32>,
      %gather3A_962 = tpu.vector_load_idx %arg6[%get3A_961] : memref<100000xf32, #tpu.memory_space<vmem>>[vector<16xi32>], vector<16xf32>,
      %mul3A_963 = arith.constant 16 : i32
      %mul3A_964 = arith.muli %scan3A_957, %mul3A_963 : i32
      %swap3A_965 = arith.index_cast %mul3A_964 : i32 to index
      %swap3A_966 = tpu.vector_load %arg8[%swap3A_965] {strides = array<i32>} : memref<8192xf32, #tpu.memory_space<vmem>>, vector<16xf32>,
      tpu.vector_store %arg8[%swap3A_965], %gather3A_962 {strides = array<i32>} : memref<8192xf32, #tpu.memory_space<vmem>>, vector<16xf32>,
      %scan3A_967 = arith.constant 7 : i32
      %scan3A_968 = arith.addi %scan3A_894, %scan3A_967 : i32
      %mul3A_969 = arith.constant 16 : i32
      %mul3A_970 = arith.muli %scan3A_968, %mul3A_969 : i32
      %get3A_971 = arith.index_cast %mul3A_970 : i32 to index
      %get3A_972 = tpu.vector_load %arg5[%get3A_971] {strides = array<i32>} : memref<8192xi32, #tpu.memory_space<vmem>>, vector<16xi32>,
      %gather3A_973 = tpu.vector_load_idx %arg6[%get3A_972] : memref<100000xf32, #tpu.memory_space<vmem>>[vector<16xi32>], vector<16xf32>,
      %mul3A_974 = arith.constant 16 : i32
      %mul3A_975 = arith.muli %scan3A_968, %mul3A_974 : i32
      %swap3A_976 = arith.index_cast %mul3A_975 : i32 to index
      %swap3A_977 = tpu.vector_load %arg8[%swap3A_976] {strides = array<i32>} : memref<8192xf32, #tpu.memory_space<vmem>>, vector<16xf32>,
      tpu.vector_store %arg8[%swap3A_976], %gather3A_973 {strides = array<i32>} : memref<8192xf32, #tpu.memory_space<vmem>>, vector<16xf32>,
    }
    %scan3A_779 = arith.constant 512 : i32
    %add3A_780 = arith.constant 304 : i32
    %add3A_781 = arith.addi %add3A_780, %add3A_744 : i32
    %dma_start3A_782 = arith.constant 0 : i32
    %dma_start3A_783 = tpu.memref_slice %arg4[%add3A_781, %dma_start3A_782] : memref<456x8192xf32, #tpu.memory_space<hbm>> -> memref<1x8192xf32, #tpu.memory_space<hbm>>
    %dma_start3A_784 = tpu.memref_squeeze %dma_start3A_783 : memref<1x8192xf32, #tpu.memory_space<hbm>> -> memref<8192xf32, #tpu.memory_space<hbm>>
    %dma_start3A_785 = arith.constant 0 : i32
    %dma_start3A_786 = tpu.memref_slice %arg4[%add3A_781, %dma_start3A_785] : memref<456x8192xf32, #tpu.memory_space<hbm>> -> memref<1x8192xf32, #tpu.memory_space<hbm>>
    %dma_start3A_787 = tpu.memref_squeeze %dma_start3A_786 : memref<1x8192xf32, #tpu.memory_space<hbm>> -> memref<8192xf32, #tpu.memory_space<hbm>>
    tpu.enqueue_dma source(%arg8 : memref<8192xf32, #tpu.memory_space<vmem>>) target(%dma_start3A_787 : memref<8192xf32, #tpu.memory_space<hbm>>) target_semaphore(%arg11 : memref<!tpu.dma_semaphore, #tpu.memory_space<semaphore_mem>>)
    %add3A_788 = arith.constant 22 : i32
    %add3A_789 = arith.addi %add3A, %add3A_788 : i32
    %jit3A_790 = arith.constant 32 : i32
    %eq3A_791 = arith.constant 0 : i32
    %eq3A_792 = arith.cmpi eq, %jit3A_790, %eq3A_791 : i32
    %jit3A_793 = arith.constant 1 : i32
    %select_n3A_794 = arith.select %eq3A_792, %jit3A_793, %jit3A_790 : i32
    %rem3A_795 = arith.remsi %add3A_789, %select_n3A_794 : i32
    %ne3A_796 = arith.constant 0 : i32
    %ne3A_797 = arith.cmpi ne, %rem3A_795, %ne3A_796 : i32
    %lt3A_798 = arith.constant 0 : i32
    %lt3A_799 = arith.cmpi slt, %rem3A_795, %lt3A_798 : i32
    %lt3A_800 = arith.constant 0 : i32
    %lt3A_801 = arith.cmpi slt, %select_n3A_794, %lt3A_800 : i32
    %ne3A_802 = arith.xori %lt3A_799, %lt3A_801 : i1
    %and3A_803 = arith.andi %ne3A_802, %ne3A_797 : i1
    %add3A_804 = arith.addi %rem3A_795, %select_n3A_794 : i32
    %select_n3A_805 = arith.select %and3A_803, %add3A_804, %rem3A_795 : i32
    %add3A_806 = arith.constant 128 : i32
    %add3A_807 = arith.addi %select_n3A_805, %add3A_806 : i32
    %add3A_808 = arith.constant 22 : i32
    %add3A_809 = arith.addi %add3A, %add3A_808 : i32
    %jit3A_810 = arith.constant 32 : i32
    %eq3A_811 = arith.constant 0 : i32
    %eq3A_812 = arith.cmpi eq, %jit3A_810, %eq3A_811 : i32
    %jit3A_813 = arith.constant 1 : i32
    %select_n3A_814 = arith.select %eq3A_812, %jit3A_813, %jit3A_810 : i32
    %rem3A_815 = arith.remsi %add3A_809, %select_n3A_814 : i32
    %ne3A_816 = arith.constant 0 : i32
    %ne3A_817 = arith.cmpi ne, %rem3A_815, %ne3A_816 : i32
    %lt3A_818 = arith.constant 0 : i32
    %lt3A_819 = arith.cmpi slt, %rem3A_815, %lt3A_818 : i32
    %lt3A_820 = arith.constant 0 : i32
    %lt3A_821 = arith.cmpi slt, %select_n3A_814, %lt3A_820 : i32
    %ne3A_822 = arith.xori %lt3A_819, %lt3A_821 : i1
    %and3A_823 = arith.andi %ne3A_822, %ne3A_817 : i1
    %add3A_824 = arith.addi %rem3A_815, %select_n3A_814 : i32
    %select_n3A_825 = arith.select %and3A_823, %add3A_824, %rem3A_815 : i32
    %add3A_826 = arith.constant 64 : i32
    %add3A_827 = arith.addi %select_n3A_825, %add3A_826 : i32
    %add3A_828 = arith.constant 304 : i32
    %add3A_829 = arith.addi %add3A_828, %add3A_827 : i32
    %dma_wait3A_830 = arith.constant 0 : i32
    %dma_wait3A_831 = tpu.memref_slice %arg4[%add3A_829, %dma_wait3A_830] : memref<456x8192xf32, #tpu.memory_space<hbm>> -> memref<1x8192xf32, #tpu.memory_space<hbm>>
    %dma_wait3A_832 = tpu.memref_squeeze %dma_wait3A_831 : memref<1x8192xf32, #tpu.memory_space<hbm>> -> memref<8192xf32, #tpu.memory_space<hbm>>
    %dma_wait3A_833 = arith.constant 0 : i32
    %dma_wait3A_834 = tpu.memref_slice %arg4[%add3A_829, %dma_wait3A_833] : memref<456x8192xf32, #tpu.memory_space<hbm>> -> memref<1x8192xf32, #tpu.memory_space<hbm>>
    %dma_wait3A_835 = tpu.memref_squeeze %dma_wait3A_834 : memref<1x8192xf32, #tpu.memory_space<hbm>> -> memref<8192xf32, #tpu.memory_space<hbm>>
    tpu.wait_dma2 semaphore(%arg10 : memref<!tpu.dma_semaphore, #tpu.memory_space<semaphore_mem>>) src(%arg7 : memref<8192xf32, #tpu.memory_space<vmem>>) dst(%dma_wait3A_835 : memref<8192xf32, #tpu.memory_space<hbm>>)
    %lt3A_836 = arith.constant 149 : i32
    %lt3A_837 = arith.cmpi slt, %add3A_807, %lt3A_836 : i32
    %convert_element_type3A_838 = arith.extui %lt3A_837 : i1 to i32
    %cond3A_839 = arith.constant 0 : i32
    %cond3A_840 = arith.cmpi ne, %convert_element_type3A_838, %cond3A_839 : i32
    scf.if %cond3A_840 {
      %run_scoped3A_894 = arith.constant 2 : i32
      "tpu.region"() ({
        %run_scoped3A_909 = tpu.sem_alloc : memref<!tpu.dma_semaphore, #tpu.memory_space<semaphore_mem>>
        %dma_start3A_910 = arith.constant 0 : i32
        %dma_start3A_911 = tpu.memref_slice %arg2[%run_scoped3A_894, %add3A_807, %dma_start3A_910] : memref<3x149x100000xf32, #tpu.memory_space<hbm>> -> memref<1x1x100000xf32, #tpu.memory_space<hbm>>
        %dma_start3A_912 = tpu.memref_squeeze %dma_start3A_911 : memref<1x1x100000xf32, #tpu.memory_space<hbm>> -> memref<100000xf32, #tpu.memory_space<hbm>>
        %dma_start3A_913 = arith.constant 0 : i32
        %dma_start3A_914 = tpu.memref_slice %arg2[%run_scoped3A_894, %add3A_807, %dma_start3A_913] : memref<3x149x100000xf32, #tpu.memory_space<hbm>> -> memref<1x1x100000xf32, #tpu.memory_space<hbm>>
        %dma_start3A_915 = tpu.memref_squeeze %dma_start3A_914 : memref<1x1x100000xf32, #tpu.memory_space<hbm>> -> memref<100000xf32, #tpu.memory_space<hbm>>
        tpu.enqueue_dma source(%dma_start3A_915 : memref<100000xf32, #tpu.memory_space<hbm>>) target(%arg6 : memref<100000xf32, #tpu.memory_space<vmem>>) target_semaphore(%run_scoped3A_909 : memref<!tpu.dma_semaphore, #tpu.memory_space<semaphore_mem>>)
        %dma_wait3A_916 = arith.constant 0 : i32
        %dma_wait3A_917 = tpu.memref_slice %arg2[%run_scoped3A_894, %add3A_807, %dma_wait3A_916] : memref<3x149x100000xf32, #tpu.memory_space<hbm>> -> memref<1x1x100000xf32, #tpu.memory_space<hbm>>
        %dma_wait3A_918 = tpu.memref_squeeze %dma_wait3A_917 : memref<1x1x100000xf32, #tpu.memory_space<hbm>> -> memref<100000xf32, #tpu.memory_space<hbm>>
        %dma_wait3A_919 = arith.constant 0 : i32
        %dma_wait3A_920 = tpu.memref_slice %arg2[%run_scoped3A_894, %add3A_807, %dma_wait3A_919] : memref<3x149x100000xf32, #tpu.memory_space<hbm>> -> memref<1x1x100000xf32, #tpu.memory_space<hbm>>
        %dma_wait3A_921 = tpu.memref_squeeze %dma_wait3A_920 : memref<1x1x100000xf32, #tpu.memory_space<hbm>> -> memref<100000xf32, #tpu.memory_space<hbm>>
        tpu.wait_dma2 semaphore(%run_scoped3A_909 : memref<!tpu.dma_semaphore, #tpu.memory_space<semaphore_mem>>) src(%dma_wait3A_921 : memref<100000xf32, #tpu.memory_space<hbm>>) dst(%arg6 : memref<100000xf32, #tpu.memory_space<vmem>>)
        tpu.yield
      }) : () -> ()
      %scan3A_895 = arith.constant 0 : i32
      %scan3A_896 = arith.constant 0 : i32
      %scan3A_897 = arith.constant 512 : i32
      %scan3A_898 = arith.addi %scan3A_896, %scan3A_897 : i32
      %scan3A_899 = arith.constant 8 : i32
      scf.for %scan3A_909 = %scan3A_896 to %scan3A_898 step %scan3A_899  : i32 {
        %mul3A_910 = arith.constant 16 : i32
        %mul3A_911 = arith.muli %scan3A_909, %mul3A_910 : i32
        %get3A = arith.index_cast %mul3A_911 : i32 to index
        %get3A_912 = tpu.vector_load %arg5[%get3A] {strides = array<i32>} : memref<8192xi32, #tpu.memory_space<vmem>>, vector<16xi32>,
        %gather3A = tpu.vector_load_idx %arg6[%get3A_912] : memref<100000xf32, #tpu.memory_space<vmem>>[vector<16xi32>], vector<16xf32>,
        %mul3A_913 = arith.constant 16 : i32
        %mul3A_914 = arith.muli %scan3A_909, %mul3A_913 : i32
        %swap3A = arith.index_cast %mul3A_914 : i32 to index
        %swap3A_915 = tpu.vector_load %arg7[%swap3A] {strides = array<i32>} : memref<8192xf32, #tpu.memory_space<vmem>>, vector<16xf32>,
        tpu.vector_store %arg7[%swap3A], %gather3A {strides = array<i32>} : memref<8192xf32, #tpu.memory_space<vmem>>, vector<16xf32>,
        %scan3A_916 = arith.constant 1 : i32
        %scan3A_917 = arith.addi %scan3A_909, %scan3A_916 : i32
        %mul3A_918 = arith.constant 16 : i32
        %mul3A_919 = arith.muli %scan3A_917, %mul3A_918 : i32
        %get3A_920 = arith.index_cast %mul3A_919 : i32 to index
        %get3A_921 = tpu.vector_load %arg5[%get3A_920] {strides = array<i32>} : memref<8192xi32, #tpu.memory_space<vmem>>, vector<16xi32>,
        %gather3A_922 = tpu.vector_load_idx %arg6[%get3A_921] : memref<100000xf32, #tpu.memory_space<vmem>>[vector<16xi32>], vector<16xf32>,
        %mul3A_923 = arith.constant 16 : i32
        %mul3A_924 = arith.muli %scan3A_917, %mul3A_923 : i32
        %swap3A_925 = arith.index_cast %mul3A_924 : i32 to index
        %swap3A_926 = tpu.vector_load %arg7[%swap3A_925] {strides = array<i32>} : memref<8192xf32, #tpu.memory_space<vmem>>, vector<16xf32>,
        tpu.vector_store %arg7[%swap3A_925], %gather3A_922 {strides = array<i32>} : memref<8192xf32, #tpu.memory_space<vmem>>, vector<16xf32>,
        %scan3A_927 = arith.constant 2 : i32
        %scan3A_928 = arith.addi %scan3A_909, %scan3A_927 : i32
        %mul3A_929 = arith.constant 16 : i32
        %mul3A_930 = arith.muli %scan3A_928, %mul3A_929 : i32
        %get3A_931 = arith.index_cast %mul3A_930 : i32 to index
        %get3A_932 = tpu.vector_load %arg5[%get3A_931] {strides = array<i32>} : memref<8192xi32, #tpu.memory_space<vmem>>, vector<16xi32>,
        %gather3A_933 = tpu.vector_load_idx %arg6[%get3A_932] : memref<100000xf32, #tpu.memory_space<vmem>>[vector<16xi32>], vector<16xf32>,
        %mul3A_934 = arith.constant 16 : i32
        %mul3A_935 = arith.muli %scan3A_928, %mul3A_934 : i32
        %swap3A_936 = arith.index_cast %mul3A_935 : i32 to index
        %swap3A_937 = tpu.vector_load %arg7[%swap3A_936] {strides = array<i32>} : memref<8192xf32, #tpu.memory_space<vmem>>, vector<16xf32>,
        tpu.vector_store %arg7[%swap3A_936], %gather3A_933 {strides = array<i32>} : memref<8192xf32, #tpu.memory_space<vmem>>, vector<16xf32>,
        %scan3A_938 = arith.constant 3 : i32
        %scan3A_939 = arith.addi %scan3A_909, %scan3A_938 : i32
        %mul3A_940 = arith.constant 16 : i32
        %mul3A_941 = arith.muli %scan3A_939, %mul3A_940 : i32
        %get3A_942 = arith.index_cast %mul3A_941 : i32 to index
        %get3A_943 = tpu.vector_load %arg5[%get3A_942] {strides = array<i32>} : memref<8192xi32, #tpu.memory_space<vmem>>, vector<16xi32>,
        %gather3A_944 = tpu.vector_load_idx %arg6[%get3A_943] : memref<100000xf32, #tpu.memory_space<vmem>>[vector<16xi32>], vector<16xf32>,
        %mul3A_945 = arith.constant 16 : i32
        %mul3A_946 = arith.muli %scan3A_939, %mul3A_945 : i32
        %swap3A_947 = arith.index_cast %mul3A_946 : i32 to index
        %swap3A_948 = tpu.vector_load %arg7[%swap3A_947] {strides = array<i32>} : memref<8192xf32, #tpu.memory_space<vmem>>, vector<16xf32>,
        tpu.vector_store %arg7[%swap3A_947], %gather3A_944 {strides = array<i32>} : memref<8192xf32, #tpu.memory_space<vmem>>, vector<16xf32>,
        %scan3A_949 = arith.constant 4 : i32
        %scan3A_950 = arith.addi %scan3A_909, %scan3A_949 : i32
        %mul3A_951 = arith.constant 16 : i32
        %mul3A_952 = arith.muli %scan3A_950, %mul3A_951 : i32
        %get3A_953 = arith.index_cast %mul3A_952 : i32 to index
        %get3A_954 = tpu.vector_load %arg5[%get3A_953] {strides = array<i32>} : memref<8192xi32, #tpu.memory_space<vmem>>, vector<16xi32>,
        %gather3A_955 = tpu.vector_load_idx %arg6[%get3A_954] : memref<100000xf32, #tpu.memory_space<vmem>>[vector<16xi32>], vector<16xf32>,
        %mul3A_956 = arith.constant 16 : i32
        %mul3A_957 = arith.muli %scan3A_950, %mul3A_956 : i32
        %swap3A_958 = arith.index_cast %mul3A_957 : i32 to index
        %swap3A_959 = tpu.vector_load %arg7[%swap3A_958] {strides = array<i32>} : memref<8192xf32, #tpu.memory_space<vmem>>, vector<16xf32>,
        tpu.vector_store %arg7[%swap3A_958], %gather3A_955 {strides = array<i32>} : memref<8192xf32, #tpu.memory_space<vmem>>, vector<16xf32>,
        %scan3A_960 = arith.constant 5 : i32
        %scan3A_961 = arith.addi %scan3A_909, %scan3A_960 : i32
        %mul3A_962 = arith.constant 16 : i32
        %mul3A_963 = arith.muli %scan3A_961, %mul3A_962 : i32
        %get3A_964 = arith.index_cast %mul3A_963 : i32 to index
        %get3A_965 = tpu.vector_load %arg5[%get3A_964] {strides = array<i32>} : memref<8192xi32, #tpu.memory_space<vmem>>, vector<16xi32>,
        %gather3A_966 = tpu.vector_load_idx %arg6[%get3A_965] : memref<100000xf32, #tpu.memory_space<vmem>>[vector<16xi32>], vector<16xf32>,
        %mul3A_967 = arith.constant 16 : i32
        %mul3A_968 = arith.muli %scan3A_961, %mul3A_967 : i32
        %swap3A_969 = arith.index_cast %mul3A_968 : i32 to index
        %swap3A_970 = tpu.vector_load %arg7[%swap3A_969] {strides = array<i32>} : memref<8192xf32, #tpu.memory_space<vmem>>, vector<16xf32>,
        tpu.vector_store %arg7[%swap3A_969], %gather3A_966 {strides = array<i32>} : memref<8192xf32, #tpu.memory_space<vmem>>, vector<16xf32>,
        %scan3A_971 = arith.constant 6 : i32
        %scan3A_972 = arith.addi %scan3A_909, %scan3A_971 : i32
        %mul3A_973 = arith.constant 16 : i32
        %mul3A_974 = arith.muli %scan3A_972, %mul3A_973 : i32
        %get3A_975 = arith.index_cast %mul3A_974 : i32 to index
        %get3A_976 = tpu.vector_load %arg5[%get3A_975] {strides = array<i32>} : memref<8192xi32, #tpu.memory_space<vmem>>, vector<16xi32>,
        %gather3A_977 = tpu.vector_load_idx %arg6[%get3A_976] : memref<100000xf32, #tpu.memory_space<vmem>>[vector<16xi32>], vector<16xf32>,
        %mul3A_978 = arith.constant 16 : i32
        %mul3A_979 = arith.muli %scan3A_972, %mul3A_978 : i32
        %swap3A_980 = arith.index_cast %mul3A_979 : i32 to index
        %swap3A_981 = tpu.vector_load %arg7[%swap3A_980] {strides = array<i32>} : memref<8192xf32, #tpu.memory_space<vmem>>, vector<16xf32>,
        tpu.vector_store %arg7[%swap3A_980], %gather3A_977 {strides = array<i32>} : memref<8192xf32, #tpu.memory_space<vmem>>, vector<16xf32>,
        %scan3A_982 = arith.constant 7 : i32
        %scan3A_983 = arith.addi %scan3A_909, %scan3A_982 : i32
        %mul3A_984 = arith.constant 16 : i32
        %mul3A_985 = arith.muli %scan3A_983, %mul3A_984 : i32
        %get3A_986 = arith.index_cast %mul3A_985 : i32 to index
        %get3A_987 = tpu.vector_load %arg5[%get3A_986] {strides = array<i32>} : memref<8192xi32, #tpu.memory_space<vmem>>, vector<16xi32>,
        %gather3A_988 = tpu.vector_load_idx %arg6[%get3A_987] : memref<100000xf32, #tpu.memory_space<vmem>>[vector<16xi32>], vector<16xf32>,
        %mul3A_989 = arith.constant 16 : i32
        %mul3A_990 = arith.muli %scan3A_983, %mul3A_989 : i32
        %swap3A_991 = arith.index_cast %mul3A_990 : i32 to index
        %swap3A_992 = tpu.vector_load %arg7[%swap3A_991] {strides = array<i32>} : memref<8192xf32, #tpu.memory_space<vmem>>, vector<16xf32>,
        tpu.vector_store %arg7[%swap3A_991], %gather3A_988 {strides = array<i32>} : memref<8192xf32, #tpu.memory_space<vmem>>, vector<16xf32>,
      }
      %scan3A_900 = arith.constant 512 : i32
      %add3A_901 = arith.constant 304 : i32
      %add3A_902 = arith.addi %add3A_901, %add3A_807 : i32
      %dma_start3A_903 = arith.constant 0 : i32
      %dma_start3A_904 = tpu.memref_slice %arg4[%add3A_902, %dma_start3A_903] : memref<456x8192xf32, #tpu.memory_space<hbm>> -> memref<1x8192xf32, #tpu.memory_space<hbm>>
      %dma_start3A_905 = tpu.memref_squeeze %dma_start3A_904 : memref<1x8192xf32, #tpu.memory_space<hbm>> -> memref<8192xf32, #tpu.memory_space<hbm>>
      %dma_start3A_906 = arith.constant 0 : i32
      %dma_start3A_907 = tpu.memref_slice %arg4[%add3A_902, %dma_start3A_906] : memref<456x8192xf32, #tpu.memory_space<hbm>> -> memref<1x8192xf32, #tpu.memory_space<hbm>>
      %dma_start3A_908 = tpu.memref_squeeze %dma_start3A_907 : memref<1x8192xf32, #tpu.memory_space<hbm>> -> memref<8192xf32, #tpu.memory_space<hbm>>
      tpu.enqueue_dma source(%arg7 : memref<8192xf32, #tpu.memory_space<vmem>>) target(%dma_start3A_908 : memref<8192xf32, #tpu.memory_space<hbm>>) target_semaphore(%arg10 : memref<!tpu.dma_semaphore, #tpu.memory_space<semaphore_mem>>)
    } else {
    }
    %add3A_841 = arith.constant 22 : i32
    %add3A_842 = arith.addi %add3A, %add3A_841 : i32
    %jit3A_843 = arith.constant 32 : i32
    %eq3A_844 = arith.constant 0 : i32
    %eq3A_845 = arith.cmpi eq, %jit3A_843, %eq3A_844 : i32
    %jit3A_846 = arith.constant 1 : i32
    %select_n3A_847 = arith.select %eq3A_845, %jit3A_846, %jit3A_843 : i32
    %rem3A_848 = arith.remsi %add3A_842, %select_n3A_847 : i32
    %ne3A_849 = arith.constant 0 : i32
    %ne3A_850 = arith.cmpi ne, %rem3A_848, %ne3A_849 : i32
    %lt3A_851 = arith.constant 0 : i32
    %lt3A_852 = arith.cmpi slt, %rem3A_848, %lt3A_851 : i32
    %lt3A_853 = arith.constant 0 : i32
    %lt3A_854 = arith.cmpi slt, %select_n3A_847, %lt3A_853 : i32
    %ne3A_855 = arith.xori %lt3A_852, %lt3A_854 : i1
    %and3A_856 = arith.andi %ne3A_855, %ne3A_850 : i1
    %add3A_857 = arith.addi %rem3A_848, %select_n3A_847 : i32
    %select_n3A_858 = arith.select %and3A_856, %add3A_857, %rem3A_848 : i32
    %add3A_859 = arith.constant 128 : i32
    %add3A_860 = arith.addi %select_n3A_858, %add3A_859 : i32
    %lt3A_861 = arith.constant 149 : i32
    %lt3A_862 = arith.cmpi slt, %add3A_860, %lt3A_861 : i32
    %convert_element_type3A_863 = arith.extui %lt3A_862 : i1 to i32
    %cond3A_864 = arith.constant 0 : i32
    %cond3A_865 = arith.cmpi ne, %convert_element_type3A_863, %cond3A_864 : i32
    scf.if %cond3A_865 {
      %add3A_894 = arith.constant 304 : i32
      %add3A_895 = arith.addi %add3A_894, %add3A_860 : i32
      %dma_wait3A_896 = arith.constant 0 : i32
      %dma_wait3A_897 = tpu.memref_slice %arg4[%add3A_895, %dma_wait3A_896] : memref<456x8192xf32, #tpu.memory_space<hbm>> -> memref<1x8192xf32, #tpu.memory_space<hbm>>
      %dma_wait3A_898 = tpu.memref_squeeze %dma_wait3A_897 : memref<1x8192xf32, #tpu.memory_space<hbm>> -> memref<8192xf32, #tpu.memory_space<hbm>>
      %dma_wait3A_899 = arith.constant 0 : i32
      %dma_wait3A_900 = tpu.memref_slice %arg4[%add3A_895, %dma_wait3A_899] : memref<456x8192xf32, #tpu.memory_space<hbm>> -> memref<1x8192xf32, #tpu.memory_space<hbm>>
      %dma_wait3A_901 = tpu.memref_squeeze %dma_wait3A_900 : memref<1x8192xf32, #tpu.memory_space<hbm>> -> memref<8192xf32, #tpu.memory_space<hbm>>
      tpu.wait_dma2 semaphore(%arg10 : memref<!tpu.dma_semaphore, #tpu.memory_space<semaphore_mem>>) src(%arg7 : memref<8192xf32, #tpu.memory_space<vmem>>) dst(%dma_wait3A_901 : memref<8192xf32, #tpu.memory_space<hbm>>)
    } else {
    }
    %add3A_866 = arith.constant 22 : i32
    %add3A_867 = arith.addi %add3A, %add3A_866 : i32
    %jit3A_868 = arith.constant 32 : i32
    %eq3A_869 = arith.constant 0 : i32
    %eq3A_870 = arith.cmpi eq, %jit3A_868, %eq3A_869 : i32
    %jit3A_871 = arith.constant 1 : i32
    %select_n3A_872 = arith.select %eq3A_870, %jit3A_871, %jit3A_868 : i32
    %rem3A_873 = arith.remsi %add3A_867, %select_n3A_872 : i32
    %ne3A_874 = arith.constant 0 : i32
    %ne3A_875 = arith.cmpi ne, %rem3A_873, %ne3A_874 : i32
    %lt3A_876 = arith.constant 0 : i32
    %lt3A_877 = arith.cmpi slt, %rem3A_873, %lt3A_876 : i32
    %lt3A_878 = arith.constant 0 : i32
    %lt3A_879 = arith.cmpi slt, %select_n3A_872, %lt3A_878 : i32
    %ne3A_880 = arith.xori %lt3A_877, %lt3A_879 : i1
    %and3A_881 = arith.andi %ne3A_880, %ne3A_875 : i1
    %add3A_882 = arith.addi %rem3A_873, %select_n3A_872 : i32
    %select_n3A_883 = arith.select %and3A_881, %add3A_882, %rem3A_873 : i32
    %add3A_884 = arith.constant 96 : i32
    %add3A_885 = arith.addi %select_n3A_883, %add3A_884 : i32
    %add3A_886 = arith.constant 304 : i32
    %add3A_887 = arith.addi %add3A_886, %add3A_885 : i32
    %dma_wait3A_888 = arith.constant 0 : i32
    %dma_wait3A_889 = tpu.memref_slice %arg4[%add3A_887, %dma_wait3A_888] : memref<456x8192xf32, #tpu.memory_space<hbm>> -> memref<1x8192xf32, #tpu.memory_space<hbm>>
    %dma_wait3A_890 = tpu.memref_squeeze %dma_wait3A_889 : memref<1x8192xf32, #tpu.memory_space<hbm>> -> memref<8192xf32, #tpu.memory_space<hbm>>
    %dma_wait3A_891 = arith.constant 0 : i32
    %dma_wait3A_892 = tpu.memref_slice %arg4[%add3A_887, %dma_wait3A_891] : memref<456x8192xf32, #tpu.memory_space<hbm>> -> memref<1x8192xf32, #tpu.memory_space<hbm>>
    %dma_wait3A_893 = tpu.memref_squeeze %dma_wait3A_892 : memref<1x8192xf32, #tpu.memory_space<hbm>> -> memref<8192xf32, #tpu.memory_space<hbm>>
    tpu.wait_dma2 semaphore(%arg11 : memref<!tpu.dma_semaphore, #tpu.memory_space<semaphore_mem>>) src(%arg8 : memref<8192xf32, #tpu.memory_space<vmem>>) dst(%dma_wait3A_893 : memref<8192xf32, #tpu.memory_space<hbm>>)
    return
  }
}

module attributes {stable_mosaic.version = 14 : i64} {
  func.func @_tc_body(%arg0: i32, %arg1: memref<456x512xf32, #tpu.memory_space<vmem>>, %arg2: memref<456x512xf32, #tpu.memory_space<vmem>>, %arg3: memref<150x36xf32, #tpu.memory_space<vmem>>, %arg4: memref<150x1xf32, #tpu.memory_space<vmem>>, %arg5: memref<150x1xf32, #tpu.memory_space<vmem>>, %arg6: memref<1x1xf32, #tpu.memory_space<vmem>>, %arg7: memref<512xf32, #tpu.memory_space<vmem>>) attributes {dimension_semantics = [#tpu.dimension_semantics<arbitrary>], iteration_bounds = array<i64: 8>, scalar_prefetch = 0 : i64, scratch_operands = 0 : i64, tpu.core_type = #tpu.core_type<tc>, window_params = [{transform_indices = @transform_0, window_bounds = array<i64: 456, 512>}, {transform_indices = @transform_1, window_bounds = array<i64: 456, 512>}, {pipeline_mode = #tpu.pipeline_mode<synchronous>, transform_indices = @transform_2, window_bounds = array<i64: 150, 36>}, {pipeline_mode = #tpu.pipeline_mode<synchronous>, transform_indices = @transform_3, window_bounds = array<i64: 150, 1>}, {pipeline_mode = #tpu.pipeline_mode<synchronous>, transform_indices = @transform_4, window_bounds = array<i64: 150, 1>}, {pipeline_mode = #tpu.pipeline_mode<synchronous>, transform_indices = @transform_5, window_bounds = array<i64: 1, 1>}, {transform_indices = @transform_6, window_bounds = array<i64: 512>}]} {
    %get3A = arith.constant 0 : index
    %get3A_0 = arith.constant 0 : index
    %get3A_1 = vector.load %arg1[%get3A, %get3A_0] : memref<456x512xf32, #tpu.memory_space<vmem>>, vector<456x512xf32>
    %get3A_2 = arith.constant 0 : index
    %get3A_3 = arith.constant 0 : index
    %get3A_4 = vector.load %arg2[%get3A_2, %get3A_3] : memref<456x512xf32, #tpu.memory_space<vmem>>, vector<456x512xf32>
    %slice3A = vector.extract_strided_slice %get3A_1 {offsets = [0, 0], sizes = [149, 512], strides = [1, 1]} : vector<456x512xf32> to vector<149x512xf32>
    %slice3A_5 = vector.extract_strided_slice %get3A_1 {offsets = [152, 0], sizes = [149, 512], strides = [1, 1]} : vector<456x512xf32> to vector<149x512xf32>
    %slice3A_6 = vector.extract_strided_slice %get3A_1 {offsets = [304, 0], sizes = [149, 512], strides = [1, 1]} : vector<456x512xf32> to vector<149x512xf32>
    %slice3A_7 = vector.extract_strided_slice %get3A_4 {offsets = [0, 0], sizes = [149, 512], strides = [1, 1]} : vector<456x512xf32> to vector<149x512xf32>
    %slice3A_8 = vector.extract_strided_slice %get3A_4 {offsets = [152, 0], sizes = [149, 512], strides = [1, 1]} : vector<456x512xf32> to vector<149x512xf32>
    %slice3A_9 = vector.extract_strided_slice %get3A_4 {offsets = [304, 0], sizes = [149, 512], strides = [1, 1]} : vector<456x512xf32> to vector<149x512xf32>
    %mul3A = arith.mulf %slice3A, %slice3A_7 : vector<149x512xf32>
    %reduce_sum3A = arith.constant dense<0.000000e+00> : vector<512xf32>
    %reduce_sum3A_10 = vector.multi_reduction <add>, %mul3A, %reduce_sum3A [0] : vector<149x512xf32> to vector<512xf32>
    %mul3A_11 = arith.mulf %slice3A, %slice3A_8 : vector<149x512xf32>
    %reduce_sum3A_12 = arith.constant dense<0.000000e+00> : vector<512xf32>
    %reduce_sum3A_13 = vector.multi_reduction <add>, %mul3A_11, %reduce_sum3A_12 [0] : vector<149x512xf32> to vector<512xf32>
    %mul3A_14 = arith.mulf %slice3A, %slice3A_9 : vector<149x512xf32>
    %reduce_sum3A_15 = arith.constant dense<0.000000e+00> : vector<512xf32>
    %reduce_sum3A_16 = vector.multi_reduction <add>, %mul3A_14, %reduce_sum3A_15 [0] : vector<149x512xf32> to vector<512xf32>
    %mul3A_17 = arith.mulf %slice3A_5, %slice3A_7 : vector<149x512xf32>
    %reduce_sum3A_18 = arith.constant dense<0.000000e+00> : vector<512xf32>
    %reduce_sum3A_19 = vector.multi_reduction <add>, %mul3A_17, %reduce_sum3A_18 [0] : vector<149x512xf32> to vector<512xf32>
    %mul3A_20 = arith.mulf %slice3A_5, %slice3A_8 : vector<149x512xf32>
    %reduce_sum3A_21 = arith.constant dense<0.000000e+00> : vector<512xf32>
    %reduce_sum3A_22 = vector.multi_reduction <add>, %mul3A_20, %reduce_sum3A_21 [0] : vector<149x512xf32> to vector<512xf32>
    %mul3A_23 = arith.mulf %slice3A_5, %slice3A_9 : vector<149x512xf32>
    %reduce_sum3A_24 = arith.constant dense<0.000000e+00> : vector<512xf32>
    %reduce_sum3A_25 = vector.multi_reduction <add>, %mul3A_23, %reduce_sum3A_24 [0] : vector<149x512xf32> to vector<512xf32>
    %mul3A_26 = arith.mulf %slice3A_6, %slice3A_7 : vector<149x512xf32>
    %reduce_sum3A_27 = arith.constant dense<0.000000e+00> : vector<512xf32>
    %reduce_sum3A_28 = vector.multi_reduction <add>, %mul3A_26, %reduce_sum3A_27 [0] : vector<149x512xf32> to vector<512xf32>
    %mul3A_29 = arith.mulf %slice3A_6, %slice3A_8 : vector<149x512xf32>
    %reduce_sum3A_30 = arith.constant dense<0.000000e+00> : vector<512xf32>
    %reduce_sum3A_31 = vector.multi_reduction <add>, %mul3A_29, %reduce_sum3A_30 [0] : vector<149x512xf32> to vector<512xf32>
    %mul3A_32 = arith.mulf %slice3A_6, %slice3A_9 : vector<149x512xf32>
    %reduce_sum3A_33 = arith.constant dense<0.000000e+00> : vector<512xf32>
    %reduce_sum3A_34 = vector.multi_reduction <add>, %mul3A_32, %reduce_sum3A_33 [0] : vector<149x512xf32> to vector<512xf32>
    %mul3A_35 = arith.mulf %slice3A, %slice3A : vector<149x512xf32>
    %reduce_sum3A_36 = arith.constant dense<0.000000e+00> : vector<512xf32>
    %reduce_sum3A_37 = vector.multi_reduction <add>, %mul3A_35, %reduce_sum3A_36 [0] : vector<149x512xf32> to vector<512xf32>
    %mul3A_38 = arith.mulf %slice3A, %slice3A_5 : vector<149x512xf32>
    %reduce_sum3A_39 = arith.constant dense<0.000000e+00> : vector<512xf32>
    %reduce_sum3A_40 = vector.multi_reduction <add>, %mul3A_38, %reduce_sum3A_39 [0] : vector<149x512xf32> to vector<512xf32>
    %mul3A_41 = arith.mulf %slice3A, %slice3A_6 : vector<149x512xf32>
    %reduce_sum3A_42 = arith.constant dense<0.000000e+00> : vector<512xf32>
    %reduce_sum3A_43 = vector.multi_reduction <add>, %mul3A_41, %reduce_sum3A_42 [0] : vector<149x512xf32> to vector<512xf32>
    %mul3A_44 = arith.mulf %slice3A_5, %slice3A : vector<149x512xf32>
    %reduce_sum3A_45 = arith.constant dense<0.000000e+00> : vector<512xf32>
    %reduce_sum3A_46 = vector.multi_reduction <add>, %mul3A_44, %reduce_sum3A_45 [0] : vector<149x512xf32> to vector<512xf32>
    %mul3A_47 = arith.mulf %slice3A_5, %slice3A_5 : vector<149x512xf32>
    %reduce_sum3A_48 = arith.constant dense<0.000000e+00> : vector<512xf32>
    %reduce_sum3A_49 = vector.multi_reduction <add>, %mul3A_47, %reduce_sum3A_48 [0] : vector<149x512xf32> to vector<512xf32>
    %mul3A_50 = arith.mulf %slice3A_5, %slice3A_6 : vector<149x512xf32>
    %reduce_sum3A_51 = arith.constant dense<0.000000e+00> : vector<512xf32>
    %reduce_sum3A_52 = vector.multi_reduction <add>, %mul3A_50, %reduce_sum3A_51 [0] : vector<149x512xf32> to vector<512xf32>
    %mul3A_53 = arith.mulf %slice3A_6, %slice3A : vector<149x512xf32>
    %reduce_sum3A_54 = arith.constant dense<0.000000e+00> : vector<512xf32>
    %reduce_sum3A_55 = vector.multi_reduction <add>, %mul3A_53, %reduce_sum3A_54 [0] : vector<149x512xf32> to vector<512xf32>
    %mul3A_56 = arith.mulf %slice3A_6, %slice3A_5 : vector<149x512xf32>
    %reduce_sum3A_57 = arith.constant dense<0.000000e+00> : vector<512xf32>
    %reduce_sum3A_58 = vector.multi_reduction <add>, %mul3A_56, %reduce_sum3A_57 [0] : vector<149x512xf32> to vector<512xf32>
    %mul3A_59 = arith.mulf %slice3A_6, %slice3A_6 : vector<149x512xf32>
    %reduce_sum3A_60 = arith.constant dense<0.000000e+00> : vector<512xf32>
    %reduce_sum3A_61 = vector.multi_reduction <add>, %mul3A_59, %reduce_sum3A_60 [0] : vector<149x512xf32> to vector<512xf32>
    %mul3A_62 = arith.mulf %slice3A_7, %slice3A_7 : vector<149x512xf32>
    %reduce_sum3A_63 = arith.constant dense<0.000000e+00> : vector<512xf32>
    %reduce_sum3A_64 = vector.multi_reduction <add>, %mul3A_62, %reduce_sum3A_63 [0] : vector<149x512xf32> to vector<512xf32>
    %mul3A_65 = arith.mulf %slice3A_7, %slice3A_8 : vector<149x512xf32>
    %reduce_sum3A_66 = arith.constant dense<0.000000e+00> : vector<512xf32>
    %reduce_sum3A_67 = vector.multi_reduction <add>, %mul3A_65, %reduce_sum3A_66 [0] : vector<149x512xf32> to vector<512xf32>
    %mul3A_68 = arith.mulf %slice3A_7, %slice3A_9 : vector<149x512xf32>
    %reduce_sum3A_69 = arith.constant dense<0.000000e+00> : vector<512xf32>
    %reduce_sum3A_70 = vector.multi_reduction <add>, %mul3A_68, %reduce_sum3A_69 [0] : vector<149x512xf32> to vector<512xf32>
    %mul3A_71 = arith.mulf %slice3A_8, %slice3A_7 : vector<149x512xf32>
    %reduce_sum3A_72 = arith.constant dense<0.000000e+00> : vector<512xf32>
    %reduce_sum3A_73 = vector.multi_reduction <add>, %mul3A_71, %reduce_sum3A_72 [0] : vector<149x512xf32> to vector<512xf32>
    %mul3A_74 = arith.mulf %slice3A_8, %slice3A_8 : vector<149x512xf32>
    %reduce_sum3A_75 = arith.constant dense<0.000000e+00> : vector<512xf32>
    %reduce_sum3A_76 = vector.multi_reduction <add>, %mul3A_74, %reduce_sum3A_75 [0] : vector<149x512xf32> to vector<512xf32>
    %mul3A_77 = arith.mulf %slice3A_8, %slice3A_9 : vector<149x512xf32>
    %reduce_sum3A_78 = arith.constant dense<0.000000e+00> : vector<512xf32>
    %reduce_sum3A_79 = vector.multi_reduction <add>, %mul3A_77, %reduce_sum3A_78 [0] : vector<149x512xf32> to vector<512xf32>
    %mul3A_80 = arith.mulf %slice3A_9, %slice3A_7 : vector<149x512xf32>
    %reduce_sum3A_81 = arith.constant dense<0.000000e+00> : vector<512xf32>
    %reduce_sum3A_82 = vector.multi_reduction <add>, %mul3A_80, %reduce_sum3A_81 [0] : vector<149x512xf32> to vector<512xf32>
    %mul3A_83 = arith.mulf %slice3A_9, %slice3A_8 : vector<149x512xf32>
    %reduce_sum3A_84 = arith.constant dense<0.000000e+00> : vector<512xf32>
    %reduce_sum3A_85 = vector.multi_reduction <add>, %mul3A_83, %reduce_sum3A_84 [0] : vector<149x512xf32> to vector<512xf32>
    %mul3A_86 = arith.mulf %slice3A_9, %slice3A_9 : vector<149x512xf32>
    %reduce_sum3A_87 = arith.constant dense<0.000000e+00> : vector<512xf32>
    %reduce_sum3A_88 = vector.multi_reduction <add>, %mul3A_86, %reduce_sum3A_87 [0] : vector<149x512xf32> to vector<512xf32>
    %stack3A = vector.shape_cast %reduce_sum3A_10 : vector<512xf32> to vector<1x512xf32>
    %stack3A_89 = vector.shape_cast %reduce_sum3A_13 : vector<512xf32> to vector<1x512xf32>
    %stack3A_90 = vector.shape_cast %reduce_sum3A_16 : vector<512xf32> to vector<1x512xf32>
    %stack3A_91 = vector.shape_cast %reduce_sum3A_19 : vector<512xf32> to vector<1x512xf32>
    %stack3A_92 = vector.shape_cast %reduce_sum3A_22 : vector<512xf32> to vector<1x512xf32>
    %stack3A_93 = vector.shape_cast %reduce_sum3A_25 : vector<512xf32> to vector<1x512xf32>
    %stack3A_94 = vector.shape_cast %reduce_sum3A_28 : vector<512xf32> to vector<1x512xf32>
    %stack3A_95 = vector.shape_cast %reduce_sum3A_31 : vector<512xf32> to vector<1x512xf32>
    %stack3A_96 = vector.shape_cast %reduce_sum3A_34 : vector<512xf32> to vector<1x512xf32>
    %stack3A_97 = vector.shape_cast %reduce_sum3A_10 : vector<512xf32> to vector<1x512xf32>
    %stack3A_98 = vector.shape_cast %reduce_sum3A_19 : vector<512xf32> to vector<1x512xf32>
    %stack3A_99 = vector.shape_cast %reduce_sum3A_28 : vector<512xf32> to vector<1x512xf32>
    %stack3A_100 = vector.shape_cast %reduce_sum3A_13 : vector<512xf32> to vector<1x512xf32>
    %stack3A_101 = vector.shape_cast %reduce_sum3A_22 : vector<512xf32> to vector<1x512xf32>
    %stack3A_102 = vector.shape_cast %reduce_sum3A_31 : vector<512xf32> to vector<1x512xf32>
    %stack3A_103 = vector.shape_cast %reduce_sum3A_16 : vector<512xf32> to vector<1x512xf32>
    %stack3A_104 = vector.shape_cast %reduce_sum3A_25 : vector<512xf32> to vector<1x512xf32>
    %stack3A_105 = vector.shape_cast %reduce_sum3A_34 : vector<512xf32> to vector<1x512xf32>
    %stack3A_106 = vector.shape_cast %reduce_sum3A_37 : vector<512xf32> to vector<1x512xf32>
    %stack3A_107 = vector.shape_cast %reduce_sum3A_40 : vector<512xf32> to vector<1x512xf32>
    %stack3A_108 = vector.shape_cast %reduce_sum3A_43 : vector<512xf32> to vector<1x512xf32>
    %stack3A_109 = vector.shape_cast %reduce_sum3A_46 : vector<512xf32> to vector<1x512xf32>
    %stack3A_110 = vector.shape_cast %reduce_sum3A_49 : vector<512xf32> to vector<1x512xf32>
    %stack3A_111 = vector.shape_cast %reduce_sum3A_52 : vector<512xf32> to vector<1x512xf32>
    %stack3A_112 = vector.shape_cast %reduce_sum3A_55 : vector<512xf32> to vector<1x512xf32>
    %stack3A_113 = vector.shape_cast %reduce_sum3A_58 : vector<512xf32> to vector<1x512xf32>
    %stack3A_114 = vector.shape_cast %reduce_sum3A_61 : vector<512xf32> to vector<1x512xf32>
    %stack3A_115 = vector.shape_cast %reduce_sum3A_64 : vector<512xf32> to vector<1x512xf32>
    %stack3A_116 = vector.shape_cast %reduce_sum3A_67 : vector<512xf32> to vector<1x512xf32>
    %stack3A_117 = vector.shape_cast %reduce_sum3A_70 : vector<512xf32> to vector<1x512xf32>
    %stack3A_118 = vector.shape_cast %reduce_sum3A_73 : vector<512xf32> to vector<1x512xf32>
    %stack3A_119 = vector.shape_cast %reduce_sum3A_76 : vector<512xf32> to vector<1x512xf32>
    %stack3A_120 = vector.shape_cast %reduce_sum3A_79 : vector<512xf32> to vector<1x512xf32>
    %stack3A_121 = vector.shape_cast %reduce_sum3A_82 : vector<512xf32> to vector<1x512xf32>
    %stack3A_122 = vector.shape_cast %reduce_sum3A_85 : vector<512xf32> to vector<1x512xf32>
    %stack3A_123 = vector.shape_cast %reduce_sum3A_88 : vector<512xf32> to vector<1x512xf32>
    %stack3A_124 = tpu.concatenate %stack3A, %stack3A_89, %stack3A_90, %stack3A_91, %stack3A_92, %stack3A_93, %stack3A_94, %stack3A_95, %stack3A_96, %stack3A_97, %stack3A_98, %stack3A_99, %stack3A_100, %stack3A_101, %stack3A_102, %stack3A_103, %stack3A_104, %stack3A_105, %stack3A_106, %stack3A_107, %stack3A_108, %stack3A_109, %stack3A_110, %stack3A_111, %stack3A_112, %stack3A_113, %stack3A_114, %stack3A_115, %stack3A_116, %stack3A_117, %stack3A_118, %stack3A_119, %stack3A_120, %stack3A_121, %stack3A_122, %stack3A_123 in 0 : vector<1x512xf32>, vector<1x512xf32>, vector<1x512xf32>, vector<1x512xf32>, vector<1x512xf32>, vector<1x512xf32>, vector<1x512xf32>, vector<1x512xf32>, vector<1x512xf32>, vector<1x512xf32>, vector<1x512xf32>, vector<1x512xf32>, vector<1x512xf32>, vector<1x512xf32>, vector<1x512xf32>, vector<1x512xf32>, vector<1x512xf32>, vector<1x512xf32>, vector<1x512xf32>, vector<1x512xf32>, vector<1x512xf32>, vector<1x512xf32>, vector<1x512xf32>, vector<1x512xf32>, vector<1x512xf32>, vector<1x512xf32>, vector<1x512xf32>, vector<1x512xf32>, vector<1x512xf32>, vector<1x512xf32>, vector<1x512xf32>, vector<1x512xf32>, vector<1x512xf32>, vector<1x512xf32>, vector<1x512xf32>, vector<1x512xf32> -> vector<36x512xf32>
    %max3A = arith.constant 0.000000e+00 : f32
    %max3A_125 = vector.broadcast %max3A : f32 to vector<36x512xf32>
    %max3A_126 = arith.maximumf %stack3A_124, %max3A_125 : vector<36x512xf32>
    %add3A = arith.constant 1.000000e+00 : f32
    %add3A_127 = vector.broadcast %add3A : f32 to vector<36x512xf32>
    %add3A_128 = arith.addf %max3A_126, %add3A_127 : vector<36x512xf32>
    %log3A = math.log %add3A_128 : vector<36x512xf32>
    %get3A_129 = arith.constant 0 : index
    %get3A_130 = arith.constant 0 : index
    %get3A_131 = vector.load %arg3[%get3A_129, %get3A_130] : memref<150x36xf32, #tpu.memory_space<vmem>>, vector<150x36xf32>
    %dot_general3A = arith.constant dense<0.000000e+00> : vector<150x512xf32>
    %dot_general3A_132 = tpu.matmul %get3A_131, %log3A, %dot_general3A {dimension_numbers = #tpu.dot_dimension_numbers<[1], [0], [0], [1], [0, 0, 1, 1], [], []>, transpose_lhs_hint = false} : vector<150x36xf32>, vector<36x512xf32>, vector<150x512xf32> -> vector<150x512xf32>
    %get3A_133 = arith.constant 0 : index
    %get3A_134 = arith.constant 0 : index
    %get3A_135 = vector.load %arg4[%get3A_133, %get3A_134] : memref<150x1xf32, #tpu.memory_space<vmem>>, vector<150x1xf32>
    %add3A_136 = vector.broadcast %get3A_135 : vector<150x1xf32> to vector<150x512xf32>
    %add3A_137 = arith.addf %dot_general3A_132, %add3A_136 : vector<150x512xf32>
    %max3A_138 = arith.constant 0.000000e+00 : f32
    %max3A_139 = vector.broadcast %max3A_138 : f32 to vector<150x512xf32>
    %max3A_140 = arith.maximumf %add3A_137, %max3A_139 : vector<150x512xf32>
    %get3A_141 = arith.constant 0 : index
    %get3A_142 = arith.constant 0 : index
    %get3A_143 = vector.load %arg5[%get3A_141, %get3A_142] : memref<150x1xf32, #tpu.memory_space<vmem>>, vector<150x1xf32>
    %mul3A_144 = vector.broadcast %get3A_143 : vector<150x1xf32> to vector<150x512xf32>
    %mul3A_145 = arith.mulf %max3A_140, %mul3A_144 : vector<150x512xf32>
    %reduce_sum3A_146 = arith.constant dense<0.000000e+00> : vector<512xf32>
    %reduce_sum3A_147 = vector.multi_reduction <add>, %mul3A_145, %reduce_sum3A_146 [0] : vector<150x512xf32> to vector<512xf32>
    %get3A_148 = arith.constant 0 : index
    %get3A_149 = arith.constant 0 : index
    %get3A_150 = vector.load %arg6[%get3A_148, %get3A_149] : memref<1x1xf32, #tpu.memory_space<vmem>>, vector<1x1xf32>
    %get3A_151 = vector.extract %get3A_150[0, 0] : f32 from vector<1x1xf32>
    %add3A_152 = vector.broadcast %get3A_151 : f32 to vector<512xf32>
    %add3A_153 = arith.addf %reduce_sum3A_147, %add3A_152 : vector<512xf32>
    %swap3A = arith.constant 0 : index
    %swap3A_154 = vector.load %arg7[%swap3A] : memref<512xf32, #tpu.memory_space<vmem>>, vector<512xf32>
    tpu.vector_store %arg7[%swap3A], %add3A_153 {strides = array<i32>} : memref<512xf32, #tpu.memory_space<vmem>>, vector<512xf32>,
    return
  }
  func.func @transform_0(%arg0: i32) -> (i32, i32) {
    %c0_i32 = arith.constant 0 : i32
    %c0_i32_0 = arith.constant 0 : i32
    return %c0_i32, %arg0 : i32, i32
  }
  func.func @transform_1(%arg0: i32) -> (i32, i32) {
    %add3A = arith.constant 8 : i32
    %add3A_0 = arith.addi %add3A, %arg0 : i32
    %c0_i32 = arith.constant 0 : i32
    %c0_i32_1 = arith.constant 0 : i32
    return %c0_i32, %add3A_0 : i32, i32
  }
  func.func @transform_2(%arg0: i32) -> (i32, i32) {
    %c0_i32 = arith.constant 0 : i32
    %c0_i32_0 = arith.constant 0 : i32
    %c0_i32_1 = arith.constant 0 : i32
    return %c0_i32, %c0_i32_0 : i32, i32
  }
  func.func @transform_3(%arg0: i32) -> (i32, i32) {
    %c0_i32 = arith.constant 0 : i32
    %c0_i32_0 = arith.constant 0 : i32
    %c0_i32_1 = arith.constant 0 : i32
    return %c0_i32, %c0_i32_0 : i32, i32
  }
  func.func @transform_4(%arg0: i32) -> (i32, i32) {
    %c0_i32 = arith.constant 0 : i32
    %c0_i32_0 = arith.constant 0 : i32
    %c0_i32_1 = arith.constant 0 : i32
    return %c0_i32, %c0_i32_0 : i32, i32
  }
  func.func @transform_5(%arg0: i32) -> (i32, i32) {
    %c0_i32 = arith.constant 0 : i32
    %c0_i32_0 = arith.constant 0 : i32
    %c0_i32_1 = arith.constant 0 : i32
    return %c0_i32, %c0_i32_0 : i32, i32
  }
  func.func @transform_6(%arg0: i32) -> i32 {
    %c0_i32 = arith.constant 0 : i32
    return %arg0 : i32
  }
}

</mosaic_0001>

<sc_bundles>
// kernel: kernel.4.cloned.1.call-start
scs
__scs_entry_jumppad:
0x0: {  	(pc) =	sbr.rel $0x88, $3  }
0x1: {  	(tag) =	ssettag $0x0;
	lr =	simm.s32 $0x1  }
0x2: {  	[smem:$0x3F9A] =	sst lr;
	_ =	strace $0xD0000000  }
0x3: {  	_ = 	snop  }
0x4: {  	_ = 	snop  }
0x5: {  	_ = 	snop  }
0x6: {  	_ = 	snop  }
0x7: {  	_ = 	snop  }
__scs_overlays_trampoline_lowered:
0x8: {  	[smem:$0x3FA9] =	sst s0  }
0x9: {  	[smem:$0x3FAA] =	sst s1  }
0xa: {  	[smem:$0x3FAB] =	sst s2  }
0xb: {  	[smem:$0x3FAC] =	sst s3  }
0xc: {  	[smem:$0x3FAD] =	sst s4  }
0xd: {  	[smem:$0x3FAE] =	sst s5  }
0xe: {  	[smem:$0x3FAF] =	sst s6  }
0xf: {  	[smem:$0x3FB0] =	sst s7  }
0x10: {  	[smem:$0x3FB1] =	sst s8  }
0x11: {  	[smem:$0x3FB2] =	sst s9;
	s0 =	simm.s32 @!p0 $0x0  }
0x12: {  	s1 =	sld [smem:$0x3F98];
	s0 =	simm.s32 @p0 $0x1  }
0x13: {  	[smem:$0x3FB3] =	sst s0;
	s0 =	simm.s32 @!p1 $0x0  }
0x14: {  	s2 =	sld [smem:$0x3F97];
	s0 =	simm.s32 @p1 $0x1  }
0x15: {  	[smem:$0x3FB4] =	sst s0;
	s0 =	simm.s32 @!p2 $0x0  }
0x16: {  	s3 =	sld [smem:$0x3FDB];
	s0 =	simm.s32 @p2 $0x1  }
0x17: {  	s4 =	simm.s32 $0x1BF5;
	[smem:$0x3FB6] =	sst s0  }
0x18: {  	s0 =	sld [smem:$0x3F99];
	_ =	swait.ge [sflag:s4], $0x0  }
0x19: {  	s7 =	sld [smem:$0x3F9A]  }
0x1a: {  	s8 =	sadd.s32 $0xFFFFE003, lr  }
0x1b: {  	s9 =	sadd.s32 $0xFFFFFEF7, lr;
	s5 =	simm.s32 $0xFFFFFFFF;
	p2 =	slt.u32 s8, $0xFFFFF086  }
0x1c: {  	p1 =	slt.u32 s9, $0xF7A;
	s5 =	simm.s32 @!p2 $0x0  }
0x1d: {  	s5 =	simm.s32 @p1 $0x1;
	p0 =	seq.s32 s7, s2  }
0x1e: {  	s7 =	smul.u32 @!p0 $0xF7A, s2;
	p2 =	seq.s32 @!p0 s5, $0x0  }
0x1f: {  	s9 =	smul.u32 $0xF7A, s1;
	s8 =	simm.s32 @!p0 $0x1BF5;
	p2 =	por !p2, p0  }
0x20: {  	[sflag:s8] =	ssyncset.s32 @!p0 $0xFFFFF086;
	s6 =	sadd.s32 @!p0 s3, s7;
	s7 =	simm.s32 @!p0 $0x108  }
0x21: {  	s3 =	sadd.s32 s3, s9;
	s6 =	sadd.s32 @!p0 $0x88, s6;
	s7 =	simm.s32 @p2 $0x1082  }
0x22: {  	[simem:s7], [sflag:s8] =	dma.local @!p0 [hbm:s6], $0xF7A  }
0x23: {  	s9 =	sor.u32 $0xD0000000, s2;
	s6 =	simm.s32 $0x108;
	_ =	swait.ge @!p0 [sflag:s8], $0x0  }
0x24: {  	s3 =	sadd.s32 $0x88, s3;
	s6 =	simm.s32 @!p1 $0x1082;
	[sflag:s4] =	ssyncset.s32 $0xFFFFF086  }
0x25: {  	[simem:s6], [sflag:s4] =	dma.local [hbm:s3], $0xF7A  }
0x26: {  	[smem:$0x3F9A] =	sst s1;
	(tag) =	ssettag s2;
	_ =	strace s9  }
0x27: {  	s1 =	sld [smem:$0x3FAA]  }
0x28: {  	s2 =	sld [smem:$0x3FAB]  }
0x29: {  	s4 =	sld [smem:$0x3FAD]  }
0x2a: {  	p0 =	seq.s32 s5, $0x0;
	s5 =	sld [smem:$0x3FAE]  }
0x2b: {  	s6 =	sld [smem:$0x3FAF]  }
0x2c: {  	s7 =	sld [smem:$0x3FB0]  }
0x2d: {  	s3 =	simm.s32 $0x108;
	s8 =	sld [smem:$0x3FB1]  }
0x2e: {  	s3 =	simm.s32 @!p0 $0x1082;
	s9 =	sld [smem:$0x3FB2]  }
0x2f: {  	lr =	sadd.s32 s0, s3;
	s0 =	sld [smem:$0x3FA9]  }
0x30: {  	s3 =	sld [smem:$0x3FAC]  }
0x31: {  	[smem:$0x3FB5] =	sst s10  }
0x32: {  	s10 =	sld [smem:$0x3FB3];
	_ =	sdelay $0x3  }
0x33: {  	p0 =	seq.s32 s10, $0x1;
	s10 =	sld [smem:$0x3FB5];
	_ =	sdelay $0x3  }
0x34: {  	[smem:$0x3FB5] =	sst s10  }
0x35: {  	s10 =	sld [smem:$0x3FB4];
	_ =	sdelay $0x3  }
0x36: {  	p1 =	seq.s32 s10, $0x1;
	s10 =	sld [smem:$0x3FB5];
	_ =	sdelay $0x3  }
0x37: {  	[smem:$0x3FB5] =	sst s10  }
0x38: {  	s10 =	sld [smem:$0x3FB6]  }
0x39: {  	_ = 	snop;
	(pc) =	sbr.ind lr, $3  }
0x3a: {  	_ = 	snop  }
0x3b: {  	_ = 	snop  }
0x3c: {  	p2 =	seq.s32 s10, $0x1;
	s10 =	sld [smem:$0x3FB5]  }
0x3d: {  	_ =	shalt  }
0x3e: {  	_ =	shalt  }
0x3f: {  	_ =	shalt  }
0x40: {  	_ =	shalt  }
0x41: {  	_ =	shalt  }
0x42: {  	_ =	shalt  }
0x43: {  	_ =	shalt  }
0x44: {  	_ =	shalt  }
0x45: {  	_ =	shalt  }
0x46: {  	_ =	shalt  }
0x47: {  	_ =	shalt  }
0x48: {  	_ =	shalt  }
0x49: {  	_ =	shalt  }
0x4a: {  	_ =	shalt  }
0x4b: {  	_ =	shalt  }
0x4c: {  	_ =	shalt  }
0x4d: {  	_ =	shalt  }
0x4e: {  	_ =	shalt  }
0x4f: {  	_ =	shalt  }
0x50: {  	_ =	shalt  }
0x51: {  	_ =	shalt  }
0x52: {  	_ =	shalt  }
0x53: {  	_ =	shalt  }
0x54: {  	_ =	shalt  }
0x55: {  	_ =	shalt  }
0x56: {  	_ =	shalt  }
0x57: {  	_ =	shalt  }
0x58: {  	_ =	shalt  }
0x59: {  	_ =	shalt  }
0x5a: {  	_ =	shalt  }
0x5b: {  	_ =	shalt  }
0x5c: {  	_ =	shalt  }
0x5d: {  	_ =	shalt  }
0x5e: {  	_ =	shalt  }
0x5f: {  	_ =	shalt  }
0x60: {  	_ =	shalt  }
0x61: {  	_ =	shalt  }
0x62: {  	_ =	shalt  }
0x63: {  	_ =	shalt  }
0x64: {  	_ =	shalt  }
0x65: {  	_ =	shalt  }
0x66: {  	_ =	shalt  }
0x67: {  	_ =	shalt  }
0x68: {  	_ =	shalt  }
0x69: {  	_ =	shalt  }
0x6a: {  	_ =	shalt  }
0x6b: {  	_ =	shalt  }
0x6c: {  	_ =	shalt  }
0x6d: {  	_ =	shalt  }
0x6e: {  	_ =	shalt  }
0x6f: {  	_ =	shalt  }
0x70: {  	_ =	shalt  }
0x71: {  	_ =	shalt  }
0x72: {  	_ =	shalt  }
0x73: {  	_ =	shalt  }
0x74: {  	_ =	shalt  }
0x75: {  	_ =	shalt  }
0x76: {  	_ =	shalt  }
0x77: {  	_ =	shalt  }
0x78: {  	_ =	shalt  }
0x79: {  	_ =	shalt  }
0x7a: {  	_ =	shalt  }
0x7b: {  	_ =	shalt  }
0x7c: {  	_ =	shalt  }
0x7d: {  	_ =	shalt  }
0x7e: {  	_ =	shalt  }
0x7f: {  	_ =	shalt  }
0x80: {  	_ =	shalt  }
0x81: {  	_ =	shalt  }
0x82: {  	_ =	shalt  }
0x83: {  	_ =	shalt  }
0x84: {  	_ =	shalt  }
0x85: {  	_ =	shalt  }
0x86: {  	_ =	shalt  }
0x87: {  	_ =	shalt  }
.Lfunc_end0:
.L_simem_size_0:
called_computation_lowered:
.L_overlay_start_0:
0x88: {  	s2 =	sld [smem:$0x3FD9]  }
0x89: {  	s3 =	sld [smem:$0x3FFE];
	_ =	sdelay $0x1  }
0x8a: {  	s1 =	srdreg.scid  }
0x8b: {  	s0 =	sand.u32 $0x1, s1  }
0x8c: {  	s17 =	sshll.u32 s0, $0xA;
	s2 =	sadd.s32 s3, s2  }
0x8d: {  	s2 =	sadd.s32 s2, s17  }
0x8e: {  	[smem:$0x3FC1] =	sst s2  }
0x8f: {  	_ = 	snop  }
0x90: {  	s2 =	sld [smem:$0x3FC9];
	(tm) =	ssettm $0x1  }
0x91: {  	s18 =	sld [smem:$0x3FFB];
	_ =	sdelay $0x3  }
0x92: {  	_ =	strace s18  }
0x93: {  	s3 =	sld [smem:$0x3FFC];
	_ =	sdelay $0x3  }
0x94: {  	_ =	strace s3  }
0x95: {  	s3 =	sld [smem:$0x3FFD];
	_ =	sdelay $0x3  }
0x96: {  	_ =	strace s3  }
0x97: {  	_ =	strace $0x8FFFFFFF  }
0x98: {  	s19 =	sld [smem:$0x3FDB];
	_ =	sdelay $0x1  }
0x99: {  	s4 =	simm.s32 $_scs_section_size  }
0x9a: {  	s5 =	simm.s32 $_size__tile_overlayer_lowered;
	s6 =	simm.s32 $_tile_overlayer_lowered  }
0x9b: {  	s22 =	simm.s32 $0x1BFF;
	s21 =	sshll.u32 s6, $0x1;
	s3 =	sadd.s32 s4, s19  }
0x9c: {  	s7 =	simm.s32 $0x0;
	s20 =	sshll.u32 s5, $0x1;
	s5 =	sadd.s32 s21, s3  }
0x9d: {  	[timem:s7], [sflag:s22] =	dma.local [hbm:s5], s20  }
0x9e: {  	_ =	swait.ge [sflag:s22], s20  }
0x9f: {  	s4 =	ssub.s32 $0x0, s20;
	[sflag:s22] =	ssyncset.done $0x0  }
0xa0: {  	[sflag:s22] =	ssyncadd.s32 s4;
	_ =	sdelay $0x1  }
0xa1: {  	s23 =	simm.s32 $0x1B8B  }
0xa2: {  	_ =	swait.ge [sflag:s23], $0x1  }
0xa3: {  	[sflag:s23] =	ssyncset.done $0x0  }
0xa4: {  	s25 =	simm.s32 $0x1B8E;
	s24 =	sld [smem:$0x3FFE];
	[sflag:s23] =	ssyncadd.s32 $0xFFFFFFFF  }
0xa5: {  	s26 =	simm.s32 $execute0_lowered;
	[smem:$0x3FD2] =	sst s25  }
0xa6: {  	s5 =	sshll.u32 s26, $0x1;
	_ =	strace $0x80000046;
	[dreg:$0x1] =	wrdreg $0xFFFFFFFF  }
0xa7: {  	s28 =	simm.s32 $_size_execute0_lowered;
	s3 =	sadd.s32 s3, s5;
	[dreg:$0x0] =	wrdreg $0x0  }
0xa8: {  	s5 =	sshll.u32 s28, $0x1;
	[dreg:$0x2] =	wrdreg s3  }
0xa9: {  	[dreg:$0x3] =	wrdreg s5  }
0xaa: {  	[dreg:$0x4] =	wrdreg $0xC0  }
0xab: {  	_ =	task [dreg:s7], $0x5FFFF  }
0xac: {  	[dreg:$0x1] =	wrdreg $0xFFFFFFFF  }
0xad: {  	[dreg:$0x0] =	wrdreg $0x60  }
0xae: {  	[dreg:$0x2] =	wrdreg s2  }
0xaf: {  	[dreg:$0x3] =	wrdreg s24  }
0xb0: {  	[dreg:$0x4] =	wrdreg $0x9  }
0xb1: {  	_ =	task.clear_ibuf [dreg:s7], $0x5FFFF;
	_ =	strace $0x90000046  }
0xb2: {  	s29 =	simm.s32 $0x9;
	_ =	strace $0x80000048  }
0xb3: {  	_ =	swait.ge [sflag:s29], $0x1  }
0xb4: {  	[sflag:s29] =	ssyncadd.s32 $0xFFFFFFFF  }
0xb5: {  	_ =	strace $0x90000048  }
0xb6: {  	_ =	sfence  }
0xb7: {  	s30 =	sld [smem:$0x0];
	_ =	sdelay $0x2  }
0xb8: {  	s31 =	sshll.u32 s1, $0xD;
	s1 =	sshrl.u32 s1, $0x2  }
0xb9: {  	s3 =	sand.u32 $0x4000, s31;
	s1 =	sadd.s32 s1, s30  }
0xba: {  	s0 =	sor.u32 s3, s0;
	s1 =	sshll.u32 s1, $0x11  }
0xbb: {  	s0 =	sor.u32 s1, s0  }
0xbc: {  	s0 =	sadd.s32 $0x8F2B, s0  }
0xbd: {  	[sflag:s0] =	ssyncadd.remote.s32 $0x1  }
0xbe: {  	_ =	sfence.sel $0xFFFF  }
0xbf: {  	[dreg:$0x0] =	wrdreg $0xFFFFFFFF;
	(pc) =	sbr.abs _section_cstart, $3  }
0xc0: {  	[dreg:$0x1] =	wrdreg $0xFFFFFFFF  }
0xc1: {  	_ =	task.clear_ibuf [dreg:s7], $0x2FFFF;
	_ =	strace $0x9FFFFFFF  }
0xc2: {  	(tm) =	ssettm $0x7FFFFFFF  }
0xc3: {  	_ =	shalt  }
tec
execute0_lowered:
.L_overlay_start_1:
0x0: {  	(tag) =	ssettag $0x1  }
0x1: {  	s0 =	srdreg.scid  }
0x2: {  	s5 =	stileid.u32;
	s2 =	rddreg [dreg:$0x0]  }
0x3: {  	s31 =	simm.s32 $0x2000;
	s0 =	sand.u32 $0x1, s0;
	s1 =	sshll.u32 s5, $0x1  }
0x4: {  	s23 =	sshrl.u32 s5, $0x2;
	s3 =	ssub.s32 $0x2, s0;
	s4 =	sor.u32 s0, s1  }
0x5: {  	s6 =	smul.u32 $0xC3800, s23;
	s7 =	sor.u32 $0x4, s23;
	s8 =	sor.u32 $0x8, s23  }
0x6: {  	s9 =	sshll.u32 s23, $0x10;
	s17 =	sor.u32 $0xC, s23;
	s13 =	smul.u32 $0xC3800, s7  }
0x7: {  	s24 =	sshrl.u32 s3, $0x1;
	s25 =	sshll.u32 s4, $0x7;
	s10 =	smul.u32 $0xC3800, s8  }
0x8: {  	s7 =	sshll.u32 s7, $0x10;
	s16 =	sshll.u32 s8, $0x10;
	s18 =	smul.u32 $0xC3800, s17  }
0x9: {  	s1 =	sor.u32 $0x80, s4;
	s19 =	sadd.s32 $0xB, s4;
	s0 =	ssub.s32 s3, s24  }
0xa: {  	s26 =	sand.u32 $0x380, s25;
	s20 =	sshrl.u32 s1, $0x3;
	s11 =	sand.u32 $0x1F, s19  }
0xb: {  	p0 =	sgt.u32 s1, $0x94;
	s1 =	simm.s32 $0x1C700;
	s5 =	sor.u32 s6, s26  }
0xc: {  	s6 =	sor.u32 s13, s26;
	s14 =	sor.u32 s10, s26;
	s10 =	sor.u32 s7, s26  }
0xd: {  	s8 =	sor.u32 s18, s26;
	s12 =	smul.u32 $0xC3800, s20;
	s13 =	sshrl.u32 s11, $0x3  }
0xe: {  	s7 =	sshll.u32 s17, $0x10;
	s25 =	sshll.u32 s11, $0xD;
	s5 =	sshrl.u32 s5, $0x3  }
0xf: {  	s6 =	sshrl.u32 s6, $0x3;
	s15 =	sshrl.u32 s14, $0x3;
	s8 =	sshrl.u32 s8, $0x3  }
0x10: {  	s13 =	smul.u32 $0xC3800, s13;
	s5 =	sadd.s32 s2, s5;
	s6 =	sadd.s32 s2, s6  }
0x11: {  	s8 =	sadd.s32 s2, s8;
	s22 =	sor.u32 s26, s12;
	[dreg:$0x3] =	wrdreg s5  }
0x12: {  	s5 =	sor.u32 s9, s26;
	[dreg:$0x4] =	wrdreg s6;
	s6 =	sadd.s32 s2, s15  }
0x13: {  	s15 =	sor.u32 s16, s26;
	s9 =	sshll.u32 s19, $0x7;
	[dreg:$0x6] =	wrdreg s8  }
0x14: {  	s19 =	sor.u32 s7, s26;
	s7 =	sshrl.u32 s22, $0x3;
	[dreg:$0x5] =	wrdreg s6  }
0x15: {  	s21 =	sand.u32 $0x380, s9;
	s6 =	sshll.u32 s20, $0x10;
	s7 =	sadd.s32 s2, s7  }
0x16: {  	s20 =	sor.u32 s9, s25;
	s5 =	sshrl.u32 s5, $0x3;
	s23 =	sor.u32 s21, s13  }
0x17: {  	s6 =	sor.u32 s26, s6;
	s13 =	sadd.s32 $0xE82800, s23;
	s26 =	sadd.s32 $0x1190800, s23  }
0x18: {  	[dreg:$0x7] =	wrdreg s7;
	s9 =	sadd.s32 $0x149E800, s23;
	s16 =	sadd.s32 $0x17AC800, s23  }
0x19: {  	s24 =	sshrl.u32 s13, $0x3;
	s7 =	sshrl.u32 s26, $0x3;
	s13 =	sadd.s32 $0x16, s4  }
0x1a: {  	s12 =	sshrl.u32 s16, $0x3;
	s3 =	sadd.s32 s2, s24;
	s7 =	sadd.s32 s2, s7  }
0x1b: {  	s17 =	sand.u32 $0x1F, s13;
	s23 =	sshll.u32 s13, $0x7;
	[dreg:$0x8] =	wrdreg s3  }
0x1c: {  	s3 =	sor.u32 $0x80, s11;
	[dreg:$0x9] =	wrdreg s7;
	s7 =	sshrl.u32 s9, $0x3  }
0x1d: {  	s4 =	sor.u32 $0x80, s17;
	s26 =	sand.u32 $0x380, s23;
	s11 =	sshrl.u32 s3, $0x3  }
0x1e: {  	s14 =	sadd.s32 s2, s7;
	s7 =	sshll.u32 s17, $0xD;
	s24 =	sshrl.u32 s4, $0x3  }
0x1f: {  	p1 =	sgt.u32 s3, $0x94;
	p2 =	sgt.u32 s4, $0x94;
	s3 =	simm.s32 $0x2  }
0x20: {  	s4 =	simm.s32 $0x0;
	s9 =	smul.u32 $0xC3800, s11;
	[dreg:$0xa] =	wrdreg s14  }
0x21: {  	s25 =	sor.u32 s23, s7;
	s11 =	smul.u32 $0xC3800, s24;
	s23 =	sshrl.u32 s15, $0x3  }
0x22: {  	s24 =	sshrl.u32 s19, $0x3;
	s18 =	sor.u32 s21, s9;
	s21 =	sshrl.u32 s17, $0x3  }
0x23: {  	s7 =	sor.u32 s26, s11;
	s22 =	sadd.s32 $0xE82800, s18;
	s8 =	smul.u32 $0xC3800, s21  }
0x24: {  	s9 =	sadd.s32 s2, s12;
	s7 =	sadd.s32 $0x1D05000, s7;
	s14 =	sshrl.u32 s22, $0x3  }
0x25: {  	s7 =	sshrl.u32 s7, $0x3;
	s22 =	sshrl.u32 s10, $0x3;
	s8 =	sor.u32 s26, s8  }
0x26: {  	s12 =	sadd.s32 s2, s14;
	s16 =	sadd.s32 $0x1D05000, s8;
	s17 =	sadd.s32 $0x2013000, s8  }
0x27: {  	[dreg:$0xb] =	wrdreg s12;
	s21 =	sadd.s32 $0x2321000, s8;
	s8 =	sadd.s32 $0x262F000, s8  }
0x28: {  	s11 =	sshrl.u32 s16, $0x3;
	s18 =	sshrl.u32 s17, $0x3;
	s13 =	sshrl.u32 s21, $0x3  }
0x29: {  	s8 =	sshrl.u32 s8, $0x3;
	s11 =	sadd.s32 s2, s11;
	s12 =	sadd.s32 s2, s18  }
0x2a: {  	s13 =	sadd.s32 s2, s13;
	s14 =	sadd.s32 s2, s8;
	s2 =	sadd.s32 s2, s7  }
0x2b: {  	s10 =	sshrl.u32 s6, $0x3;
	s26 =	sadd.s32 $0x130000, s20;
	[dreg:$0xc] =	wrdreg s2  }
0x2c: {  	s15 =	sand.u32 $0x170380, s26;
	s26 =	sadd.s32 $0x1F0000, s20;
	s2 =	rddreg [dreg:$0x1]  }
0x2d: {  	s21 =	sshrl.u32 s15, $0x3;
	s15 =	sand.u32 $0x3F0380, s26;
	s8 =	sadd.s32 $0x1000, s2  }
0x2e: {  	s26 =	sadd.s32 $0x230000, s20;
	s7 =	sadd.s32 $0x260000, s25;
	s16 =	sadd.s32 s8, s5  }
0x2f: {  	s17 =	sadd.s32 s8, s22;
	s18 =	sadd.s32 s8, s23;
	s19 =	sadd.s32 s8, s24  }
0x30: {  	s5 =	sadd.s32 s8, s10;
	s22 =	sadd.s32 $0x170000, s20;
	s21 =	sadd.s32 s8, s21  }
0x31: {  	s24 =	sadd.s32 $0x1B0000, s20;
	[dreg:$0xd] =	wrdreg s5;
	s23 =	sand.u32 $0x1F0380, s22  }
0x32: {  	s6 =	sand.u32 $0x1F0380, s24;
	s24 =	sshrl.u32 s15, $0x3;
	s5 =	sshrl.u32 s23, $0x3  }
0x33: {  	s10 =	sshrl.u32 s6, $0x3;
	s24 =	sadd.s32 s8, s24;
	s6 =	sand.u32 $0x270380, s26  }
0x34: {  	s22 =	sadd.s32 s8, s5;
	s23 =	sadd.s32 s8, s10;
	s5 =	sshrl.u32 s6, $0x3  }
0x35: {  	s6 =	sand.u32 $0x2F0380, s7;
	s10 =	sadd.s32 $0x2A0000, s25;
	s5 =	sadd.s32 s8, s5  }
0x36: {  	s15 =	sshrl.u32 s6, $0x3;
	s20 =	sand.u32 $0x2F0380, s10;
	s10 =	sadd.s32 $0x2E0000, s25  }
0x37: {  	[dreg:$0xe] =	wrdreg s5;
	s26 =	sadd.s32 s8, s15;
	s7 =	sshrl.u32 s20, $0x3  }
0x38: {  	s15 =	sand.u32 $0x3F0380, s10;
	s20 =	sadd.s32 $0x320000, s25;
	s25 =	sadd.s32 $0x360000, s25  }
0x39: {  	s28 =	sadd.s32 s8, s7;
	s5 =	sshrl.u32 s15, $0x3;
	s6 =	sand.u32 $0x370380, s20  }
0x3a: {  	s15 =	sand.u32 $0x3F0380, s25;
	s25 =	simm.s32 $0x0;
	s29 =	sadd.s32 s8, s5  }
.Ltmp0:
0x3b: {  	s10 =	sshrl.u32 s6, $0x3;
	s20 =	sshrl.u32 s15, $0x3;
	(pc) =	sbr.rel .LBB2_1-.Ltmp0, $4  }
0x3c: {  	[smem:$0x7FF] =	sst s25;
	s15 =	simm.s32 $0x3;
	s25 =	simm.s32 $0x400  }
0x3d: {  	s30 =	sadd.s32 s8, s10;
	s5 =	sadd.s32 s8, s20;
	s10 =	smax.u32 s0, $0x1  }
0x3e: {  	s20 =	simm.s32 $0x80;
	s0 =	simm.s32 $0x1A700;
	[dreg:$0xf] =	wrdreg s5  }
0x3f: {  	s5 =	sadd.s32 $0xC00, s2;
	s2 =	simm.s32 $0x1;
	_ =	strace $0x80000047  }
.LBB2_37:
0x40: {  	s4 =	sadd.s32 $0x1, s4  }
0x41: {  	p3 =	sne.s32 s4, s10  }
.Ltmp1:
0x42: {  	_ = 	snop;
	(pc) =	sbr.rel @!p3 .LBB2_38-.Ltmp1, $4  }
0x43: {  	_ = 	snop  }
0x44: {  	_ =	swait.ge [sflag:s3], $0x2000  }
0x45: {  	[sflag:s3] =	ssyncset.done $0x0  }
0x46: {  	[sflag:s3] =	ssyncadd.s32 $0xFFFFE000  }
.LBB2_1:
0x47: {  	s6 =	simm.s32 $0x0  }
0x48: {  	[tilespmem:s6], [sflag:$0x3] =	stream.linear.gather [hbm4b:s5+s6], $0x2000, $0x38;
	[tilespmem:$0x1E700] =	vst v63  }
0x49: {  	_ =	swait.ge [sflag:s15], $0x2000  }
0x4a: {  	[sflag:s15] =	ssyncset.done $0x0  }
0x4b: {  	s8 =	rddreg [dreg:$0x3];
	[sflag:s15] =	ssyncadd.s32 $0xFFFFE000  }
0x4c: {  	[tilespmem:s31], [sflag:$0x3] =	stream.strided.gather [hbm4b:s8+s20], $0x18700, s25, s20, $0x38;
	[tilespmem:$0x1E700] =	vst v63  }
0x4d: {  	_ =	swait.ge [sflag:s15], $0x18700  }
0x4e: {  	s7 =	simm.s32 $0x40;
	[sflag:s15] =	ssyncset.done $0x0  }
0x4f: {  	s6 =	simm.s32 $0xFFFFFFF8;
	s8 =	simm.s32 $0x1A740;
	[sflag:s15] =	ssyncadd.s32 $0xFFFE7900  }
.LBB2_2:
0x50: {  	v0 =	vld [tilespmem:s7+$0xFFFFFFC0];
	_ =	sdelay $0x7  }
0x51: {  	v0 =	vld.idx.msk [tilespmem:v0+s31+$0x0], $0xffff;
	_ =	sdelay $0x4  }
0x52: {  	[tilespmem:s8+$0xFFFFFFC0] =	vst v0  }
0x53: {  	v0 =	vld [tilespmem:s7+$0xFFFFFFD0];
	_ =	sdelay $0x7  }
0x54: {  	v0 =	vld.idx.msk [tilespmem:v0+s31+$0x0], $0xffff;
	_ =	sdelay $0x4  }
0x55: {  	[tilespmem:s8+$0xFFFFFFD0] =	vst v0  }
0x56: {  	v0 =	vld [tilespmem:s7+$0xFFFFFFE0];
	_ =	sdelay $0x7  }
0x57: {  	v0 =	vld.idx.msk [tilespmem:v0+s31+$0x0], $0xffff;
	_ =	sdelay $0x4  }
0x58: {  	[tilespmem:s8+$0xFFFFFFE0] =	vst v0  }
0x59: {  	v0 =	vld [tilespmem:s7+$0xFFFFFFF0];
	_ =	sdelay $0x7  }
0x5a: {  	v0 =	vld.idx.msk [tilespmem:v0+s31+$0x0], $0xffff;
	_ =	sdelay $0x4  }
0x5b: {  	[tilespmem:s8+$0xFFFFFFF0] =	vst v0  }
0x5c: {  	v0 =	vld [tilespmem:s7+$0x0];
	_ =	sdelay $0x7  }
0x5d: {  	v0 =	vld.idx.msk [tilespmem:v0+s31+$0x0], $0xffff;
	_ =	sdelay $0x4  }
0x5e: {  	[tilespmem:s8+$0x0] =	vst v0  }
0x5f: {  	v0 =	vld [tilespmem:s7+$0x10];
	_ =	sdelay $0x7  }
0x60: {  	v0 =	vld.idx.msk [tilespmem:v0+s31+$0x0], $0xffff;
	_ =	sdelay $0x4  }
0x61: {  	[tilespmem:s8+$0x10] =	vst v0  }
0x62: {  	v0 =	vld [tilespmem:s7+$0x20];
	_ =	sdelay $0x7  }
0x63: {  	v0 =	vld.idx.msk [tilespmem:v0+s31+$0x0], $0xffff;
	_ =	sdelay $0x4  }
0x64: {  	[tilespmem:s8+$0x20] =	vst v0  }
0x65: {  	v0 =	vld [tilespmem:s7+$0x30];
	_ =	sdelay $0x6  }
0x66: {  	s6 =	sadd.s32 $0x8, s6  }
0x67: {  	p3 =	slt.u32 s6, $0x1F8;
	v0 =	vld.idx.msk [tilespmem:v0+s31+$0x0], $0xffff  }
.Ltmp2:
0x68: {  	_ = 	snop;
	(pc) =	sbr.rel @p3 .LBB2_2-.Ltmp2, $2  }
0x69: {  	_ =	sdelay $0x2  }
0x6a: {  	s7 =	sadd.s32 $0x80, s7;
	[tilespmem:s8+$0x30] =	vst v0;
	s8 =	sadd.s32 $0x80, s8  }
0x6b: {  	[hbm4b:s16+s20] =	stream.strided.scatter [tilespmem:s0], [sflag:$0x1], $0x2000, s25, s20, $0x38;
	[tilespmem:$0x1E700] =	vst v63  }
0x6c: {  	s6 =	rddreg [dreg:$0x4]  }
0x6d: {  	[tilespmem:s31], [sflag:$0x3] =	stream.strided.gather [hbm4b:s6+s20], $0x18700, s25, s20, $0x38;
	[tilespmem:$0x1E700] =	vst v63  }
0x6e: {  	_ =	swait.ge [sflag:s15], $0x18700  }
0x6f: {  	s7 =	simm.s32 $0x40;
	[sflag:s15] =	ssyncset.done $0x0  }
0x70: {  	s8 =	simm.s32 $0x1C740;
	s6 =	simm.s32 $0xFFFFFFF8;
	[sflag:s15] =	ssyncadd.s32 $0xFFFE7900  }
.LBB2_4:
0x71: {  	v0 =	vld [tilespmem:s7+$0xFFFFFFC0];
	_ =	sdelay $0x7  }
0x72: {  	v0 =	vld.idx.msk [tilespmem:v0+s31+$0x0], $0xffff;
	_ =	sdelay $0x4  }
0x73: {  	[tilespmem:s8+$0xFFFFFFC0] =	vst v0  }
0x74: {  	v0 =	vld [tilespmem:s7+$0xFFFFFFD0];
	_ =	sdelay $0x7  }
0x75: {  	v0 =	vld.idx.msk [tilespmem:v0+s31+$0x0], $0xffff;
	_ =	sdelay $0x4  }
0x76: {  	[tilespmem:s8+$0xFFFFFFD0] =	vst v0  }
0x77: {  	v0 =	vld [tilespmem:s7+$0xFFFFFFE0];
	_ =	sdelay $0x7  }
0x78: {  	v0 =	vld.idx.msk [tilespmem:v0+s31+$0x0], $0xffff;
	_ =	sdelay $0x4  }
0x79: {  	[tilespmem:s8+$0xFFFFFFE0] =	vst v0  }
0x7a: {  	v0 =	vld [tilespmem:s7+$0xFFFFFFF0];
	_ =	sdelay $0x7  }
0x7b: {  	v0 =	vld.idx.msk [tilespmem:v0+s31+$0x0], $0xffff;
	_ =	sdelay $0x4  }
0x7c: {  	[tilespmem:s8+$0xFFFFFFF0] =	vst v0  }
0x7d: {  	v0 =	vld [tilespmem:s7+$0x0];
	_ =	sdelay $0x7  }
0x7e: {  	v0 =	vld.idx.msk [tilespmem:v0+s31+$0x0], $0xffff;
	_ =	sdelay $0x4  }
0x7f: {  	[tilespmem:s8+$0x0] =	vst v0  }
0x80: {  	v0 =	vld [tilespmem:s7+$0x10];
	_ =	sdelay $0x7  }
0x81: {  	v0 =	vld.idx.msk [tilespmem:v0+s31+$0x0], $0xffff;
	_ =	sdelay $0x4  }
0x82: {  	[tilespmem:s8+$0x10] =	vst v0  }
0x83: {  	v0 =	vld [tilespmem:s7+$0x20];
	_ =	sdelay $0x7  }
0x84: {  	v0 =	vld.idx.msk [tilespmem:v0+s31+$0x0], $0xffff;
	_ =	sdelay $0x4  }
0x85: {  	[tilespmem:s8+$0x20] =	vst v0  }
0x86: {  	v0 =	vld [tilespmem:s7+$0x30];
	_ =	sdelay $0x6  }
0x87: {  	s6 =	sadd.s32 $0x8, s6  }
0x88: {  	p3 =	slt.u32 s6, $0x1F8;
	v0 =	vld.idx.msk [tilespmem:v0+s31+$0x0], $0xffff  }
.Ltmp3:
0x89: {  	_ = 	snop;
	(pc) =	sbr.rel @p3 .LBB2_4-.Ltmp3, $2  }
0x8a: {  	_ =	sdelay $0x2  }
0x8b: {  	s7 =	sadd.s32 $0x80, s7;
	[tilespmem:s8+$0x30] =	vst v0;
	s8 =	sadd.s32 $0x80, s8  }
0x8c: {  	[hbm4b:s17+s20] =	stream.strided.scatter [tilespmem:s1], [sflag:$0x2], $0x2000, s25, s20, $0x38;
	[tilespmem:$0x1E700] =	vst v63  }
0x8d: {  	_ =	swait.ge [sflag:s2], $0x2000  }
0x8e: {  	[sflag:s2] =	ssyncset.done $0x0  }
0x8f: {  	s6 =	rddreg [dreg:$0x5];
	[sflag:s2] =	ssyncadd.s32 $0xFFFFE000  }
0x90: {  	[tilespmem:s31], [sflag:$0x3] =	stream.strided.gather [hbm4b:s6+s20], $0x18700, s25, s20, $0x38;
	[tilespmem:$0x1E700] =	vst v63  }
0x91: {  	_ =	swait.ge [sflag:s15], $0x18700  }
0x92: {  	s7 =	simm.s32 $0x40;
	[sflag:s15] =	ssyncset.done $0x0  }
0x93: {  	s8 =	simm.s32 $0x1A740;
	s6 =	simm.s32 $0xFFFFFFF8;
	[sflag:s15] =	ssyncadd.s32 $0xFFFE7900  }
.LBB2_6:
0x94: {  	v0 =	vld [tilespmem:s7+$0xFFFFFFC0];
	_ =	sdelay $0x7  }
0x95: {  	v0 =	vld.idx.msk [tilespmem:v0+s31+$0x0], $0xffff;
	_ =	sdelay $0x4  }
0x96: {  	[tilespmem:s8+$0xFFFFFFC0] =	vst v0  }
0x97: {  	v0 =	vld [tilespmem:s7+$0xFFFFFFD0];
	_ =	sdelay $0x7  }
0x98: {  	v0 =	vld.idx.msk [tilespmem:v0+s31+$0x0], $0xffff;
	_ =	sdelay $0x4  }
0x99: {  	[tilespmem:s8+$0xFFFFFFD0] =	vst v0  }
0x9a: {  	v0 =	vld [tilespmem:s7+$0xFFFFFFE0];
	_ =	sdelay $0x7  }
0x9b: {  	v0 =	vld.idx.msk [tilespmem:v0+s31+$0x0], $0xffff;
	_ =	sdelay $0x4  }
0x9c: {  	[tilespmem:s8+$0xFFFFFFE0] =	vst v0  }
0x9d: {  	v0 =	vld [tilespmem:s7+$0xFFFFFFF0];
	_ =	sdelay $0x7  }
0x9e: {  	v0 =	vld.idx.msk [tilespmem:v0+s31+$0x0], $0xffff;
	_ =	sdelay $0x4  }
0x9f: {  	[tilespmem:s8+$0xFFFFFFF0] =	vst v0  }
0xa0: {  	v0 =	vld [tilespmem:s7+$0x0];
	_ =	sdelay $0x7  }
0xa1: {  	v0 =	vld.idx.msk [tilespmem:v0+s31+$0x0], $0xffff;
	_ =	sdelay $0x4  }
0xa2: {  	[tilespmem:s8+$0x0] =	vst v0  }
0xa3: {  	v0 =	vld [tilespmem:s7+$0x10];
	_ =	sdelay $0x7  }
0xa4: {  	v0 =	vld.idx.msk [tilespmem:v0+s31+$0x0], $0xffff;
	_ =	sdelay $0x4  }
0xa5: {  	[tilespmem:s8+$0x10] =	vst v0  }
0xa6: {  	v0 =	vld [tilespmem:s7+$0x20];
	_ =	sdelay $0x7  }
0xa7: {  	v0 =	vld.idx.msk [tilespmem:v0+s31+$0x0], $0xffff;
	_ =	sdelay $0x4  }
0xa8: {  	[tilespmem:s8+$0x20] =	vst v0  }
0xa9: {  	v0 =	vld [tilespmem:s7+$0x30];
	_ =	sdelay $0x6  }
0xaa: {  	s6 =	sadd.s32 $0x8, s6  }
0xab: {  	p3 =	slt.u32 s6, $0x1F8;
	v0 =	vld.idx.msk [tilespmem:v0+s31+$0x0], $0xffff  }
.Ltmp4:
0xac: {  	_ = 	snop;
	(pc) =	sbr.rel @p3 .LBB2_6-.Ltmp4, $2  }
0xad: {  	_ =	sdelay $0x2  }
0xae: {  	s7 =	sadd.s32 $0x80, s7;
	[tilespmem:s8+$0x30] =	vst v0;
	s8 =	sadd.s32 $0x80, s8  }
0xaf: {  	[hbm4b:s18+s20] =	stream.strided.scatter [tilespmem:s0], [sflag:$0x1], $0x2000, s25, s20, $0x38;
	[tilespmem:$0x1E700] =	vst v63  }
0xb0: {  	_ =	swait.ge [sflag:s3], $0x2000  }
0xb1: {  	[sflag:s3] =	ssyncset.done $0x0  }
0xb2: {  	s6 =	rddreg [dreg:$0x6];
	[sflag:s3] =	ssyncadd.s32 $0xFFFFE000  }
0xb3: {  	[tilespmem:s31], [sflag:$0x3] =	stream.strided.gather [hbm4b:s6+s20], $0x18700, s25, s20, $0x38;
	[tilespmem:$0x1E700] =	vst v63  }
0xb4: {  	_ =	swait.ge [sflag:s15], $0x18700  }
0xb5: {  	s7 =	simm.s32 $0x40;
	[sflag:s15] =	ssyncset.done $0x0  }
0xb6: {  	s8 =	simm.s32 $0x1C740;
	s6 =	simm.s32 $0xFFFFFFF8;
	[sflag:s15] =	ssyncadd.s32 $0xFFFE7900  }
.LBB2_8:
0xb7: {  	v0 =	vld [tilespmem:s7+$0xFFFFFFC0];
	_ =	sdelay $0x7  }
0xb8: {  	v0 =	vld.idx.msk [tilespmem:v0+s31+$0x0], $0xffff;
	_ =	sdelay $0x4  }
0xb9: {  	[tilespmem:s8+$0xFFFFFFC0] =	vst v0  }
0xba: {  	v0 =	vld [tilespmem:s7+$0xFFFFFFD0];
	_ =	sdelay $0x7  }
0xbb: {  	v0 =	vld.idx.msk [tilespmem:v0+s31+$0x0], $0xffff;
	_ =	sdelay $0x4  }
0xbc: {  	[tilespmem:s8+$0xFFFFFFD0] =	vst v0  }
0xbd: {  	v0 =	vld [tilespmem:s7+$0xFFFFFFE0];
	_ =	sdelay $0x7  }
0xbe: {  	v0 =	vld.idx.msk [tilespmem:v0+s31+$0x0], $0xffff;
	_ =	sdelay $0x4  }
0xbf: {  	[tilespmem:s8+$0xFFFFFFE0] =	vst v0  }
0xc0: {  	v0 =	vld [tilespmem:s7+$0xFFFFFFF0];
	_ =	sdelay $0x7  }
0xc1: {  	v0 =	vld.idx.msk [tilespmem:v0+s31+$0x0], $0xffff;
	_ =	sdelay $0x4  }
0xc2: {  	[tilespmem:s8+$0xFFFFFFF0] =	vst v0  }
0xc3: {  	v0 =	vld [tilespmem:s7+$0x0];
	_ =	sdelay $0x7  }
0xc4: {  	v0 =	vld.idx.msk [tilespmem:v0+s31+$0x0], $0xffff;
	_ =	sdelay $0x4  }
0xc5: {  	[tilespmem:s8+$0x0] =	vst v0  }
0xc6: {  	v0 =	vld [tilespmem:s7+$0x10];
	_ =	sdelay $0x7  }
0xc7: {  	v0 =	vld.idx.msk [tilespmem:v0+s31+$0x0], $0xffff;
	_ =	sdelay $0x4  }
0xc8: {  	[tilespmem:s8+$0x10] =	vst v0  }
0xc9: {  	v0 =	vld [tilespmem:s7+$0x20];
	_ =	sdelay $0x7  }
0xca: {  	v0 =	vld.idx.msk [tilespmem:v0+s31+$0x0], $0xffff;
	_ =	sdelay $0x4  }
0xcb: {  	[tilespmem:s8+$0x20] =	vst v0  }
0xcc: {  	v0 =	vld [tilespmem:s7+$0x30];
	_ =	sdelay $0x6  }
0xcd: {  	s6 =	sadd.s32 $0x8, s6  }
0xce: {  	p3 =	slt.u32 s6, $0x1F8;
	v0 =	vld.idx.msk [tilespmem:v0+s31+$0x0], $0xffff  }
.Ltmp5:
0xcf: {  	_ = 	snop;
	(pc) =	sbr.rel @p3 .LBB2_8-.Ltmp5, $2  }
0xd0: {  	_ =	sdelay $0x2  }
0xd1: {  	s7 =	sadd.s32 $0x80, s7;
	[tilespmem:s8+$0x30] =	vst v0;
	s8 =	sadd.s32 $0x80, s8  }
.Ltmp6:
0xd2: {  	(pc) =	sbr.rel @p0 .LBB2_13-.Ltmp6, $4  }
0xd3: {  	[hbm4b:s19+s20] =	stream.strided.scatter [tilespmem:s1], [sflag:$0x2], $0x2000, s25, s20, $0x38;
	[tilespmem:$0x1E700] =	vst v63  }
0xd4: {  	_ =	swait.ge [sflag:s2], $0x2000  }
0xd5: {  	[sflag:s2] =	ssyncset.done $0x0  }
0xd6: {  	[sflag:s2] =	ssyncadd.s32 $0xFFFFE000  }
0xd7: {  	s6 =	rddreg [dreg:$0x7]  }
0xd8: {  	[tilespmem:s31], [sflag:$0x3] =	stream.strided.gather [hbm4b:s6+s20], $0x18700, s25, s20, $0x38;
	[tilespmem:$0x1E700] =	vst v63  }
0xd9: {  	_ =	swait.ge [sflag:s15], $0x18700  }
0xda: {  	s7 =	simm.s32 $0x40;
	[sflag:s15] =	ssyncset.done $0x0  }
0xdb: {  	s8 =	simm.s32 $0x1A740;
	s6 =	simm.s32 $0xFFFFFFF8;
	[sflag:s15] =	ssyncadd.s32 $0xFFFE7900  }
.LBB2_11:
0xdc: {  	v0 =	vld [tilespmem:s7+$0xFFFFFFC0];
	_ =	sdelay $0x7  }
0xdd: {  	v0 =	vld.idx.msk [tilespmem:v0+s31+$0x0], $0xffff;
	_ =	sdelay $0x4  }
0xde: {  	[tilespmem:s8+$0xFFFFFFC0] =	vst v0  }
0xdf: {  	v0 =	vld [tilespmem:s7+$0xFFFFFFD0];
	_ =	sdelay $0x7  }
0xe0: {  	v0 =	vld.idx.msk [tilespmem:v0+s31+$0x0], $0xffff;
	_ =	sdelay $0x4  }
0xe1: {  	[tilespmem:s8+$0xFFFFFFD0] =	vst v0  }
0xe2: {  	v0 =	vld [tilespmem:s7+$0xFFFFFFE0];
	_ =	sdelay $0x7  }
0xe3: {  	v0 =	vld.idx.msk [tilespmem:v0+s31+$0x0], $0xffff;
	_ =	sdelay $0x4  }
0xe4: {  	[tilespmem:s8+$0xFFFFFFE0] =	vst v0  }
0xe5: {  	v0 =	vld [tilespmem:s7+$0xFFFFFFF0];
	_ =	sdelay $0x7  }
0xe6: {  	v0 =	vld.idx.msk [tilespmem:v0+s31+$0x0], $0xffff;
	_ =	sdelay $0x4  }
0xe7: {  	[tilespmem:s8+$0xFFFFFFF0] =	vst v0  }
0xe8: {  	v0 =	vld [tilespmem:s7+$0x0];
	_ =	sdelay $0x7  }
0xe9: {  	v0 =	vld.idx.msk [tilespmem:v0+s31+$0x0], $0xffff;
	_ =	sdelay $0x4  }
0xea: {  	[tilespmem:s8+$0x0] =	vst v0  }
0xeb: {  	v0 =	vld [tilespmem:s7+$0x10];
	_ =	sdelay $0x7  }
0xec: {  	v0 =	vld.idx.msk [tilespmem:v0+s31+$0x0], $0xffff;
	_ =	sdelay $0x4  }
0xed: {  	[tilespmem:s8+$0x10] =	vst v0  }
0xee: {  	v0 =	vld [tilespmem:s7+$0x20];
	_ =	sdelay $0x7  }
0xef: {  	v0 =	vld.idx.msk [tilespmem:v0+s31+$0x0], $0xffff;
	_ =	sdelay $0x4  }
0xf0: {  	[tilespmem:s8+$0x20] =	vst v0  }
0xf1: {  	v0 =	vld [tilespmem:s7+$0x30];
	_ =	sdelay $0x6  }
0xf2: {  	s6 =	sadd.s32 $0x8, s6  }
0xf3: {  	p3 =	slt.u32 s6, $0x1F8;
	v0 =	vld.idx.msk [tilespmem:v0+s31+$0x0], $0xffff  }
.Ltmp7:
0xf4: {  	_ = 	snop;
	(pc) =	sbr.rel @p3 .LBB2_11-.Ltmp7, $2  }
0xf5: {  	_ =	sdelay $0x2  }
0xf6: {  	s7 =	sadd.s32 $0x80, s7;
	[tilespmem:s8+$0x30] =	vst v0;
	s8 =	sadd.s32 $0x80, s8  }
0xf7: {  	s6 =	rddreg [dreg:$0xd]  }
0xf8: {  	[hbm4b:s6+s20] =	stream.strided.scatter [tilespmem:s0], [sflag:$0x1], $0x2000, s25, s20, $0x38;
	[tilespmem:$0x1E700] =	vst v63  }
.LBB2_13:
0xf9: {  	_ =	swait.ge [sflag:s3], $0x2000  }
0xfa: {  	[sflag:s3] =	ssyncset.done $0x0  }
0xfb: {  	s6 =	rddreg [dreg:$0x8];
	[sflag:s3] =	ssyncadd.s32 $0xFFFFE000  }
0xfc: {  	[tilespmem:s31], [sflag:$0x3] =	stream.strided.gather [hbm4b:s6+s20], $0x18700, s25, s20, $0x38;
	[tilespmem:$0x1E700] =	vst v63  }
0xfd: {  	_ =	swait.ge [sflag:s15], $0x18700  }
0xfe: {  	s7 =	simm.s32 $0x40;
	[sflag:s15] =	ssyncset.done $0x0  }
0xff: {  	s8 =	simm.s32 $0x1C740;
	s6 =	simm.s32 $0xFFFFFFF8;
	[sflag:s15] =	ssyncadd.s32 $0xFFFE7900  }
.LBB2_14:
0x100: {  	v0 =	vld [tilespmem:s7+$0xFFFFFFC0];
	_ =	sdelay $0x7  }
0x101: {  	v0 =	vld.idx.msk [tilespmem:v0+s31+$0x0], $0xffff;
	_ =	sdelay $0x4  }
0x102: {  	[tilespmem:s8+$0xFFFFFFC0] =	vst v0  }
0x103: {  	v0 =	vld [tilespmem:s7+$0xFFFFFFD0];
	_ =	sdelay $0x7  }
0x104: {  	v0 =	vld.idx.msk [tilespmem:v0+s31+$0x0], $0xffff;
	_ =	sdelay $0x4  }
0x105: {  	[tilespmem:s8+$0xFFFFFFD0] =	vst v0  }
0x106: {  	v0 =	vld [tilespmem:s7+$0xFFFFFFE0];
	_ =	sdelay $0x7  }
0x107: {  	v0 =	vld.idx.msk [tilespmem:v0+s31+$0x0], $0xffff;
	_ =	sdelay $0x4  }
0x108: {  	[tilespmem:s8+$0xFFFFFFE0] =	vst v0  }
0x109: {  	v0 =	vld [tilespmem:s7+$0xFFFFFFF0];
	_ =	sdelay $0x7  }
0x10a: {  	v0 =	vld.idx.msk [tilespmem:v0+s31+$0x0], $0xffff;
	_ =	sdelay $0x4  }
0x10b: {  	[tilespmem:s8+$0xFFFFFFF0] =	vst v0  }
0x10c: {  	v0 =	vld [tilespmem:s7+$0x0];
	_ =	sdelay $0x7  }
0x10d: {  	v0 =	vld.idx.msk [tilespmem:v0+s31+$0x0], $0xffff;
	_ =	sdelay $0x4  }
0x10e: {  	[tilespmem:s8+$0x0] =	vst v0  }
0x10f: {  	v0 =	vld [tilespmem:s7+$0x10];
	_ =	sdelay $0x7  }
0x110: {  	v0 =	vld.idx.msk [tilespmem:v0+s31+$0x0], $0xffff;
	_ =	sdelay $0x4  }
0x111: {  	[tilespmem:s8+$0x10] =	vst v0  }
0x112: {  	v0 =	vld [tilespmem:s7+$0x20];
	_ =	sdelay $0x7  }
0x113: {  	v0 =	vld.idx.msk [tilespmem:v0+s31+$0x0], $0xffff;
	_ =	sdelay $0x4  }
0x114: {  	[tilespmem:s8+$0x20] =	vst v0  }
0x115: {  	v0 =	vld [tilespmem:s7+$0x30];
	_ =	sdelay $0x6  }
0x116: {  	s6 =	sadd.s32 $0x8, s6  }
0x117: {  	p3 =	slt.u32 s6, $0x1F8;
	v0 =	vld.idx.msk [tilespmem:v0+s31+$0x0], $0xffff  }
.Ltmp8:
0x118: {  	_ = 	snop;
	(pc) =	sbr.rel @p3 .LBB2_14-.Ltmp8, $2  }
0x119: {  	_ =	sdelay $0x2  }
0x11a: {  	s7 =	sadd.s32 $0x80, s7;
	[tilespmem:s8+$0x30] =	vst v0;
	s8 =	sadd.s32 $0x80, s8  }
0x11b: {  	[hbm4b:s21+s20] =	stream.strided.scatter [tilespmem:s1], [sflag:$0x2], $0x2000, s25, s20, $0x38;
	[tilespmem:$0x1E700] =	vst v63  }
0x11c: {  	s6 =	simm.s32 @!p0 $0x1  }
0x11d: {  	_ =	swait.ge @!p0 [sflag:s6], $0x2000  }
0x11e: {  	[sflag:s6] =	ssyncset.done @!p0 $0x0  }
0x11f: {  	s8 =	rddreg [dreg:$0x9];
	[sflag:s6] =	ssyncadd.s32 @!p0 $0xFFFFE000  }
0x120: {  	[tilespmem:s31], [sflag:$0x3] =	stream.strided.gather [hbm4b:s8+s20], $0x18700, s25, s20, $0x38;
	[tilespmem:$0x1E700] =	vst v63  }
0x121: {  	_ =	swait.ge [sflag:s15], $0x18700  }
0x122: {  	s7 =	simm.s32 $0x40;
	[sflag:s15] =	ssyncset.done $0x0  }
0x123: {  	s6 =	simm.s32 $0xFFFFFFF8;
	s8 =	simm.s32 $0x1A740;
	[sflag:s15] =	ssyncadd.s32 $0xFFFE7900  }
.LBB2_16:
0x124: {  	v0 =	vld [tilespmem:s7+$0xFFFFFFC0];
	_ =	sdelay $0x7  }
0x125: {  	v0 =	vld.idx.msk [tilespmem:v0+s31+$0x0], $0xffff;
	_ =	sdelay $0x4  }
0x126: {  	[tilespmem:s8+$0xFFFFFFC0] =	vst v0  }
0x127: {  	v0 =	vld [tilespmem:s7+$0xFFFFFFD0];
	_ =	sdelay $0x7  }
0x128: {  	v0 =	vld.idx.msk [tilespmem:v0+s31+$0x0], $0xffff;
	_ =	sdelay $0x4  }
0x129: {  	[tilespmem:s8+$0xFFFFFFD0] =	vst v0  }
0x12a: {  	v0 =	vld [tilespmem:s7+$0xFFFFFFE0];
	_ =	sdelay $0x7  }
0x12b: {  	v0 =	vld.idx.msk [tilespmem:v0+s31+$0x0], $0xffff;
	_ =	sdelay $0x4  }
0x12c: {  	[tilespmem:s8+$0xFFFFFFE0] =	vst v0  }
0x12d: {  	v0 =	vld [tilespmem:s7+$0xFFFFFFF0];
	_ =	sdelay $0x7  }
0x12e: {  	v0 =	vld.idx.msk [tilespmem:v0+s31+$0x0], $0xffff;
	_ =	sdelay $0x4  }
0x12f: {  	[tilespmem:s8+$0xFFFFFFF0] =	vst v0  }
0x130: {  	v0 =	vld [tilespmem:s7+$0x0];
	_ =	sdelay $0x7  }
0x131: {  	v0 =	vld.idx.msk [tilespmem:v0+s31+$0x0], $0xffff;
	_ =	sdelay $0x4  }
0x132: {  	[tilespmem:s8+$0x0] =	vst v0  }
0x133: {  	v0 =	vld [tilespmem:s7+$0x10];
	_ =	sdelay $0x7  }
0x134: {  	v0 =	vld.idx.msk [tilespmem:v0+s31+$0x0], $0xffff;
	_ =	sdelay $0x4  }
0x135: {  	[tilespmem:s8+$0x10] =	vst v0  }
0x136: {  	v0 =	vld [tilespmem:s7+$0x20];
	_ =	sdelay $0x7  }
0x137: {  	v0 =	vld.idx.msk [tilespmem:v0+s31+$0x0], $0xffff;
	_ =	sdelay $0x4  }
0x138: {  	[tilespmem:s8+$0x20] =	vst v0  }
0x139: {  	v0 =	vld [tilespmem:s7+$0x30];
	_ =	sdelay $0x6  }
0x13a: {  	s6 =	sadd.s32 $0x8, s6  }
0x13b: {  	p3 =	slt.u32 s6, $0x1F8;
	v0 =	vld.idx.msk [tilespmem:v0+s31+$0x0], $0xffff  }
.Ltmp9:
0x13c: {  	_ = 	snop;
	(pc) =	sbr.rel @p3 .LBB2_16-.Ltmp9, $2  }
0x13d: {  	_ =	sdelay $0x2  }
0x13e: {  	s7 =	sadd.s32 $0x80, s7;
	[tilespmem:s8+$0x30] =	vst v0;
	s8 =	sadd.s32 $0x80, s8  }
0x13f: {  	[hbm4b:s22+s20] =	stream.strided.scatter [tilespmem:s0], [sflag:$0x1], $0x2000, s25, s20, $0x38;
	[tilespmem:$0x1E700] =	vst v63  }
0x140: {  	_ =	swait.ge [sflag:s3], $0x2000  }
0x141: {  	[sflag:s3] =	ssyncset.done $0x0  }
0x142: {  	s6 =	rddreg [dreg:$0xa];
	[sflag:s3] =	ssyncadd.s32 $0xFFFFE000  }
0x143: {  	[tilespmem:s31], [sflag:$0x3] =	stream.strided.gather [hbm4b:s6+s20], $0x18700, s25, s20, $0x38;
	[tilespmem:$0x1E700] =	vst v63  }
0x144: {  	_ =	swait.ge [sflag:s15], $0x18700  }
0x145: {  	s7 =	simm.s32 $0x40;
	[sflag:s15] =	ssyncset.done $0x0  }
0x146: {  	s8 =	simm.s32 $0x1C740;
	s6 =	simm.s32 $0xFFFFFFF8;
	[sflag:s15] =	ssyncadd.s32 $0xFFFE7900  }
.LBB2_18:
0x147: {  	v0 =	vld [tilespmem:s7+$0xFFFFFFC0];
	_ =	sdelay $0x7  }
0x148: {  	v0 =	vld.idx.msk [tilespmem:v0+s31+$0x0], $0xffff;
	_ =	sdelay $0x4  }
0x149: {  	[tilespmem:s8+$0xFFFFFFC0] =	vst v0  }
0x14a: {  	v0 =	vld [tilespmem:s7+$0xFFFFFFD0];
	_ =	sdelay $0x7  }
0x14b: {  	v0 =	vld.idx.msk [tilespmem:v0+s31+$0x0], $0xffff;
	_ =	sdelay $0x4  }
0x14c: {  	[tilespmem:s8+$0xFFFFFFD0] =	vst v0  }
0x14d: {  	v0 =	vld [tilespmem:s7+$0xFFFFFFE0];
	_ =	sdelay $0x7  }
0x14e: {  	v0 =	vld.idx.msk [tilespmem:v0+s31+$0x0], $0xffff;
	_ =	sdelay $0x4  }
0x14f: {  	[tilespmem:s8+$0xFFFFFFE0] =	vst v0  }
0x150: {  	v0 =	vld [tilespmem:s7+$0xFFFFFFF0];
	_ =	sdelay $0x7  }
0x151: {  	v0 =	vld.idx.msk [tilespmem:v0+s31+$0x0], $0xffff;
	_ =	sdelay $0x4  }
0x152: {  	[tilespmem:s8+$0xFFFFFFF0] =	vst v0  }
0x153: {  	v0 =	vld [tilespmem:s7+$0x0];
	_ =	sdelay $0x7  }
0x154: {  	v0 =	vld.idx.msk [tilespmem:v0+s31+$0x0], $0xffff;
	_ =	sdelay $0x4  }
0x155: {  	[tilespmem:s8+$0x0] =	vst v0  }
0x156: {  	v0 =	vld [tilespmem:s7+$0x10];
	_ =	sdelay $0x7  }
0x157: {  	v0 =	vld.idx.msk [tilespmem:v0+s31+$0x0], $0xffff;
	_ =	sdelay $0x4  }
0x158: {  	[tilespmem:s8+$0x10] =	vst v0  }
0x159: {  	v0 =	vld [tilespmem:s7+$0x20];
	_ =	sdelay $0x7  }
0x15a: {  	v0 =	vld.idx.msk [tilespmem:v0+s31+$0x0], $0xffff;
	_ =	sdelay $0x4  }
0x15b: {  	[tilespmem:s8+$0x20] =	vst v0  }
0x15c: {  	v0 =	vld [tilespmem:s7+$0x30];
	_ =	sdelay $0x6  }
0x15d: {  	s6 =	sadd.s32 $0x8, s6  }
0x15e: {  	p3 =	slt.u32 s6, $0x1F8;
	v0 =	vld.idx.msk [tilespmem:v0+s31+$0x0], $0xffff  }
.Ltmp10:
0x15f: {  	_ = 	snop;
	(pc) =	sbr.rel @p3 .LBB2_18-.Ltmp10, $2  }
0x160: {  	_ =	sdelay $0x2  }
0x161: {  	s7 =	sadd.s32 $0x80, s7;
	[tilespmem:s8+$0x30] =	vst v0;
	s8 =	sadd.s32 $0x80, s8  }
0x162: {  	[hbm4b:s23+s20] =	stream.strided.scatter [tilespmem:s1], [sflag:$0x2], $0x2000, s25, s20, $0x38;
	[tilespmem:$0x1E700] =	vst v63  }
0x163: {  	_ =	swait.ge [sflag:s2], $0x2000  }
0x164: {  	[sflag:s2] =	ssyncset.done $0x0  }
0x165: {  	[sflag:s2] =	ssyncadd.s32 $0xFFFFE000  }
0x166: {  	[tilespmem:s31], [sflag:$0x3] =	stream.strided.gather [hbm4b:s9+s20], $0x18700, s25, s20, $0x38;
	[tilespmem:$0x1E700] =	vst v63  }
0x167: {  	_ =	swait.ge [sflag:s15], $0x18700  }
0x168: {  	s6 =	simm.s32 $0xFFFFFFF8;
	[sflag:s15] =	ssyncset.done $0x0  }
0x169: {  	s7 =	simm.s32 $0x40;
	s8 =	simm.s32 $0x1A740;
	[sflag:s15] =	ssyncadd.s32 $0xFFFE7900  }
.LBB2_20:
0x16a: {  	v0 =	vld [tilespmem:s7+$0xFFFFFFC0];
	_ =	sdelay $0x7  }
0x16b: {  	v0 =	vld.idx.msk [tilespmem:v0+s31+$0x0], $0xffff;
	_ =	sdelay $0x4  }
0x16c: {  	[tilespmem:s8+$0xFFFFFFC0] =	vst v0  }
0x16d: {  	v0 =	vld [tilespmem:s7+$0xFFFFFFD0];
	_ =	sdelay $0x7  }
0x16e: {  	v0 =	vld.idx.msk [tilespmem:v0+s31+$0x0], $0xffff;
	_ =	sdelay $0x4  }
0x16f: {  	[tilespmem:s8+$0xFFFFFFD0] =	vst v0  }
0x170: {  	v0 =	vld [tilespmem:s7+$0xFFFFFFE0];
	_ =	sdelay $0x7  }
0x171: {  	v0 =	vld.idx.msk [tilespmem:v0+s31+$0x0], $0xffff;
	_ =	sdelay $0x4  }
0x172: {  	[tilespmem:s8+$0xFFFFFFE0] =	vst v0  }
0x173: {  	v0 =	vld [tilespmem:s7+$0xFFFFFFF0];
	_ =	sdelay $0x7  }
0x174: {  	v0 =	vld.idx.msk [tilespmem:v0+s31+$0x0], $0xffff;
	_ =	sdelay $0x4  }
0x175: {  	[tilespmem:s8+$0xFFFFFFF0] =	vst v0  }
0x176: {  	v0 =	vld [tilespmem:s7+$0x0];
	_ =	sdelay $0x7  }
0x177: {  	v0 =	vld.idx.msk [tilespmem:v0+s31+$0x0], $0xffff;
	_ =	sdelay $0x4  }
0x178: {  	[tilespmem:s8+$0x0] =	vst v0  }
0x179: {  	v0 =	vld [tilespmem:s7+$0x10];
	_ =	sdelay $0x7  }
0x17a: {  	v0 =	vld.idx.msk [tilespmem:v0+s31+$0x0], $0xffff;
	_ =	sdelay $0x4  }
0x17b: {  	[tilespmem:s8+$0x10] =	vst v0  }
0x17c: {  	v0 =	vld [tilespmem:s7+$0x20];
	_ =	sdelay $0x7  }
0x17d: {  	v0 =	vld.idx.msk [tilespmem:v0+s31+$0x0], $0xffff;
	_ =	sdelay $0x4  }
0x17e: {  	[tilespmem:s8+$0x20] =	vst v0  }
0x17f: {  	v0 =	vld [tilespmem:s7+$0x30];
	_ =	sdelay $0x6  }
0x180: {  	s6 =	sadd.s32 $0x8, s6  }
0x181: {  	p3 =	slt.u32 s6, $0x1F8;
	v0 =	vld.idx.msk [tilespmem:v0+s31+$0x0], $0xffff  }
.Ltmp11:
0x182: {  	_ = 	snop;
	(pc) =	sbr.rel @p3 .LBB2_20-.Ltmp11, $2  }
0x183: {  	_ =	sdelay $0x2  }
0x184: {  	s7 =	sadd.s32 $0x80, s7;
	[tilespmem:s8+$0x30] =	vst v0;
	s8 =	sadd.s32 $0x80, s8  }
.Ltmp12:
0x185: {  	(pc) =	sbr.rel @p1 .LBB2_25-.Ltmp12, $4  }
0x186: {  	[hbm4b:s24+s20] =	stream.strided.scatter [tilespmem:s0], [sflag:$0x1], $0x2000, s25, s20, $0x38;
	[tilespmem:$0x1E700] =	vst v63  }
0x187: {  	_ =	swait.ge [sflag:s3], $0x2000  }
0x188: {  	[sflag:s3] =	ssyncset.done $0x0  }
0x189: {  	[sflag:s3] =	ssyncadd.s32 $0xFFFFE000  }
0x18a: {  	s6 =	rddreg [dreg:$0xb]  }
0x18b: {  	[tilespmem:s31], [sflag:$0x3] =	stream.strided.gather [hbm4b:s6+s20], $0x18700, s25, s20, $0x38;
	[tilespmem:$0x1E700] =	vst v63  }
0x18c: {  	_ =	swait.ge [sflag:s15], $0x18700  }
0x18d: {  	s7 =	simm.s32 $0x40;
	[sflag:s15] =	ssyncset.done $0x0  }
0x18e: {  	s8 =	simm.s32 $0x1C740;
	s6 =	simm.s32 $0xFFFFFFF8;
	[sflag:s15] =	ssyncadd.s32 $0xFFFE7900  }
.LBB2_23:
0x18f: {  	v0 =	vld [tilespmem:s7+$0xFFFFFFC0];
	_ =	sdelay $0x7  }
0x190: {  	v0 =	vld.idx.msk [tilespmem:v0+s31+$0x0], $0xffff;
	_ =	sdelay $0x4  }
0x191: {  	[tilespmem:s8+$0xFFFFFFC0] =	vst v0  }
0x192: {  	v0 =	vld [tilespmem:s7+$0xFFFFFFD0];
	_ =	sdelay $0x7  }
0x193: {  	v0 =	vld.idx.msk [tilespmem:v0+s31+$0x0], $0xffff;
	_ =	sdelay $0x4  }
0x194: {  	[tilespmem:s8+$0xFFFFFFD0] =	vst v0  }
0x195: {  	v0 =	vld [tilespmem:s7+$0xFFFFFFE0];
	_ =	sdelay $0x7  }
0x196: {  	v0 =	vld.idx.msk [tilespmem:v0+s31+$0x0], $0xffff;
	_ =	sdelay $0x4  }
0x197: {  	[tilespmem:s8+$0xFFFFFFE0] =	vst v0  }
0x198: {  	v0 =	vld [tilespmem:s7+$0xFFFFFFF0];
	_ =	sdelay $0x7  }
0x199: {  	v0 =	vld.idx.msk [tilespmem:v0+s31+$0x0], $0xffff;
	_ =	sdelay $0x4  }
0x19a: {  	[tilespmem:s8+$0xFFFFFFF0] =	vst v0  }
0x19b: {  	v0 =	vld [tilespmem:s7+$0x0];
	_ =	sdelay $0x7  }
0x19c: {  	v0 =	vld.idx.msk [tilespmem:v0+s31+$0x0], $0xffff;
	_ =	sdelay $0x4  }
0x19d: {  	[tilespmem:s8+$0x0] =	vst v0  }
0x19e: {  	v0 =	vld [tilespmem:s7+$0x10];
	_ =	sdelay $0x7  }
0x19f: {  	v0 =	vld.idx.msk [tilespmem:v0+s31+$0x0], $0xffff;
	_ =	sdelay $0x4  }
0x1a0: {  	[tilespmem:s8+$0x10] =	vst v0  }
0x1a1: {  	v0 =	vld [tilespmem:s7+$0x20];
	_ =	sdelay $0x7  }
0x1a2: {  	v0 =	vld.idx.msk [tilespmem:v0+s31+$0x0], $0xffff;
	_ =	sdelay $0x4  }
0x1a3: {  	[tilespmem:s8+$0x20] =	vst v0  }
0x1a4: {  	v0 =	vld [tilespmem:s7+$0x30];
	_ =	sdelay $0x6  }
0x1a5: {  	s6 =	sadd.s32 $0x8, s6  }
0x1a6: {  	p3 =	slt.u32 s6, $0x1F8;
	v0 =	vld.idx.msk [tilespmem:v0+s31+$0x0], $0xffff  }
.Ltmp13:
0x1a7: {  	_ = 	snop;
	(pc) =	sbr.rel @p3 .LBB2_23-.Ltmp13, $2  }
0x1a8: {  	_ =	sdelay $0x2  }
0x1a9: {  	s7 =	sadd.s32 $0x80, s7;
	[tilespmem:s8+$0x30] =	vst v0;
	s8 =	sadd.s32 $0x80, s8  }
0x1aa: {  	s6 =	rddreg [dreg:$0xe]  }
0x1ab: {  	[hbm4b:s6+s20] =	stream.strided.scatter [tilespmem:s1], [sflag:$0x2], $0x2000, s25, s20, $0x38;
	[tilespmem:$0x1E700] =	vst v63  }
.LBB2_25:
0x1ac: {  	_ =	swait.ge [sflag:s2], $0x2000  }
0x1ad: {  	[sflag:s2] =	ssyncset.done $0x0  }
0x1ae: {  	[sflag:s2] =	ssyncadd.s32 $0xFFFFE000  }
0x1af: {  	[tilespmem:s31], [sflag:$0x3] =	stream.strided.gather [hbm4b:s11+s20], $0x18700, s25, s20, $0x38;
	[tilespmem:$0x1E700] =	vst v63  }
0x1b0: {  	_ =	swait.ge [sflag:s15], $0x18700  }
0x1b1: {  	s6 =	simm.s32 $0xFFFFFFF8;
	[sflag:s15] =	ssyncset.done $0x0  }
0x1b2: {  	s7 =	simm.s32 $0x40;
	s8 =	simm.s32 $0x1A740;
	[sflag:s15] =	ssyncadd.s32 $0xFFFE7900  }
.LBB2_26:
0x1b3: {  	v0 =	vld [tilespmem:s7+$0xFFFFFFC0];
	_ =	sdelay $0x7  }
0x1b4: {  	v0 =	vld.idx.msk [tilespmem:v0+s31+$0x0], $0xffff;
	_ =	sdelay $0x4  }
0x1b5: {  	[tilespmem:s8+$0xFFFFFFC0] =	vst v0  }
0x1b6: {  	v0 =	vld [tilespmem:s7+$0xFFFFFFD0];
	_ =	sdelay $0x7  }
0x1b7: {  	v0 =	vld.idx.msk [tilespmem:v0+s31+$0x0], $0xffff;
	_ =	sdelay $0x4  }
0x1b8: {  	[tilespmem:s8+$0xFFFFFFD0] =	vst v0  }
0x1b9: {  	v0 =	vld [tilespmem:s7+$0xFFFFFFE0];
	_ =	sdelay $0x7  }
0x1ba: {  	v0 =	vld.idx.msk [tilespmem:v0+s31+$0x0], $0xffff;
	_ =	sdelay $0x4  }
0x1bb: {  	[tilespmem:s8+$0xFFFFFFE0] =	vst v0  }
0x1bc: {  	v0 =	vld [tilespmem:s7+$0xFFFFFFF0];
	_ =	sdelay $0x7  }
0x1bd: {  	v0 =	vld.idx.msk [tilespmem:v0+s31+$0x0], $0xffff;
	_ =	sdelay $0x4  }
0x1be: {  	[tilespmem:s8+$0xFFFFFFF0] =	vst v0  }
0x1bf: {  	v0 =	vld [tilespmem:s7+$0x0];
	_ =	sdelay $0x7  }
0x1c0: {  	v0 =	vld.idx.msk [tilespmem:v0+s31+$0x0], $0xffff;
	_ =	sdelay $0x4  }
0x1c1: {  	[tilespmem:s8+$0x0] =	vst v0  }
0x1c2: {  	v0 =	vld [tilespmem:s7+$0x10];
	_ =	sdelay $0x7  }
0x1c3: {  	v0 =	vld.idx.msk [tilespmem:v0+s31+$0x0], $0xffff;
	_ =	sdelay $0x4  }
0x1c4: {  	[tilespmem:s8+$0x10] =	vst v0  }
0x1c5: {  	v0 =	vld [tilespmem:s7+$0x20];
	_ =	sdelay $0x7  }
0x1c6: {  	v0 =	vld.idx.msk [tilespmem:v0+s31+$0x0], $0xffff;
	_ =	sdelay $0x4  }
0x1c7: {  	[tilespmem:s8+$0x20] =	vst v0  }
0x1c8: {  	v0 =	vld [tilespmem:s7+$0x30];
	_ =	sdelay $0x6  }
0x1c9: {  	s6 =	sadd.s32 $0x8, s6  }
0x1ca: {  	p3 =	slt.u32 s6, $0x1F8;
	v0 =	vld.idx.msk [tilespmem:v0+s31+$0x0], $0xffff  }
.Ltmp14:
0x1cb: {  	_ = 	snop;
	(pc) =	sbr.rel @p3 .LBB2_26-.Ltmp14, $2  }
0x1cc: {  	_ =	sdelay $0x2  }
0x1cd: {  	s7 =	sadd.s32 $0x80, s7;
	[tilespmem:s8+$0x30] =	vst v0;
	s8 =	sadd.s32 $0x80, s8  }
0x1ce: {  	[hbm4b:s26+s20] =	stream.strided.scatter [tilespmem:s0], [sflag:$0x1], $0x2000, s25, s20, $0x38;
	[tilespmem:$0x1E700] =	vst v63  }
0x1cf: {  	s6 =	simm.s32 @!p1 $0x2  }
0x1d0: {  	_ =	swait.ge @!p1 [sflag:s6], $0x2000  }
0x1d1: {  	[sflag:s6] =	ssyncset.done @!p1 $0x0  }
0x1d2: {  	[sflag:s6] =	ssyncadd.s32 @!p1 $0xFFFFE000  }
0x1d3: {  	[tilespmem:s31], [sflag:$0x3] =	stream.strided.gather [hbm4b:s12+s20], $0x18700, s25, s20, $0x38;
	[tilespmem:$0x1E700] =	vst v63  }
0x1d4: {  	_ =	swait.ge [sflag:s15], $0x18700  }
0x1d5: {  	s7 =	simm.s32 $0x40;
	[sflag:s15] =	ssyncset.done $0x0  }
0x1d6: {  	s8 =	simm.s32 $0x1C740;
	s6 =	simm.s32 $0xFFFFFFF8;
	[sflag:s15] =	ssyncadd.s32 $0xFFFE7900  }
.LBB2_28:
0x1d7: {  	v0 =	vld [tilespmem:s7+$0xFFFFFFC0];
	_ =	sdelay $0x7  }
0x1d8: {  	v0 =	vld.idx.msk [tilespmem:v0+s31+$0x0], $0xffff;
	_ =	sdelay $0x4  }
0x1d9: {  	[tilespmem:s8+$0xFFFFFFC0] =	vst v0  }
0x1da: {  	v0 =	vld [tilespmem:s7+$0xFFFFFFD0];
	_ =	sdelay $0x7  }
0x1db: {  	v0 =	vld.idx.msk [tilespmem:v0+s31+$0x0], $0xffff;
	_ =	sdelay $0x4  }
0x1dc: {  	[tilespmem:s8+$0xFFFFFFD0] =	vst v0  }
0x1dd: {  	v0 =	vld [tilespmem:s7+$0xFFFFFFE0];
	_ =	sdelay $0x7  }
0x1de: {  	v0 =	vld.idx.msk [tilespmem:v0+s31+$0x0], $0xffff;
	_ =	sdelay $0x4  }
0x1df: {  	[tilespmem:s8+$0xFFFFFFE0] =	vst v0  }
0x1e0: {  	v0 =	vld [tilespmem:s7+$0xFFFFFFF0];
	_ =	sdelay $0x7  }
0x1e1: {  	v0 =	vld.idx.msk [tilespmem:v0+s31+$0x0], $0xffff;
	_ =	sdelay $0x4  }
0x1e2: {  	[tilespmem:s8+$0xFFFFFFF0] =	vst v0  }
0x1e3: {  	v0 =	vld [tilespmem:s7+$0x0];
	_ =	sdelay $0x7  }
0x1e4: {  	v0 =	vld.idx.msk [tilespmem:v0+s31+$0x0], $0xffff;
	_ =	sdelay $0x4  }
0x1e5: {  	[tilespmem:s8+$0x0] =	vst v0  }
0x1e6: {  	v0 =	vld [tilespmem:s7+$0x10];
	_ =	sdelay $0x7  }
0x1e7: {  	v0 =	vld.idx.msk [tilespmem:v0+s31+$0x0], $0xffff;
	_ =	sdelay $0x4  }
0x1e8: {  	[tilespmem:s8+$0x10] =	vst v0  }
0x1e9: {  	v0 =	vld [tilespmem:s7+$0x20];
	_ =	sdelay $0x7  }
0x1ea: {  	v0 =	vld.idx.msk [tilespmem:v0+s31+$0x0], $0xffff;
	_ =	sdelay $0x4  }
0x1eb: {  	[tilespmem:s8+$0x20] =	vst v0  }
0x1ec: {  	v0 =	vld [tilespmem:s7+$0x30];
	_ =	sdelay $0x6  }
0x1ed: {  	s6 =	sadd.s32 $0x8, s6  }
0x1ee: {  	p3 =	slt.u32 s6, $0x1F8;
	v0 =	vld.idx.msk [tilespmem:v0+s31+$0x0], $0xffff  }
.Ltmp15:
0x1ef: {  	_ = 	snop;
	(pc) =	sbr.rel @p3 .LBB2_28-.Ltmp15, $2  }
0x1f0: {  	_ =	sdelay $0x2  }
0x1f1: {  	s7 =	sadd.s32 $0x80, s7;
	[tilespmem:s8+$0x30] =	vst v0;
	s8 =	sadd.s32 $0x80, s8  }
0x1f2: {  	[hbm4b:s28+s20] =	stream.strided.scatter [tilespmem:s1], [sflag:$0x2], $0x2000, s25, s20, $0x38;
	[tilespmem:$0x1E700] =	vst v63  }
0x1f3: {  	_ =	swait.ge [sflag:s2], $0x2000  }
0x1f4: {  	[sflag:s2] =	ssyncset.done $0x0  }
0x1f5: {  	[sflag:s2] =	ssyncadd.s32 $0xFFFFE000  }
0x1f6: {  	[tilespmem:s31], [sflag:$0x3] =	stream.strided.gather [hbm4b:s13+s20], $0x18700, s25, s20, $0x38;
	[tilespmem:$0x1E700] =	vst v63  }
0x1f7: {  	_ =	swait.ge [sflag:s15], $0x18700  }
0x1f8: {  	s6 =	simm.s32 $0xFFFFFFF8;
	[sflag:s15] =	ssyncset.done $0x0  }
0x1f9: {  	s7 =	simm.s32 $0x40;
	s8 =	simm.s32 $0x1A740;
	[sflag:s15] =	ssyncadd.s32 $0xFFFE7900  }
.LBB2_30:
0x1fa: {  	v0 =	vld [tilespmem:s7+$0xFFFFFFC0];
	_ =	sdelay $0x7  }
0x1fb: {  	v0 =	vld.idx.msk [tilespmem:v0+s31+$0x0], $0xffff;
	_ =	sdelay $0x4  }
0x1fc: {  	[tilespmem:s8+$0xFFFFFFC0] =	vst v0  }
0x1fd: {  	v0 =	vld [tilespmem:s7+$0xFFFFFFD0];
	_ =	sdelay $0x7  }
0x1fe: {  	v0 =	vld.idx.msk [tilespmem:v0+s31+$0x0], $0xffff;
	_ =	sdelay $0x4  }
0x1ff: {  	[tilespmem:s8+$0xFFFFFFD0] =	vst v0  }
0x200: {  	v0 =	vld [tilespmem:s7+$0xFFFFFFE0];
	_ =	sdelay $0x7  }
0x201: {  	v0 =	vld.idx.msk [tilespmem:v0+s31+$0x0], $0xffff;
	_ =	sdelay $0x4  }
0x202: {  	[tilespmem:s8+$0xFFFFFFE0] =	vst v0  }
0x203: {  	v0 =	vld [tilespmem:s7+$0xFFFFFFF0];
	_ =	sdelay $0x7  }
0x204: {  	v0 =	vld.idx.msk [tilespmem:v0+s31+$0x0], $0xffff;
	_ =	sdelay $0x4  }
0x205: {  	[tilespmem:s8+$0xFFFFFFF0] =	vst v0  }
0x206: {  	v0 =	vld [tilespmem:s7+$0x0];
	_ =	sdelay $0x7  }
0x207: {  	v0 =	vld.idx.msk [tilespmem:v0+s31+$0x0], $0xffff;
	_ =	sdelay $0x4  }
0x208: {  	[tilespmem:s8+$0x0] =	vst v0  }
0x209: {  	v0 =	vld [tilespmem:s7+$0x10];
	_ =	sdelay $0x7  }
0x20a: {  	v0 =	vld.idx.msk [tilespmem:v0+s31+$0x0], $0xffff;
	_ =	sdelay $0x4  }
0x20b: {  	[tilespmem:s8+$0x10] =	vst v0  }
0x20c: {  	v0 =	vld [tilespmem:s7+$0x20];
	_ =	sdelay $0x7  }
0x20d: {  	v0 =	vld.idx.msk [tilespmem:v0+s31+$0x0], $0xffff;
	_ =	sdelay $0x4  }
0x20e: {  	[tilespmem:s8+$0x20] =	vst v0  }
0x20f: {  	v0 =	vld [tilespmem:s7+$0x30];
	_ =	sdelay $0x6  }
0x210: {  	s6 =	sadd.s32 $0x8, s6  }
0x211: {  	p3 =	slt.u32 s6, $0x1F8;
	v0 =	vld.idx.msk [tilespmem:v0+s31+$0x0], $0xffff  }
.Ltmp16:
0x212: {  	_ = 	snop;
	(pc) =	sbr.rel @p3 .LBB2_30-.Ltmp16, $2  }
0x213: {  	_ =	sdelay $0x2  }
0x214: {  	s7 =	sadd.s32 $0x80, s7;
	[tilespmem:s8+$0x30] =	vst v0;
	s8 =	sadd.s32 $0x80, s8  }
0x215: {  	[hbm4b:s29+s20] =	stream.strided.scatter [tilespmem:s0], [sflag:$0x1], $0x2000, s25, s20, $0x38;
	[tilespmem:$0x1E700] =	vst v63  }
0x216: {  	_ =	swait.ge [sflag:s3], $0x2000  }
0x217: {  	[sflag:s3] =	ssyncset.done $0x0  }
0x218: {  	[sflag:s3] =	ssyncadd.s32 $0xFFFFE000  }
0x219: {  	[tilespmem:s31], [sflag:$0x3] =	stream.strided.gather [hbm4b:s14+s20], $0x18700, s25, s20, $0x38;
	[tilespmem:$0x1E700] =	vst v63  }
0x21a: {  	_ =	swait.ge [sflag:s15], $0x18700  }
0x21b: {  	s6 =	simm.s32 $0xFFFFFFF8;
	[sflag:s15] =	ssyncset.done $0x0  }
0x21c: {  	s7 =	simm.s32 $0x40;
	s8 =	simm.s32 $0x1C740;
	[sflag:s15] =	ssyncadd.s32 $0xFFFE7900  }
.LBB2_32:
0x21d: {  	v0 =	vld [tilespmem:s7+$0xFFFFFFC0];
	_ =	sdelay $0x7  }
0x21e: {  	v0 =	vld.idx.msk [tilespmem:v0+s31+$0x0], $0xffff;
	_ =	sdelay $0x4  }
0x21f: {  	[tilespmem:s8+$0xFFFFFFC0] =	vst v0  }
0x220: {  	v0 =	vld [tilespmem:s7+$0xFFFFFFD0];
	_ =	sdelay $0x7  }
0x221: {  	v0 =	vld.idx.msk [tilespmem:v0+s31+$0x0], $0xffff;
	_ =	sdelay $0x4  }
0x222: {  	[tilespmem:s8+$0xFFFFFFD0] =	vst v0  }
0x223: {  	v0 =	vld [tilespmem:s7+$0xFFFFFFE0];
	_ =	sdelay $0x7  }
0x224: {  	v0 =	vld.idx.msk [tilespmem:v0+s31+$0x0], $0xffff;
	_ =	sdelay $0x4  }
0x225: {  	[tilespmem:s8+$0xFFFFFFE0] =	vst v0  }
0x226: {  	v0 =	vld [tilespmem:s7+$0xFFFFFFF0];
	_ =	sdelay $0x7  }
0x227: {  	v0 =	vld.idx.msk [tilespmem:v0+s31+$0x0], $0xffff;
	_ =	sdelay $0x4  }
0x228: {  	[tilespmem:s8+$0xFFFFFFF0] =	vst v0  }
0x229: {  	v0 =	vld [tilespmem:s7+$0x0];
	_ =	sdelay $0x7  }
0x22a: {  	v0 =	vld.idx.msk [tilespmem:v0+s31+$0x0], $0xffff;
	_ =	sdelay $0x4  }
0x22b: {  	[tilespmem:s8+$0x0] =	vst v0  }
0x22c: {  	v0 =	vld [tilespmem:s7+$0x10];
	_ =	sdelay $0x7  }
0x22d: {  	v0 =	vld.idx.msk [tilespmem:v0+s31+$0x0], $0xffff;
	_ =	sdelay $0x4  }
0x22e: {  	[tilespmem:s8+$0x10] =	vst v0  }
0x22f: {  	v0 =	vld [tilespmem:s7+$0x20];
	_ =	sdelay $0x7  }
0x230: {  	v0 =	vld.idx.msk [tilespmem:v0+s31+$0x0], $0xffff;
	_ =	sdelay $0x4  }
0x231: {  	[tilespmem:s8+$0x20] =	vst v0  }
0x232: {  	v0 =	vld [tilespmem:s7+$0x30];
	_ =	sdelay $0x6  }
0x233: {  	s6 =	sadd.s32 $0x8, s6  }
0x234: {  	p3 =	slt.u32 s6, $0x1F8;
	v0 =	vld.idx.msk [tilespmem:v0+s31+$0x0], $0xffff  }
.Ltmp17:
0x235: {  	_ = 	snop;
	(pc) =	sbr.rel @p3 .LBB2_32-.Ltmp17, $2  }
0x236: {  	_ =	sdelay $0x2  }
0x237: {  	s7 =	sadd.s32 $0x80, s7;
	[tilespmem:s8+$0x30] =	vst v0;
	s8 =	sadd.s32 $0x80, s8  }
.Ltmp18:
0x238: {  	(pc) =	sbr.rel @p2 .LBB2_37-.Ltmp18, $4  }
0x239: {  	[hbm4b:s30+s20] =	stream.strided.scatter [tilespmem:s1], [sflag:$0x2], $0x2000, s25, s20, $0x38;
	[tilespmem:$0x1E700] =	vst v63  }
0x23a: {  	_ =	swait.ge [sflag:s2], $0x2000  }
0x23b: {  	[sflag:s2] =	ssyncset.done $0x0  }
0x23c: {  	[sflag:s2] =	ssyncadd.s32 $0xFFFFE000  }
0x23d: {  	s6 =	rddreg [dreg:$0xc]  }
0x23e: {  	[tilespmem:s31], [sflag:$0x3] =	stream.strided.gather [hbm4b:s6+s20], $0x18700, s25, s20, $0x38;
	[tilespmem:$0x1E700] =	vst v63  }
0x23f: {  	_ =	swait.ge [sflag:s15], $0x18700  }
0x240: {  	s7 =	simm.s32 $0x40;
	[sflag:s15] =	ssyncset.done $0x0  }
0x241: {  	s8 =	simm.s32 $0x1A740;
	s6 =	simm.s32 $0xFFFFFFF8;
	[sflag:s15] =	ssyncadd.s32 $0xFFFE7900  }
.LBB2_35:
0x242: {  	v0 =	vld [tilespmem:s7+$0xFFFFFFC0];
	_ =	sdelay $0x7  }
0x243: {  	v0 =	vld.idx.msk [tilespmem:v0+s31+$0x0], $0xffff;
	_ =	sdelay $0x4  }
0x244: {  	[tilespmem:s8+$0xFFFFFFC0] =	vst v0  }
0x245: {  	v0 =	vld [tilespmem:s7+$0xFFFFFFD0];
	_ =	sdelay $0x7  }
0x246: {  	v0 =	vld.idx.msk [tilespmem:v0+s31+$0x0], $0xffff;
	_ =	sdelay $0x4  }
0x247: {  	[tilespmem:s8+$0xFFFFFFD0] =	vst v0  }
0x248: {  	v0 =	vld [tilespmem:s7+$0xFFFFFFE0];
	_ =	sdelay $0x7  }
0x249: {  	v0 =	vld.idx.msk [tilespmem:v0+s31+$0x0], $0xffff;
	_ =	sdelay $0x4  }
0x24a: {  	[tilespmem:s8+$0xFFFFFFE0] =	vst v0  }
0x24b: {  	v0 =	vld [tilespmem:s7+$0xFFFFFFF0];
	_ =	sdelay $0x7  }
0x24c: {  	v0 =	vld.idx.msk [tilespmem:v0+s31+$0x0], $0xffff;
	_ =	sdelay $0x4  }
0x24d: {  	[tilespmem:s8+$0xFFFFFFF0] =	vst v0  }
0x24e: {  	v0 =	vld [tilespmem:s7+$0x0];
	_ =	sdelay $0x7  }
0x24f: {  	v0 =	vld.idx.msk [tilespmem:v0+s31+$0x0], $0xffff;
	_ =	sdelay $0x4  }
0x250: {  	[tilespmem:s8+$0x0] =	vst v0  }
0x251: {  	v0 =	vld [tilespmem:s7+$0x10];
	_ =	sdelay $0x7  }
0x252: {  	v0 =	vld.idx.msk [tilespmem:v0+s31+$0x0], $0xffff;
	_ =	sdelay $0x4  }
0x253: {  	[tilespmem:s8+$0x10] =	vst v0  }
0x254: {  	v0 =	vld [tilespmem:s7+$0x20];
	_ =	sdelay $0x7  }
0x255: {  	v0 =	vld.idx.msk [tilespmem:v0+s31+$0x0], $0xffff;
	_ =	sdelay $0x4  }
0x256: {  	[tilespmem:s8+$0x20] =	vst v0  }
0x257: {  	v0 =	vld [tilespmem:s7+$0x30];
	_ =	sdelay $0x6  }
0x258: {  	s6 =	sadd.s32 $0x8, s6  }
0x259: {  	p3 =	slt.u32 s6, $0x1F8;
	v0 =	vld.idx.msk [tilespmem:v0+s31+$0x0], $0xffff  }
.Ltmp19:
0x25a: {  	_ = 	snop;
	(pc) =	sbr.rel @p3 .LBB2_35-.Ltmp19, $2  }
0x25b: {  	_ =	sdelay $0x2  }
0x25c: {  	s7 =	sadd.s32 $0x80, s7;
	[tilespmem:s8+$0x30] =	vst v0;
	s8 =	sadd.s32 $0x80, s8  }
.Ltmp20:
0x25d: {  	s6 =	rddreg [dreg:$0xf];
	(pc) =	sbr.rel .LBB2_37-.Ltmp20, $4  }
0x25e: {  	[hbm4b:s6+s20] =	stream.strided.scatter [tilespmem:s0], [sflag:$0x1], $0x2000, s25, s20, $0x38;
	[tilespmem:$0x1E700] =	vst v63  }
0x25f: {  	_ =	swait.ge [sflag:s2], $0x2000  }
0x260: {  	[sflag:s2] =	ssyncset.done $0x0  }
0x261: {  	[sflag:s2] =	ssyncadd.s32 $0xFFFFE000  }
.LBB2_38:
0x262: {  	_ =	sfence.sel $0x180000  }
0x263: {  	[bflag:$0x0] =	sbarrier.arrive $0xFFFF  }
0x264: {  	_ =	strace $0x90000047  }
0x265: {  	s0 =	stileid.u32;
	[bflag:$0x2] =	sbarrier.arrive $0xFFFF  }
0x266: {  	p0 =	sne.s32 s0, $0x0;
	s0 =	rddreg [dreg:$0x2]  }
0x267: {  	s0 =	sadd.s32 @!p0 $0x100000, s0  }
0x268: {  	[sflag:s0] =	ssyncadd.tile.s32 @!p0 $0x1;
	_ =	shalt  }
.Lfunc_end2:
_tile_overlayer_lowered:
.L_overlay_start_2:
0x269: {  	(tag) =	ssettag $0x2  }
0x26a: {  	s0 =	rddreg [dreg:$0x0];
	s2 =	stileid.u32  }
0x26b: {  	s1 =	rddreg [dreg:$0x1];
	p0 =	sne.s32 s2, $0x0  }
0x26c: {  	s3 =	rddreg [dreg:$0x2];
	[bflag:$0x3] =	sbarrier.arrive $0xFFFF;
	s2 =	simm.s32 @!p0 $0x1C03  }
0x26d: {  	[timem:s3], [sflag:s2] =	dma.local @!p0 [hbm:s0], s1  }
0x26e: {  	s0 =	simm.s32 @!p0 $0x3  }
0x26f: {  	_ =	swait.ge @!p0 [sflag:s0], s1  }
0x270: {  	s1 =	ssub.s32 @!p0 $0x0, s1;
	[sflag:s0] =	ssyncset.done @!p0 $0x0  }
0x271: {  	[sflag:s0] =	ssyncadd.s32 @!p0 s1  }
0x272: {  	[bflag:$0x3] =	sbarrier.arrive $0xFFFF  }
0x273: {  	_ =	shalt  }

</sc_bundles>
